<compile_context>
chip_gen: v7x
topology: tpu7x:2x2x1
jax: 0.10.2.dev20260603
libtpu: 0.0.44.dev20260713+nightly
codegen_flags: <defaults>
</compile_context>

<pallas_src>
import functools

import jax
import jax.numpy as jnp
import numpy as np
from jax import lax
from jax.experimental import pallas as pl
from jax.experimental.pallas import tpu as pltpu
from jax.experimental.pallas import tpu_sc as plsc

B = 4096
D = 64
K = 64
NN = 64
L = 20


_ROTS = ((13, 15, 26, 6), (17, 29, 16, 24))


def _np_threefry(k0, k1, x0, x1):
    def rotl(x, d):
        return ((x << np.uint32(d)) | (x >> np.uint32(32 - d))).astype(np.uint32)

    k0 = np.uint32(k0)
    k1 = np.uint32(k1)
    ks = [k0, k1, np.uint32(k0 ^ k1 ^ np.uint32(0x1BD11BDA))]
    x0 = (x0 + k0).astype(np.uint32)
    x1 = (x1 + k1).astype(np.uint32)
    for r in range(5):
        for rot in _ROTS[r % 2]:
            x0 = (x0 + x1).astype(np.uint32)
            x1 = rotl(x1, rot)
            x1 = (x1 ^ x0).astype(np.uint32)
        x0 = (x0 + ks[(r + 1) % 3]).astype(np.uint32)
        x1 = (x1 + ks[(r + 2) % 3] + np.uint32(r + 1)).astype(np.uint32)
    return x0, x1


def _fold(key, data):
    o0, o1 = _np_threefry(key[0], key[1], np.uint32([0]), np.uint32([data]))
    return (int(o0[0]), int(o1[0]))


_BASE_KEY = (0, 42)
_KEY_G0 = _fold(_BASE_KEY, 0)
_KEY_G1 = _fold(_BASE_KEY, 1)
_KEY_U = _fold(_BASE_KEY, 2)

_TINY = np.float32(np.finfo(np.float32).tiny)


def _i32(x):
    return np.int32(np.uint32(x & 0xFFFFFFFF).view(np.int32))


def _tf_bits(key, ctr):
    k0 = _i32(key[0])
    k1 = _i32(key[1])
    ks2 = _i32(key[0] ^ key[1] ^ 0x1BD11BDA)
    ks = [k0, k1, ks2]

    def rotl(x, d):
        return lax.shift_left(x, np.int32(d)) | lax.shift_right_logical(
            x, np.int32(32 - d)
        )

    x1 = ctr + k1
    x0 = x1 + k0
    first = True
    for r in range(5):
        for rot in _ROTS[r % 2]:
            if first:
                first = False
            else:
                x0 = x0 + x1
            x1 = rotl(x1, rot)
            x1 = x1 ^ x0
        x0 = x0 + ks[(r + 1) % 3]
        x1 = x1 + ks[(r + 2) % 3] + np.int32(r + 1)
    return x0 ^ x1


def _bits_to_u01(bits):
    fb = lax.shift_right_logical(bits, np.int32(9)) | np.int32(0x3F800000)
    return lax.bitcast_convert_type(fb, jnp.float32) - np.float32(1.0)


def _gumbel_from_bits(bits):
    u = jnp.maximum(_bits_to_u01(bits), _TINY)
    return -jnp.log(-jnp.log(u))



BH = B // 2
R = 128
NLANES = R * NN
GRID = BH // R


def _dot(a, b, dims, precision=None):
    return lax.dot_general(a, b, (dims, ((), ())),
                           preferred_element_type=jnp.float32,
                           precision=precision)


def _dot_x(a, b, dims):
    return _dot(a, b, dims, precision=lax.Precision.HIGHEST)


def _tc_body(half, q_ref, c0_ref, c1_ref, c0p_ref, c1p_ref, wkk_ref,
             k01_ref, u_ref, rr_ref, w0_ref, w1_ref):
    i = pl.program_id(0) + np.int32(half * GRID)
    q = q_ref[...]
    q0 = q[:, :32]
    q1 = q[:, 32:]
    r0 = _dot(q0, c0_ref[...], ((1,), (1,)))
    r1 = _dot(q1, c1_ref[...], ((1,), (1,)))

    def softmax(x):
        m = jnp.max(x, axis=-1, keepdims=True)
        e = jnp.exp(x - m)
        return e / jnp.sum(e, axis=-1, keepdims=True)

    r0s = softmax(r0)
    r1s = softmax(r1)
    wkk = wkk_ref[...]
    s0 = _dot(r1s, wkk, ((1,), (1,))) * r0s
    logits0 = jnp.where(s0 > 0, jnp.log(jnp.maximum(s0, 1e-30)), -1e30)
    logits0T = logits0.T
    r1sT = r1s.T
    rr_ref[...] = jnp.concatenate([r0, r1], axis=1)

    lane_b = lax.shift_right_logical(
        lax.broadcasted_iota(jnp.int32, (R, NLANES), 1), np.int32(6)
    )
    row_r = lax.broadcasted_iota(jnp.int32, (R, NLANES), 0)
    E = jnp.where(lane_b == row_r, np.float32(1.0), np.float32(0.0))

    Ltile = _dot_x(logits0T, E, ((1,), (0,)))
    r1sTile = _dot_x(r1sT, E, ((1,), (0,)))

    lane_row = lax.broadcasted_iota(jnp.int32, (1, NLANES), 1)
    kio_col = lax.broadcasted_iota(jnp.int32, (K, 1), 0)
    kio = lax.broadcasted_iota(jnp.int32, (K, NLANES), 0)
    ctr = (kio_col + i * np.int32(NLANES * K)) + lax.shift_left(lane_row, np.int32(6))

    g0 = _gumbel_from_bits(_tf_bits(_KEY_G0, ctr))
    t0 = Ltile + g0
    m0 = jnp.max(t0, axis=0, keepdims=True)
    k0 = jnp.min(jnp.where(t0 == m0, kio, np.int32(K)), axis=0, keepdims=True)

    oh0 = jnp.where(kio == k0, np.float32(1.0), np.float32(0.0))
    subwkkT = _dot_x(wkk, oh0, ((0,), (0,)))
    s1T = subwkkT * r1sTile
    g1 = _gumbel_from_bits(_tf_bits(_KEY_G1, ctr))
    t1 = jnp.where(s1T > 0, jnp.log(jnp.maximum(s1T, 1e-30)), -1e30) + g1
    m1 = jnp.max(t1, axis=0, keepdims=True)
    k1 = jnp.min(jnp.where(t1 == m1, kio, np.int32(K)), axis=0, keepdims=True)
    k01_ref[...] = k0 * np.int32(K) + k1

    ctr2 = i * np.int32(NLANES) + lax.broadcasted_iota(jnp.int32, (1, NLANES), 1)
    u01 = _bits_to_u01(_tf_bits(_KEY_U, ctr2))
    u_ref[...] = jnp.maximum(np.float32(0.0), u01)

    w0_ref[...] = _dot(q0, c0p_ref[...], ((1,), (1,)))
    w1_ref[...] = _dot(q1, c1p_ref[...], ((1,), (1,)))


def _tc_sample(query, c0, c1, c0_, c1_, wkk, half):
    full = lambda s: pl.BlockSpec(s, lambda i: (0, 0))
    return pl.pallas_call(
        functools.partial(_tc_body, half),
        grid=(GRID,),
        in_specs=[
            pl.BlockSpec((R, D), lambda i: (i, 0)),
            full((K, 32)),
            full((K, 32)),
            full((2 * K, 32)),
            full((2 * K, 32)),
            full((K, K)),
        ],
        out_specs=[
            pl.BlockSpec((1, NLANES), lambda i: (0, i)),
            pl.BlockSpec((1, NLANES), lambda i: (0, i)),
            pl.BlockSpec((R, 2 * K), lambda i: (i, 0)),
            pl.BlockSpec((R, 2 * K), lambda i: (i, 0)),
            pl.BlockSpec((R, 2 * K), lambda i: (i, 0)),
        ],
        out_shape=[
            jax.ShapeDtypeStruct((1, BH * NN), jnp.int32),
            jax.ShapeDtypeStruct((1, BH * NN), jnp.float32),
            jax.ShapeDtypeStruct((BH, 2 * K), jnp.float32),
            jax.ShapeDtypeStruct((BH, 2 * K), jnp.float32),
            jax.ShapeDtypeStruct((BH, 2 * K), jnp.float32),
        ],
    )(query, c0, c1,
      jnp.pad(c0_, ((0, K - 1), (0, 0))),
      jnp.pad(c1_, ((0, K - 1), (0, 0))),
      wkk)



NC = 2
NS = 16
NW = NC * NS
NEG_T = BH * NN
POS_T = BH * L
NEG_W = NEG_T // NW
POS_W = POS_T // NW
CH = 128
NEG_CH = NEG_W // CH
POS_CH = POS_W // CH
VPC = CH // 16


def _sc_body(k01_hbm, u_hbm, iptr_hbm, items_hbm, pos_hbm, cd0_hbm, cd1_hbm,
             w0_hbm, w1_hbm, rr_hbm,
             neg_out, negp_out, pp_out,
             k01_v, u_v, iptr_v, idx_v, idxb_v, idxc_v, rows_v, p0r_v, p1r_v,
             pi_v, kp_v, kp2_v, fi_v, fi2_v, wr_v, wr2_v,
             sem):
    wid = lax.axis_index("s") * NC + lax.axis_index("c")
    nbase = wid * NEG_W
    pbase = wid * POS_W

    pltpu.sync_copy(k01_hbm.at[pl.ds(nbase, NEG_W)], k01_v)
    pltpu.sync_copy(u_hbm.at[pl.ds(nbase, NEG_W)], u_v)
    pltpu.sync_copy(iptr_hbm, iptr_v)
    pltpu.sync_copy(pos_hbm.at[wid], pi_v)

    def neg_idx_body(j, carry):
        sl = pl.ds(j * 16, 16)
        row = j // VPC
        col = pl.ds((j % VPC) * 16, 16)
        k01 = k01_v[sl]
        s = plsc.load_gather(iptr_v, [k01])
        e = plsc.load_gather(iptr_v, [k01 + 1])
        ii = ((e - s).astype(jnp.float32) * u_v[sl]).astype(jnp.int32)
        idx_v[row, col] = ii + s
        bn = nbase + j * 16 + lax.iota(jnp.int32, 16)
        brow = lax.shift_left(lax.shift_right_logical(bn, 6), 7)
        idxb_v[row, col] = brow + lax.shift_right_logical(k01, 6)
        idxc_v[row, col] = brow + np.int32(K) + (k01 & np.int32(63))
        return carry

    lax.fori_loop(0, NEG_W // 16, neg_idx_body, 0)

    def neg_fire(j, carry):
        sl = pl.ds(j * CH, CH)
        pltpu.async_copy(items_hbm.at[idx_v.at[j]], rows_v.at[sl], sem)
        pltpu.async_copy(rr_hbm.at[idxb_v.at[j]], p0r_v.at[sl], sem)
        pltpu.async_copy(rr_hbm.at[idxc_v.at[j]], p1r_v.at[sl], sem)
        return carry

    lax.fori_loop(0, NEG_CH, neg_fire, 0)

    def cd_fire(j, carry):
        sl = pl.ds(j * CH, CH)
        pltpu.async_copy(cd0_hbm.at[pi_v.at[j]], kp_v.at[sl], sem)
        pltpu.async_copy(cd1_hbm.at[pi_v.at[j]], kp2_v.at[sl], sem)
        return carry

    lax.fori_loop(0, POS_CH, cd_fire, 0)

    pltpu.make_async_copy(items_hbm.at[pl.ds(0, NEG_W)], rows_v, sem).wait()
    pltpu.make_async_copy(rr_hbm.at[pl.ds(0, NEG_W)], p0r_v, sem).wait()
    pltpu.make_async_copy(rr_hbm.at[pl.ds(0, NEG_W)], p1r_v, sem).wait()
    pltpu.make_async_copy(cd0_hbm.at[pl.ds(0, POS_W)], kp_v, sem).wait()
    pltpu.make_async_copy(cd0_hbm.at[pl.ds(0, POS_W)], kp2_v, sem).wait()

    def pos_idx_body(j, carry):
        sl = pl.ds(j * 16, 16)
        gi = pbase + j * 16 + lax.iota(jnp.int32, 16)
        b = lax.div(gi, np.int32(L))
        row = j // VPC
        col = pl.ds((j % VPC) * 16, 16)
        fi_v[row, col] = b * np.int32(128) + kp_v[sl]
        fi2_v[row, col] = b * np.int32(128) + kp2_v[sl]
        return carry

    lax.fori_loop(0, POS_W // 16, pos_idx_body, 0)

    def w_fire(j, carry):
        sl = pl.ds(j * CH, CH)
        pltpu.async_copy(w0_hbm.at[fi_v.at[j]], wr_v.at[sl], sem)
        pltpu.async_copy(w1_hbm.at[fi2_v.at[j]], wr2_v.at[sl], sem)
        return carry

    lax.fori_loop(0, POS_CH, w_fire, 0)

    def neg_fin_body(j, carry):
        sl = pl.ds(j * 16, 16)
        rows_v[sl] = rows_v[sl] + 1
        p0r_v[sl] = p0r_v[sl] + p1r_v[sl]
        return carry

    lax.fori_loop(0, NEG_W // 16, neg_fin_body, 0)
    pltpu.sync_copy(rows_v, neg_out.at[pl.ds(nbase, NEG_W)])
    pltpu.sync_copy(p0r_v, negp_out.at[pl.ds(nbase, NEG_W)])

    pltpu.make_async_copy(w0_hbm.at[pl.ds(0, POS_W)], wr_v, sem).wait()
    pltpu.make_async_copy(w0_hbm.at[pl.ds(0, POS_W)], wr2_v, sem).wait()

    def pp_body(j, carry):
        sl = pl.ds(j * 16, 16)
        wr_v[sl] = wr_v[sl] + wr2_v[sl]
        return carry

    lax.fori_loop(0, POS_W // 16, pp_body, 0)
    pltpu.sync_copy(wr_v, pp_out.at[pl.ds(pbase, POS_W)])


def _sc_gather(k01_flat, u_flat, indptr, indices, pos_flat, cd0, cd1, w0f, w1f,
               rrf):
    mesh = plsc.VectorSubcoreMesh(core_axis_name="c", subcore_axis_name="s")
    fn = pl.kernel(
        _sc_body,
        out_type=(
            jax.ShapeDtypeStruct((NEG_T,), jnp.int32),
            jax.ShapeDtypeStruct((NEG_T,), jnp.float32),
            jax.ShapeDtypeStruct((POS_T,), jnp.float32),
        ),
        mesh=mesh,
        scratch_types=[
            pltpu.VMEM((NEG_W,), jnp.int32),
            pltpu.VMEM((NEG_W,), jnp.float32),
            pltpu.VMEM((K * K + 1,), jnp.int32),
            pltpu.VMEM((NEG_CH, CH), jnp.int32),
            pltpu.VMEM((NEG_CH, CH), jnp.int32),
            pltpu.VMEM((NEG_CH, CH), jnp.int32),
            pltpu.VMEM((NEG_W,), jnp.int32),
            pltpu.VMEM((NEG_W,), jnp.float32),
            pltpu.VMEM((NEG_W,), jnp.float32),
            pltpu.VMEM((POS_CH, CH), jnp.int32),
            pltpu.VMEM((POS_W,), jnp.int32),
            pltpu.VMEM((POS_W,), jnp.int32),
            pltpu.VMEM((POS_CH, CH), jnp.int32),
            pltpu.VMEM((POS_CH, CH), jnp.int32),
            pltpu.VMEM((POS_W,), jnp.float32),
            pltpu.VMEM((POS_W,), jnp.float32),
            pltpu.SemaphoreType.DMA,
        ],
        compiler_params=pltpu.CompilerParams(needs_layout_passes=False),
    )
    return fn(k01_flat, u_flat, indptr, indices, pos_flat, cd0, cd1, w0f, w1f,
              rrf)




def kernel(query, pos_items, c0, c1, c0_, c1_, wkk, indices, indptr, cd0, cd1):
    indptr = indptr.astype(jnp.int32)
    indices = indices.astype(jnp.int32)
    cd0 = cd0.astype(jnp.int32)
    cd1 = cd1.astype(jnp.int32)
    pp, neg, negp = [], [], []
    for h in (0, 1):
        k01, u, rr, w0, w1 = _tc_sample(
            query[h * BH:(h + 1) * BH], c0, c1, c0_, c1_, wkk, h)
        neg_h, negp_h, pp_h = _sc_gather(
            k01.reshape(-1),
            u.reshape(-1),
            indptr,
            indices,
            pos_items[h * BH:(h + 1) * BH].reshape(NW, POS_CH, CH).astype(jnp.int32),
            cd0,
            cd1,
            w0.reshape(-1),
            w1.reshape(-1),
            rr.reshape(-1),
        )
        pp.append(pp_h.reshape(BH, L))
        neg.append(neg_h.reshape(BH, NN))
        negp.append(negp_h.reshape(BH, NN))
    pos_prob = jnp.concatenate(pp, axis=0)
    neg_items = jnp.concatenate(neg, axis=0)
    neg_prob = jnp.concatenate(negp, axis=0)
    return (pos_prob, neg_items, neg_prob)

# --- scband reference (transcript-rebuilt; emitter-appended) ---
"""Pipeline reference for scband-midx-uniform-21861383536935 (READ-ONLY COPY).

The authoritative reference and input builder live on the scoring server;
editing this copy changes nothing except your own understanding.
"""

import jax, jax.numpy as jnp
import numpy as np

NUM_ITEMS = 100000
D = 64
K = 64
NUM_NEG = 64
B = 4096
L = 20


def _kmeans_np(X, K, iters=6, seed=0):
    rng = np.random.RandomState(seed)
    N = X.shape[0]
    C = X[rng.permutation(N)[:K]].copy()
    assign = np.zeros(N, dtype=np.int64)
    for _ in range(iters):
        dist = (X * X).sum(-1, keepdims=True) - 2.0 * (X @ C.T) + (C * C).sum(-1)[None, :]
        assign = dist.argmin(-1)
        sums = np.zeros((K, X.shape[1]), dtype=np.float64)
        np.add.at(sums, assign, X.astype(np.float64))
        cnt = np.bincount(assign, minlength=K).astype(np.float64)
        C = (sums / np.maximum(cnt, 1.0)[:, None]).astype(np.float32)
        empty = cnt < 0.5
        if empty.any():
            C[empty] = X[rng.permutation(N)[: int(empty.sum())]]
    return C.astype(np.float32), assign.astype(np.int64)


def setup_inputs(seed: int = 0):
    rng = np.random.RandomState(0)
    item_embs = rng.randn(NUM_ITEMS, D).astype(np.float32)
    e0, e1 = item_embs[:, : D // 2], item_embs[:, D // 2 :]
    c0, cd0 = _kmeans_np(e0, K, seed=1)
    c1, cd1 = _kmeans_np(e1, K, seed=2)
    c0_ = np.concatenate([np.zeros((1, D // 2), np.float32), c0], axis=0)
    c1_ = np.concatenate([np.zeros((1, D // 2), np.float32), c1], axis=0)
    cd0_pad = np.concatenate([np.array([-1], np.int64), cd0]) + 1
    cd1_pad = np.concatenate([np.array([-1], np.int64), cd1]) + 1
    cd01 = cd0 * K + cd1
    order = np.argsort(cd01, kind='stable').astype(np.int64)
    counts = np.bincount(cd01, minlength=K * K)
    indptr = np.zeros(K * K + 1, np.int64)
    indptr[1:] = np.cumsum(counts)
    wkk = np.zeros((K, K), np.float32)
    np.add.at(wkk, (cd0, cd1), 1.0)
    key = jax.random.key(seed)
    query = jax.random.normal(jax.random.fold_in(key, 1), (B, D), dtype=jnp.float32)
    pos_items = jax.random.randint(jax.random.fold_in(key, 2), (B, L), 1, NUM_ITEMS + 1)
    return {
        'query': query,
        'pos_items': pos_items,
        'c0': jnp.asarray(c0),
        'c1': jnp.asarray(c1),
        'c0_': jnp.asarray(c0_),
        'c1_': jnp.asarray(c1_),
        'wkk': jnp.asarray(wkk),
        'indices': jnp.asarray(order),
        'indptr': jnp.asarray(indptr),
        'cd0': jnp.asarray(cd0_pad),
        'cd1': jnp.asarray(cd1_pad),
    }


def reference(query, pos_items, c0, c1, c0_, c1_, wkk, indices, indptr, cd0, cd1):
    skey = jax.random.key(42)
    q = query.reshape(-1, query.shape[-1])
    q0, q1 = jnp.split(q, 2, axis=-1)
    r1 = q1 @ c1.T
    r1s = jax.nn.softmax(r1, axis=-1)
    r0 = q0 @ c0.T
    r0s = jax.nn.softmax(r0, axis=-1)
    s0 = (r1s @ wkk.T) * r0s
    logits0 = jnp.where(s0 > 0, jnp.log(jnp.maximum(s0, 1e-30)), -1e30)
    Bq = q.shape[0]
    k0 = jax.random.categorical(jax.random.fold_in(skey, 0), logits0[:, None, :], axis=-1, shape=(Bq, NUM_NEG))
    p0 = jnp.take_along_axis(r0, k0, axis=-1)
    subwkk = wkk[k0]
    s1 = subwkk * r1s[:, None, :]
    logits1 = jnp.where(s1 > 0, jnp.log(jnp.maximum(s1, 1e-30)), -1e30)
    k1 = jax.random.categorical(jax.random.fold_in(skey, 1), logits1, axis=-1)
    p1 = jnp.take_along_axis(r1, k1, axis=-1)
    k01 = k0 * K + k1
    p01 = p0 + p1
    item_cnt = indptr[k01 + 1] - indptr[k01]
    u = jax.random.uniform(jax.random.fold_in(skey, 2), item_cnt.shape, dtype=jnp.float32)
    item_idx = jnp.floor(item_cnt.astype(jnp.float32) * u).astype(indptr.dtype)
    neg_items = indices[item_idx + indptr[k01]] + 1
    neg_prob = p01
    k0p = cd0[pos_items]
    k1p = cd1[pos_items]
    c0g = c0_[k0p]
    c1g = c1_[k1p]
    pos_prob = jnp.einsum('bld,bd->bl', c0g, q0) + jnp.einsum('bld,bd->bl', c1g, q1)
    neg_items = neg_items.reshape(query.shape[0], NUM_NEG)
    neg_prob = neg_prob.reshape(query.shape[0], NUM_NEG)
    return (pos_prob, neg_items, neg_prob)

if __name__ == "__main__":
    import jax
    _d = setup_inputs()
    print(jax.jit(kernel)(*tuple(_d.values())))

</pallas_src>

<mosaic_0001>
#map = affine_map<(d0, d1) -> (0)>
#map1 = affine_map<(d0, d1) -> (0, 0, 0)>
module attributes {stable_mosaic.version = 14 : i64} {
  func.func @_sc_body(%arg0: i32, %arg1: i32, %arg2: memref<131072xi32, #tpu.memory_space<hbm>>, %arg3: memref<131072xf32, #tpu.memory_space<hbm>>, %arg4: memref<4097xi32, #tpu.memory_space<hbm>>, %arg5: memref<100000xi32, #tpu.memory_space<hbm>>, %arg6: memref<32x10x128xi32, #tpu.memory_space<hbm>>, %arg7: memref<100001xi32, #tpu.memory_space<hbm>>, %arg8: memref<100001xi32, #tpu.memory_space<hbm>>, %arg9: memref<262144xf32, #tpu.memory_space<hbm>>, %arg10: memref<262144xf32, #tpu.memory_space<hbm>>, %arg11: memref<262144xf32, #tpu.memory_space<hbm>>, %arg12: memref<131072xi32, #tpu.memory_space<hbm>>, %arg13: memref<131072xf32, #tpu.memory_space<hbm>>, %arg14: memref<40960xf32, #tpu.memory_space<hbm>>, %arg15: memref<4096xi32, #tpu.memory_space<vmem>>, %arg16: memref<4096xf32, #tpu.memory_space<vmem>>, %arg17: memref<4097xi32, #tpu.memory_space<vmem>>, %arg18: memref<32x128xi32, #tpu.memory_space<vmem>>, %arg19: memref<32x128xi32, #tpu.memory_space<vmem>>, %arg20: memref<32x128xi32, #tpu.memory_space<vmem>>, %arg21: memref<4096xi32, #tpu.memory_space<vmem>>, %arg22: memref<4096xf32, #tpu.memory_space<vmem>>, %arg23: memref<4096xf32, #tpu.memory_space<vmem>>, %arg24: memref<10x128xi32, #tpu.memory_space<vmem>>, %arg25: memref<1280xi32, #tpu.memory_space<vmem>>, %arg26: memref<1280xi32, #tpu.memory_space<vmem>>, %arg27: memref<10x128xi32, #tpu.memory_space<vmem>>, %arg28: memref<10x128xi32, #tpu.memory_space<vmem>>, %arg29: memref<1280xf32, #tpu.memory_space<vmem>>, %arg30: memref<1280xf32, #tpu.memory_space<vmem>>, %arg31: memref<!tpu.dma_semaphore, #tpu.memory_space<semaphore_mem>>) attributes {dimension_semantics = [#tpu.dimension_semantics<core_parallel>, #tpu.dimension_semantics<subcore_parallel>], iteration_bounds = array<i64: 2, 16>, scalar_prefetch = 0 : i64, scratch_operands = 17 : i64, tpu.core_type = #tpu.core_type<sc_vector_subcore>, window_params = [{transform_indices = #map}, {transform_indices = #map}, {transform_indices = #map}, {transform_indices = #map}, {transform_indices = #map1}, {transform_indices = #map}, {transform_indices = #map}, {transform_indices = #map}, {transform_indices = #map}, {transform_indices = #map}, {transform_indices = #map}, {transform_indices = #map}, {transform_indices = #map}]} {
    %mul3A = arith.constant 2 : i32
    %mul3A_0 = arith.muli %arg1, %mul3A : i32
    %add3A = arith.addi %mul3A_0, %arg0 : i32
    %mul3A_1 = arith.constant 4096 : i32
    %mul3A_2 = arith.muli %add3A, %mul3A_1 : i32
    %mul3A_3 = arith.constant 1280 : i32
    %mul3A_4 = arith.muli %add3A, %mul3A_3 : i32
    "tpu.region"() ({
      %run_scoped3A = tpu.sem_alloc : memref<!tpu.dma_semaphore, #tpu.memory_space<semaphore_mem>>
      %dma_start3A = tpu.memref_slice %arg2[%mul3A_2] : memref<131072xi32, #tpu.memory_space<hbm>> -> memref<4096xi32, #tpu.memory_space<hbm>>
      %dma_start3A_73 = tpu.memref_slice %arg2[%mul3A_2] : memref<131072xi32, #tpu.memory_space<hbm>> -> memref<4096xi32, #tpu.memory_space<hbm>>
      tpu.enqueue_dma source(%dma_start3A_73 : memref<4096xi32, #tpu.memory_space<hbm>>) target(%arg15 : memref<4096xi32, #tpu.memory_space<vmem>>) target_semaphore(%run_scoped3A : memref<!tpu.dma_semaphore, #tpu.memory_space<semaphore_mem>>)
      %dma_wait3A_74 = tpu.memref_slice %arg2[%mul3A_2] : memref<131072xi32, #tpu.memory_space<hbm>> -> memref<4096xi32, #tpu.memory_space<hbm>>
      %dma_wait3A_75 = tpu.memref_slice %arg2[%mul3A_2] : memref<131072xi32, #tpu.memory_space<hbm>> -> memref<4096xi32, #tpu.memory_space<hbm>>
      tpu.wait_dma2 semaphore(%run_scoped3A : memref<!tpu.dma_semaphore, #tpu.memory_space<semaphore_mem>>) src(%dma_wait3A_75 : memref<4096xi32, #tpu.memory_space<hbm>>) dst(%arg15 : memref<4096xi32, #tpu.memory_space<vmem>>)
      tpu.yield
    }) : () -> ()
    "tpu.region"() ({
      %run_scoped3A = tpu.sem_alloc : memref<!tpu.dma_semaphore, #tpu.memory_space<semaphore_mem>>
      %dma_start3A = tpu.memref_slice %arg3[%mul3A_2] : memref<131072xf32, #tpu.memory_space<hbm>> -> memref<4096xf32, #tpu.memory_space<hbm>>
      %dma_start3A_73 = tpu.memref_slice %arg3[%mul3A_2] : memref<131072xf32, #tpu.memory_space<hbm>> -> memref<4096xf32, #tpu.memory_space<hbm>>
      tpu.enqueue_dma source(%dma_start3A_73 : memref<4096xf32, #tpu.memory_space<hbm>>) target(%arg16 : memref<4096xf32, #tpu.memory_space<vmem>>) target_semaphore(%run_scoped3A : memref<!tpu.dma_semaphore, #tpu.memory_space<semaphore_mem>>)
      %dma_wait3A_74 = tpu.memref_slice %arg3[%mul3A_2] : memref<131072xf32, #tpu.memory_space<hbm>> -> memref<4096xf32, #tpu.memory_space<hbm>>
      %dma_wait3A_75 = tpu.memref_slice %arg3[%mul3A_2] : memref<131072xf32, #tpu.memory_space<hbm>> -> memref<4096xf32, #tpu.memory_space<hbm>>
      tpu.wait_dma2 semaphore(%run_scoped3A : memref<!tpu.dma_semaphore, #tpu.memory_space<semaphore_mem>>) src(%dma_wait3A_75 : memref<4096xf32, #tpu.memory_space<hbm>>) dst(%arg16 : memref<4096xf32, #tpu.memory_space<vmem>>)
      tpu.yield
    }) : () -> ()
    "tpu.region"() ({
      %run_scoped3A = tpu.sem_alloc : memref<!tpu.dma_semaphore, #tpu.memory_space<semaphore_mem>>
      tpu.enqueue_dma source(%arg4 : memref<4097xi32, #tpu.memory_space<hbm>>) target(%arg17 : memref<4097xi32, #tpu.memory_space<vmem>>) target_semaphore(%run_scoped3A : memref<!tpu.dma_semaphore, #tpu.memory_space<semaphore_mem>>)
      tpu.wait_dma2 semaphore(%run_scoped3A : memref<!tpu.dma_semaphore, #tpu.memory_space<semaphore_mem>>) src(%arg4 : memref<4097xi32, #tpu.memory_space<hbm>>) dst(%arg17 : memref<4097xi32, #tpu.memory_space<vmem>>)
      tpu.yield
    }) : () -> ()
    "tpu.region"() ({
      %run_scoped3A = tpu.sem_alloc : memref<!tpu.dma_semaphore, #tpu.memory_space<semaphore_mem>>
      %dma_start3A = arith.constant 0 : i32
      %dma_start3A_73 = arith.constant 0 : i32
      %dma_start3A_74 = tpu.memref_slice %arg6[%add3A, %dma_start3A, %dma_start3A_73] : memref<32x10x128xi32, #tpu.memory_space<hbm>> -> memref<1x10x128xi32, #tpu.memory_space<hbm>>
      %dma_start3A_75 = tpu.memref_squeeze %dma_start3A_74 : memref<1x10x128xi32, #tpu.memory_space<hbm>> -> memref<10x128xi32, #tpu.memory_space<hbm>>
      %dma_start3A_76 = arith.constant 0 : i32
      %dma_start3A_77 = arith.constant 0 : i32
      %dma_start3A_78 = tpu.memref_slice %arg6[%add3A, %dma_start3A_76, %dma_start3A_77] : memref<32x10x128xi32, #tpu.memory_space<hbm>> -> memref<1x10x128xi32, #tpu.memory_space<hbm>>
      %dma_start3A_79 = tpu.memref_squeeze %dma_start3A_78 : memref<1x10x128xi32, #tpu.memory_space<hbm>> -> memref<10x128xi32, #tpu.memory_space<hbm>>
      tpu.enqueue_dma source(%dma_start3A_79 : memref<10x128xi32, #tpu.memory_space<hbm>>) target(%arg24 : memref<10x128xi32, #tpu.memory_space<vmem>>) target_semaphore(%run_scoped3A : memref<!tpu.dma_semaphore, #tpu.memory_space<semaphore_mem>>)
      %dma_wait3A_80 = arith.constant 0 : i32
      %dma_wait3A_81 = arith.constant 0 : i32
      %dma_wait3A_82 = tpu.memref_slice %arg6[%add3A, %dma_wait3A_80, %dma_wait3A_81] : memref<32x10x128xi32, #tpu.memory_space<hbm>> -> memref<1x10x128xi32, #tpu.memory_space<hbm>>
      %dma_wait3A_83 = tpu.memref_squeeze %dma_wait3A_82 : memref<1x10x128xi32, #tpu.memory_space<hbm>> -> memref<10x128xi32, #tpu.memory_space<hbm>>
      %dma_wait3A_84 = arith.constant 0 : i32
      %dma_wait3A_85 = arith.constant 0 : i32
      %dma_wait3A_86 = tpu.memref_slice %arg6[%add3A, %dma_wait3A_84, %dma_wait3A_85] : memref<32x10x128xi32, #tpu.memory_space<hbm>> -> memref<1x10x128xi32, #tpu.memory_space<hbm>>
      %dma_wait3A_87 = tpu.memref_squeeze %dma_wait3A_86 : memref<1x10x128xi32, #tpu.memory_space<hbm>> -> memref<10x128xi32, #tpu.memory_space<hbm>>
      tpu.wait_dma2 semaphore(%run_scoped3A : memref<!tpu.dma_semaphore, #tpu.memory_space<semaphore_mem>>) src(%dma_wait3A_87 : memref<10x128xi32, #tpu.memory_space<hbm>>) dst(%arg24 : memref<10x128xi32, #tpu.memory_space<vmem>>)
      tpu.yield
    }) : () -> ()
    %scan3A = arith.constant 0 : i32
    %scan3A_5 = arith.constant 0 : i32
    %scan3A_6 = arith.constant 256 : i32
    %scan3A_7 = arith.addi %scan3A_5, %scan3A_6 : i32
    %scan3A_8 = arith.constant 1 : i32
    scf.for %scan3A_73 = %scan3A_5 to %scan3A_7 step %scan3A_8  : i32 {
      %mul3A_74 = arith.constant 16 : i32
      %mul3A_75 = arith.muli %scan3A_73, %mul3A_74 : i32
      %jit3A = arith.constant 8 : i32
      %div3A = arith.divsi %scan3A_73, %jit3A : i32
      %sign3A = arith.constant 0 : i32
      %sign3A_76 = arith.cmpi sgt, %scan3A_73, %sign3A : i32
      %sign3A_77 = arith.extui %sign3A_76 : i1 to i32
      %sign3A_78 = arith.constant 0 : i32
      %sign3A_79 = arith.cmpi slt, %scan3A_73, %sign3A_78 : i32
      %sign3A_80 = arith.extui %sign3A_79 : i1 to i32
      %sign3A_81 = arith.subi %sign3A_77, %sign3A_80 : i32
      %sign3A_82 = arith.constant 0 : i32
      %sign3A_83 = arith.cmpi sgt, %jit3A, %sign3A_82 : i32
      %sign3A_84 = arith.extui %sign3A_83 : i1 to i32
      %sign3A_85 = arith.constant 0 : i32
      %sign3A_86 = arith.cmpi slt, %jit3A, %sign3A_85 : i32
      %sign3A_87 = arith.extui %sign3A_86 : i1 to i32
      %sign3A_88 = arith.subi %sign3A_84, %sign3A_87 : i32
      %ne3A = arith.cmpi ne, %sign3A_81, %sign3A_88 : i32
      %rem3A = arith.remsi %scan3A_73, %jit3A : i32
      %ne3A_89 = arith.constant 0 : i32
      %ne3A_90 = arith.cmpi ne, %rem3A, %ne3A_89 : i32
      %and3A = arith.andi %ne3A, %ne3A_90 : i1
      %sub3A = arith.constant 1 : i32
      %sub3A_91 = arith.subi %div3A, %sub3A : i32
      %select_n3A = arith.select %and3A, %sub3A_91, %div3A : i32
      %jit3A_92 = arith.constant 8 : i32
      %eq3A = arith.constant 0 : i32
      %eq3A_93 = arith.cmpi eq, %jit3A_92, %eq3A : i32
      %jit3A_94 = arith.constant 1 : i32
      %select_n3A_95 = arith.select %eq3A_93, %jit3A_94, %jit3A_92 : i32
      %rem3A_96 = arith.remsi %scan3A_73, %select_n3A_95 : i32
      %ne3A_97 = arith.constant 0 : i32
      %ne3A_98 = arith.cmpi ne, %rem3A_96, %ne3A_97 : i32
      %lt3A = arith.constant 0 : i32
      %lt3A_99 = arith.cmpi slt, %rem3A_96, %lt3A : i32
      %lt3A_100 = arith.constant 0 : i32
      %lt3A_101 = arith.cmpi slt, %select_n3A_95, %lt3A_100 : i32
      %ne3A_102 = arith.xori %lt3A_99, %lt3A_101 : i1
      %and3A_103 = arith.andi %ne3A_102, %ne3A_98 : i1
      %add3A_104 = arith.addi %rem3A_96, %select_n3A_95 : i32
      %select_n3A_105 = arith.select %and3A_103, %add3A_104, %rem3A_96 : i32
      %mul3A_106 = arith.constant 16 : i32
      %mul3A_107 = arith.muli %select_n3A_105, %mul3A_106 : i32
      %get3A = arith.index_cast %mul3A_75 : i32 to index
      %get3A_108 = tpu.vector_load %arg15[%get3A] {strides = array<i32>} : memref<4096xi32, #tpu.memory_space<vmem>>, vector<16xi32>,
      %gather3A = tpu.vector_load_idx %arg17[%get3A_108] : memref<4097xi32, #tpu.memory_space<vmem>>[vector<16xi32>], vector<16xi32>,
      %add3A_109 = arith.constant 1 : i32
      %add3A_110 = vector.broadcast %add3A_109 : i32 to vector<16xi32>
      %add3A_111 = arith.addi %get3A_108, %add3A_110 : vector<16xi32>
      %gather3A_112 = tpu.vector_load_idx %arg17[%add3A_111] : memref<4097xi32, #tpu.memory_space<vmem>>[vector<16xi32>], vector<16xi32>,
      %sub3A_113 = arith.subi %gather3A_112, %gather3A : vector<16xi32>
      %convert_element_type3A = arith.sitofp %sub3A_113 : vector<16xi32> to vector<16xf32>
      %get3A_114 = arith.index_cast %mul3A_75 : i32 to index
      %get3A_115 = tpu.vector_load %arg16[%get3A_114] {strides = array<i32>} : memref<4096xf32, #tpu.memory_space<vmem>>, vector<16xf32>,
      %mul3A_116 = arith.mulf %convert_element_type3A, %get3A_115 : vector<16xf32>
      %convert_element_type3A_117 = arith.fptosi %mul3A_116 : vector<16xf32> to vector<16xi32>
      %add3A_118 = arith.addi %convert_element_type3A_117, %gather3A : vector<16xi32>
      %swap3A = arith.index_cast %select_n3A : i32 to index
      %swap3A_119 = arith.index_cast %mul3A_107 : i32 to index
      %swap3A_120 = tpu.vector_load %arg18[%swap3A, %swap3A_119] {strides = array<i32>} : memref<32x128xi32, #tpu.memory_space<vmem>>, vector<16xi32>,
      tpu.vector_store %arg18[%swap3A, %swap3A_119], %add3A_118 {strides = array<i32>} : memref<32x128xi32, #tpu.memory_space<vmem>>, vector<16xi32>,
      %mul3A_121 = arith.constant 16 : i32
      %mul3A_122 = arith.muli %scan3A_73, %mul3A_121 : i32
      %add3A_123 = arith.addi %mul3A_2, %mul3A_122 : i32
      %iota3A = tpu.iota {dimensions = array<i32: 0>} : vector<16xi32>
      %add3A_124 = vector.broadcast %add3A_123 : i32 to vector<16xi32>
      %add3A_125 = arith.addi %add3A_124, %iota3A : vector<16xi32>
      %shift_right_logical3A = arith.constant 6 : i32
      %shift_right_logical3A_126 = vector.broadcast %shift_right_logical3A : i32 to vector<16xi32>
      %shift_right_logical3A_127 = arith.shrui %add3A_125, %shift_right_logical3A_126 : vector<16xi32>
      %shift_left3A = arith.constant 7 : i32
      %shift_left3A_128 = vector.broadcast %shift_left3A : i32 to vector<16xi32>
      %shift_left3A_129 = arith.shli %shift_right_logical3A_127, %shift_left3A_128 : vector<16xi32>
      %shift_right_logical3A_130 = arith.constant 6 : i32
      %shift_right_logical3A_131 = vector.broadcast %shift_right_logical3A_130 : i32 to vector<16xi32>
      %shift_right_logical3A_132 = arith.shrui %get3A_108, %shift_right_logical3A_131 : vector<16xi32>
      %add3A_133 = arith.addi %shift_left3A_129, %shift_right_logical3A_132 : vector<16xi32>
      %swap3A_134 = arith.index_cast %select_n3A : i32 to index
      %swap3A_135 = arith.index_cast %mul3A_107 : i32 to index
      %swap3A_136 = tpu.vector_load %arg19[%swap3A_134, %swap3A_135] {strides = array<i32>} : memref<32x128xi32, #tpu.memory_space<vmem>>, vector<16xi32>,
      tpu.vector_store %arg19[%swap3A_134, %swap3A_135], %add3A_133 {strides = array<i32>} : memref<32x128xi32, #tpu.memory_space<vmem>>, vector<16xi32>,
      %add3A_137 = arith.constant 64 : i32
      %add3A_138 = vector.broadcast %add3A_137 : i32 to vector<16xi32>
      %add3A_139 = arith.addi %shift_left3A_129, %add3A_138 : vector<16xi32>
      %and3A_140 = arith.constant 63 : i32
      %and3A_141 = vector.broadcast %and3A_140 : i32 to vector<16xi32>
      %and3A_142 = arith.andi %get3A_108, %and3A_141 : vector<16xi32>
      %add3A_143 = arith.addi %add3A_139, %and3A_142 : vector<16xi32>
      %swap3A_144 = arith.index_cast %select_n3A : i32 to index
      %swap3A_145 = arith.index_cast %mul3A_107 : i32 to index
      %swap3A_146 = tpu.vector_load %arg20[%swap3A_144, %swap3A_145] {strides = array<i32>} : memref<32x128xi32, #tpu.memory_space<vmem>>, vector<16xi32>,
      tpu.vector_store %arg20[%swap3A_144, %swap3A_145], %add3A_143 {strides = array<i32>} : memref<32x128xi32, #tpu.memory_space<vmem>>, vector<16xi32>,
    }
    %scan3A_9 = arith.constant 256 : i32
    %scan3A_10 = arith.constant 0 : i32
    %scan3A_11 = arith.constant 0 : i32
    %scan3A_12 = arith.constant 32 : i32
    %scan3A_13 = arith.addi %scan3A_11, %scan3A_12 : i32
    %scan3A_14 = arith.constant 1 : i32
    scf.for %scan3A_73 = %scan3A_11 to %scan3A_13 step %scan3A_14  : i32 {
      %mul3A_74 = arith.constant 128 : i32
      %mul3A_75 = arith.muli %scan3A_73, %mul3A_74 : i32
      %dma_start3A = tpu.memref_slice %arg21[%mul3A_75] : memref<4096xi32, #tpu.memory_space<vmem>> -> memref<128xi32, #tpu.memory_space<vmem>>
      %dma_start3A_76 = arith.constant 0 : i32
      %dma_start3A_77 = tpu.memref_slice %arg18[%scan3A_73, %dma_start3A_76] : memref<32x128xi32, #tpu.memory_space<vmem>> -> memref<1x128xi32, #tpu.memory_space<vmem>>
      %dma_start3A_78 = tpu.memref_squeeze %dma_start3A_77 : memref<1x128xi32, #tpu.memory_space<vmem>> -> memref<128xi32, #tpu.memory_space<vmem>>
      %dma_start3A_79 = arith.constant 0 : i32
      %dma_start3A_80 = tpu.memref_slice %arg5[%dma_start3A_79] : memref<100000xi32, #tpu.memory_space<hbm>> -> memref<100000xi32, #tpu.memory_space<hbm>>
      tpu.enqueue_indirect_dma source(%dma_start3A_80 : memref<100000xi32, #tpu.memory_space<hbm>>) target(%dma_start3A : memref<128xi32, #tpu.memory_space<vmem>>) offsets(%dma_start3A_78 : memref<128xi32, #tpu.memory_space<vmem>>) semaphore(%arg31 : memref<!tpu.dma_semaphore, #tpu.memory_space<semaphore_mem>>)
      %dma_start3A_81 = tpu.memref_slice %arg22[%mul3A_75] : memref<4096xf32, #tpu.memory_space<vmem>> -> memref<128xf32, #tpu.memory_space<vmem>>
      %dma_start3A_82 = arith.constant 0 : i32
      %dma_start3A_83 = tpu.memref_slice %arg19[%scan3A_73, %dma_start3A_82] : memref<32x128xi32, #tpu.memory_space<vmem>> -> memref<1x128xi32, #tpu.memory_space<vmem>>
      %dma_start3A_84 = tpu.memref_squeeze %dma_start3A_83 : memref<1x128xi32, #tpu.memory_space<vmem>> -> memref<128xi32, #tpu.memory_space<vmem>>
      %dma_start3A_85 = arith.constant 0 : i32
      %dma_start3A_86 = tpu.memref_slice %arg11[%dma_start3A_85] : memref<262144xf32, #tpu.memory_space<hbm>> -> memref<262144xf32, #tpu.memory_space<hbm>>
      tpu.enqueue_indirect_dma source(%dma_start3A_86 : memref<262144xf32, #tpu.memory_space<hbm>>) target(%dma_start3A_81 : memref<128xf32, #tpu.memory_space<vmem>>) offsets(%dma_start3A_84 : memref<128xi32, #tpu.memory_space<vmem>>) semaphore(%arg31 : memref<!tpu.dma_semaphore, #tpu.memory_space<semaphore_mem>>)
      %dma_start3A_87 = tpu.memref_slice %arg23[%mul3A_75] : memref<4096xf32, #tpu.memory_space<vmem>> -> memref<128xf32, #tpu.memory_space<vmem>>
      %dma_start3A_88 = arith.constant 0 : i32
      %dma_start3A_89 = tpu.memref_slice %arg20[%scan3A_73, %dma_start3A_88] : memref<32x128xi32, #tpu.memory_space<vmem>> -> memref<1x128xi32, #tpu.memory_space<vmem>>
      %dma_start3A_90 = tpu.memref_squeeze %dma_start3A_89 : memref<1x128xi32, #tpu.memory_space<vmem>> -> memref<128xi32, #tpu.memory_space<vmem>>
      %dma_start3A_91 = arith.constant 0 : i32
      %dma_start3A_92 = tpu.memref_slice %arg11[%dma_start3A_91] : memref<262144xf32, #tpu.memory_space<hbm>> -> memref<262144xf32, #tpu.memory_space<hbm>>
      tpu.enqueue_indirect_dma source(%dma_start3A_92 : memref<262144xf32, #tpu.memory_space<hbm>>) target(%dma_start3A_87 : memref<128xf32, #tpu.memory_space<vmem>>) offsets(%dma_start3A_90 : memref<128xi32, #tpu.memory_space<vmem>>) semaphore(%arg31 : memref<!tpu.dma_semaphore, #tpu.memory_space<semaphore_mem>>)
    }
    %scan3A_15 = arith.constant 32 : i32
    %scan3A_16 = arith.constant 0 : i32
    %scan3A_17 = arith.constant 0 : i32
    %scan3A_18 = arith.constant 10 : i32
    %scan3A_19 = arith.addi %scan3A_17, %scan3A_18 : i32
    %scan3A_20 = arith.constant 1 : i32
    scf.for %scan3A_73 = %scan3A_17 to %scan3A_19 step %scan3A_20  : i32 {
      %mul3A_74 = arith.constant 128 : i32
      %mul3A_75 = arith.muli %scan3A_73, %mul3A_74 : i32
      %dma_start3A = tpu.memref_slice %arg25[%mul3A_75] : memref<1280xi32, #tpu.memory_space<vmem>> -> memref<128xi32, #tpu.memory_space<vmem>>
      %dma_start3A_76 = arith.constant 0 : i32
      %dma_start3A_77 = tpu.memref_slice %arg24[%scan3A_73, %dma_start3A_76] : memref<10x128xi32, #tpu.memory_space<vmem>> -> memref<1x128xi32, #tpu.memory_space<vmem>>
      %dma_start3A_78 = tpu.memref_squeeze %dma_start3A_77 : memref<1x128xi32, #tpu.memory_space<vmem>> -> memref<128xi32, #tpu.memory_space<vmem>>
      %dma_start3A_79 = arith.constant 0 : i32
      %dma_start3A_80 = tpu.memref_slice %arg7[%dma_start3A_79] : memref<100001xi32, #tpu.memory_space<hbm>> -> memref<100001xi32, #tpu.memory_space<hbm>>
      tpu.enqueue_indirect_dma source(%dma_start3A_80 : memref<100001xi32, #tpu.memory_space<hbm>>) target(%dma_start3A : memref<128xi32, #tpu.memory_space<vmem>>) offsets(%dma_start3A_78 : memref<128xi32, #tpu.memory_space<vmem>>) semaphore(%arg31 : memref<!tpu.dma_semaphore, #tpu.memory_space<semaphore_mem>>)
      %dma_start3A_81 = tpu.memref_slice %arg26[%mul3A_75] : memref<1280xi32, #tpu.memory_space<vmem>> -> memref<128xi32, #tpu.memory_space<vmem>>
      %dma_start3A_82 = arith.constant 0 : i32
      %dma_start3A_83 = tpu.memref_slice %arg24[%scan3A_73, %dma_start3A_82] : memref<10x128xi32, #tpu.memory_space<vmem>> -> memref<1x128xi32, #tpu.memory_space<vmem>>
      %dma_start3A_84 = tpu.memref_squeeze %dma_start3A_83 : memref<1x128xi32, #tpu.memory_space<vmem>> -> memref<128xi32, #tpu.memory_space<vmem>>
      %dma_start3A_85 = arith.constant 0 : i32
      %dma_start3A_86 = tpu.memref_slice %arg8[%dma_start3A_85] : memref<100001xi32, #tpu.memory_space<hbm>> -> memref<100001xi32, #tpu.memory_space<hbm>>
      tpu.enqueue_indirect_dma source(%dma_start3A_86 : memref<100001xi32, #tpu.memory_space<hbm>>) target(%dma_start3A_81 : memref<128xi32, #tpu.memory_space<vmem>>) offsets(%dma_start3A_84 : memref<128xi32, #tpu.memory_space<vmem>>) semaphore(%arg31 : memref<!tpu.dma_semaphore, #tpu.memory_space<semaphore_mem>>)
    }
    %scan3A_21 = arith.constant 10 : i32
    %dma_wait3A = arith.constant 0 : i32
    %dma_wait3A_22 = tpu.memref_slice %arg5[%dma_wait3A] : memref<100000xi32, #tpu.memory_space<hbm>> -> memref<4096xi32, #tpu.memory_space<hbm>>
    %dma_wait3A_23 = arith.constant 0 : i32
    %dma_wait3A_24 = tpu.memref_slice %arg5[%dma_wait3A_23] : memref<100000xi32, #tpu.memory_space<hbm>> -> memref<4096xi32, #tpu.memory_space<hbm>>
    tpu.wait_dma2 semaphore(%arg31 : memref<!tpu.dma_semaphore, #tpu.memory_space<semaphore_mem>>) src(%dma_wait3A_24 : memref<4096xi32, #tpu.memory_space<hbm>>) dst(%arg21 : memref<4096xi32, #tpu.memory_space<vmem>>)
    %dma_wait3A_25 = arith.constant 0 : i32
    %dma_wait3A_26 = tpu.memref_slice %arg11[%dma_wait3A_25] : memref<262144xf32, #tpu.memory_space<hbm>> -> memref<4096xf32, #tpu.memory_space<hbm>>
    %dma_wait3A_27 = arith.constant 0 : i32
    %dma_wait3A_28 = tpu.memref_slice %arg11[%dma_wait3A_27] : memref<262144xf32, #tpu.memory_space<hbm>> -> memref<4096xf32, #tpu.memory_space<hbm>>
    tpu.wait_dma2 semaphore(%arg31 : memref<!tpu.dma_semaphore, #tpu.memory_space<semaphore_mem>>) src(%dma_wait3A_28 : memref<4096xf32, #tpu.memory_space<hbm>>) dst(%arg22 : memref<4096xf32, #tpu.memory_space<vmem>>)
    %dma_wait3A_29 = arith.constant 0 : i32
    %dma_wait3A_30 = tpu.memref_slice %arg11[%dma_wait3A_29] : memref<262144xf32, #tpu.memory_space<hbm>> -> memref<4096xf32, #tpu.memory_space<hbm>>
    %dma_wait3A_31 = arith.constant 0 : i32
    %dma_wait3A_32 = tpu.memref_slice %arg11[%dma_wait3A_31] : memref<262144xf32, #tpu.memory_space<hbm>> -> memref<4096xf32, #tpu.memory_space<hbm>>
    tpu.wait_dma2 semaphore(%arg31 : memref<!tpu.dma_semaphore, #tpu.memory_space<semaphore_mem>>) src(%dma_wait3A_32 : memref<4096xf32, #tpu.memory_space<hbm>>) dst(%arg23 : memref<4096xf32, #tpu.memory_space<vmem>>)
    %dma_wait3A_33 = arith.constant 0 : i32
    %dma_wait3A_34 = tpu.memref_slice %arg7[%dma_wait3A_33] : memref<100001xi32, #tpu.memory_space<hbm>> -> memref<1280xi32, #tpu.memory_space<hbm>>
    %dma_wait3A_35 = arith.constant 0 : i32
    %dma_wait3A_36 = tpu.memref_slice %arg7[%dma_wait3A_35] : memref<100001xi32, #tpu.memory_space<hbm>> -> memref<1280xi32, #tpu.memory_space<hbm>>
    tpu.wait_dma2 semaphore(%arg31 : memref<!tpu.dma_semaphore, #tpu.memory_space<semaphore_mem>>) src(%dma_wait3A_36 : memref<1280xi32, #tpu.memory_space<hbm>>) dst(%arg25 : memref<1280xi32, #tpu.memory_space<vmem>>)
    %dma_wait3A_37 = arith.constant 0 : i32
    %dma_wait3A_38 = tpu.memref_slice %arg7[%dma_wait3A_37] : memref<100001xi32, #tpu.memory_space<hbm>> -> memref<1280xi32, #tpu.memory_space<hbm>>
    %dma_wait3A_39 = arith.constant 0 : i32
    %dma_wait3A_40 = tpu.memref_slice %arg7[%dma_wait3A_39] : memref<100001xi32, #tpu.memory_space<hbm>> -> memref<1280xi32, #tpu.memory_space<hbm>>
    tpu.wait_dma2 semaphore(%arg31 : memref<!tpu.dma_semaphore, #tpu.memory_space<semaphore_mem>>) src(%dma_wait3A_40 : memref<1280xi32, #tpu.memory_space<hbm>>) dst(%arg26 : memref<1280xi32, #tpu.memory_space<vmem>>)
    %scan3A_41 = arith.constant 0 : i32
    %scan3A_42 = arith.constant 0 : i32
    %scan3A_43 = arith.constant 80 : i32
    %scan3A_44 = arith.addi %scan3A_42, %scan3A_43 : i32
    %scan3A_45 = arith.constant 1 : i32
    scf.for %scan3A_73 = %scan3A_42 to %scan3A_44 step %scan3A_45  : i32 {
      %mul3A_74 = arith.constant 16 : i32
      %mul3A_75 = arith.muli %scan3A_73, %mul3A_74 : i32
      %mul3A_76 = arith.constant 16 : i32
      %mul3A_77 = arith.muli %scan3A_73, %mul3A_76 : i32
      %add3A_78 = arith.addi %mul3A_4, %mul3A_77 : i32
      %iota3A = tpu.iota {dimensions = array<i32: 0>} : vector<16xi32>
      %add3A_79 = vector.broadcast %add3A_78 : i32 to vector<16xi32>
      %add3A_80 = arith.addi %add3A_79, %iota3A : vector<16xi32>
      %div3A = arith.constant 20 : i32
      %div3A_81 = vector.broadcast %div3A : i32 to vector<16xi32>
      %div3A_82 = arith.divsi %add3A_80, %div3A_81 : vector<16xi32>
      %jit3A = arith.constant 8 : i32
      %div3A_83 = arith.divsi %scan3A_73, %jit3A : i32
      %sign3A = arith.constant 0 : i32
      %sign3A_84 = arith.cmpi sgt, %scan3A_73, %sign3A : i32
      %sign3A_85 = arith.extui %sign3A_84 : i1 to i32
      %sign3A_86 = arith.constant 0 : i32
      %sign3A_87 = arith.cmpi slt, %scan3A_73, %sign3A_86 : i32
      %sign3A_88 = arith.extui %sign3A_87 : i1 to i32
      %sign3A_89 = arith.subi %sign3A_85, %sign3A_88 : i32
      %sign3A_90 = arith.constant 0 : i32
      %sign3A_91 = arith.cmpi sgt, %jit3A, %sign3A_90 : i32
      %sign3A_92 = arith.extui %sign3A_91 : i1 to i32
      %sign3A_93 = arith.constant 0 : i32
      %sign3A_94 = arith.cmpi slt, %jit3A, %sign3A_93 : i32
      %sign3A_95 = arith.extui %sign3A_94 : i1 to i32
      %sign3A_96 = arith.subi %sign3A_92, %sign3A_95 : i32
      %ne3A = arith.cmpi ne, %sign3A_89, %sign3A_96 : i32
      %rem3A = arith.remsi %scan3A_73, %jit3A : i32
      %ne3A_97 = arith.constant 0 : i32
      %ne3A_98 = arith.cmpi ne, %rem3A, %ne3A_97 : i32
      %and3A = arith.andi %ne3A, %ne3A_98 : i1
      %sub3A = arith.constant 1 : i32
      %sub3A_99 = arith.subi %div3A_83, %sub3A : i32
      %select_n3A = arith.select %and3A, %sub3A_99, %div3A_83 : i32
      %jit3A_100 = arith.constant 8 : i32
      %eq3A = arith.constant 0 : i32
      %eq3A_101 = arith.cmpi eq, %jit3A_100, %eq3A : i32
      %jit3A_102 = arith.constant 1 : i32
      %select_n3A_103 = arith.select %eq3A_101, %jit3A_102, %jit3A_100 : i32
      %rem3A_104 = arith.remsi %scan3A_73, %select_n3A_103 : i32
      %ne3A_105 = arith.constant 0 : i32
      %ne3A_106 = arith.cmpi ne, %rem3A_104, %ne3A_105 : i32
      %lt3A = arith.constant 0 : i32
      %lt3A_107 = arith.cmpi slt, %rem3A_104, %lt3A : i32
      %lt3A_108 = arith.constant 0 : i32
      %lt3A_109 = arith.cmpi slt, %select_n3A_103, %lt3A_108 : i32
      %ne3A_110 = arith.xori %lt3A_107, %lt3A_109 : i1
      %and3A_111 = arith.andi %ne3A_110, %ne3A_106 : i1
      %add3A_112 = arith.addi %rem3A_104, %select_n3A_103 : i32
      %select_n3A_113 = arith.select %and3A_111, %add3A_112, %rem3A_104 : i32
      %mul3A_114 = arith.constant 16 : i32
      %mul3A_115 = arith.muli %select_n3A_113, %mul3A_114 : i32
      %mul3A_116 = arith.constant 128 : i32
      %mul3A_117 = vector.broadcast %mul3A_116 : i32 to vector<16xi32>
      %mul3A_118 = arith.muli %div3A_82, %mul3A_117 : vector<16xi32>
      %get3A = arith.index_cast %mul3A_75 : i32 to index
      %get3A_119 = tpu.vector_load %arg25[%get3A] {strides = array<i32>} : memref<1280xi32, #tpu.memory_space<vmem>>, vector<16xi32>,
      %add3A_120 = arith.addi %mul3A_118, %get3A_119 : vector<16xi32>
      %swap3A = arith.index_cast %select_n3A : i32 to index
      %swap3A_121 = arith.index_cast %mul3A_115 : i32 to index
      %swap3A_122 = tpu.vector_load %arg27[%swap3A, %swap3A_121] {strides = array<i32>} : memref<10x128xi32, #tpu.memory_space<vmem>>, vector<16xi32>,
      tpu.vector_store %arg27[%swap3A, %swap3A_121], %add3A_120 {strides = array<i32>} : memref<10x128xi32, #tpu.memory_space<vmem>>, vector<16xi32>,
      %mul3A_123 = arith.constant 128 : i32
      %mul3A_124 = vector.broadcast %mul3A_123 : i32 to vector<16xi32>
      %mul3A_125 = arith.muli %div3A_82, %mul3A_124 : vector<16xi32>
      %get3A_126 = arith.index_cast %mul3A_75 : i32 to index
      %get3A_127 = tpu.vector_load %arg26[%get3A_126] {strides = array<i32>} : memref<1280xi32, #tpu.memory_space<vmem>>, vector<16xi32>,
      %add3A_128 = arith.addi %mul3A_125, %get3A_127 : vector<16xi32>
      %swap3A_129 = arith.index_cast %select_n3A : i32 to index
      %swap3A_130 = arith.index_cast %mul3A_115 : i32 to index
      %swap3A_131 = tpu.vector_load %arg28[%swap3A_129, %swap3A_130] {strides = array<i32>} : memref<10x128xi32, #tpu.memory_space<vmem>>, vector<16xi32>,
      tpu.vector_store %arg28[%swap3A_129, %swap3A_130], %add3A_128 {strides = array<i32>} : memref<10x128xi32, #tpu.memory_space<vmem>>, vector<16xi32>,
    }
    %scan3A_46 = arith.constant 80 : i32
    %scan3A_47 = arith.constant 0 : i32
    %scan3A_48 = arith.constant 0 : i32
    %scan3A_49 = arith.constant 10 : i32
    %scan3A_50 = arith.addi %scan3A_48, %scan3A_49 : i32
    %scan3A_51 = arith.constant 1 : i32
    scf.for %scan3A_73 = %scan3A_48 to %scan3A_50 step %scan3A_51  : i32 {
      %mul3A_74 = arith.constant 128 : i32
      %mul3A_75 = arith.muli %scan3A_73, %mul3A_74 : i32
      %dma_start3A = tpu.memref_slice %arg29[%mul3A_75] : memref<1280xf32, #tpu.memory_space<vmem>> -> memref<128xf32, #tpu.memory_space<vmem>>
      %dma_start3A_76 = arith.constant 0 : i32
      %dma_start3A_77 = tpu.memref_slice %arg27[%scan3A_73, %dma_start3A_76] : memref<10x128xi32, #tpu.memory_space<vmem>> -> memref<1x128xi32, #tpu.memory_space<vmem>>
      %dma_start3A_78 = tpu.memref_squeeze %dma_start3A_77 : memref<1x128xi32, #tpu.memory_space<vmem>> -> memref<128xi32, #tpu.memory_space<vmem>>
      %dma_start3A_79 = arith.constant 0 : i32
      %dma_start3A_80 = tpu.memref_slice %arg9[%dma_start3A_79] : memref<262144xf32, #tpu.memory_space<hbm>> -> memref<262144xf32, #tpu.memory_space<hbm>>
      tpu.enqueue_indirect_dma source(%dma_start3A_80 : memref<262144xf32, #tpu.memory_space<hbm>>) target(%dma_start3A : memref<128xf32, #tpu.memory_space<vmem>>) offsets(%dma_start3A_78 : memref<128xi32, #tpu.memory_space<vmem>>) semaphore(%arg31 : memref<!tpu.dma_semaphore, #tpu.memory_space<semaphore_mem>>)
      %dma_start3A_81 = tpu.memref_slice %arg30[%mul3A_75] : memref<1280xf32, #tpu.memory_space<vmem>> -> memref<128xf32, #tpu.memory_space<vmem>>
      %dma_start3A_82 = arith.constant 0 : i32
      %dma_start3A_83 = tpu.memref_slice %arg28[%scan3A_73, %dma_start3A_82] : memref<10x128xi32, #tpu.memory_space<vmem>> -> memref<1x128xi32, #tpu.memory_space<vmem>>
      %dma_start3A_84 = tpu.memref_squeeze %dma_start3A_83 : memref<1x128xi32, #tpu.memory_space<vmem>> -> memref<128xi32, #tpu.memory_space<vmem>>
      %dma_start3A_85 = arith.constant 0 : i32
      %dma_start3A_86 = tpu.memref_slice %arg10[%dma_start3A_85] : memref<262144xf32, #tpu.memory_space<hbm>> -> memref<262144xf32, #tpu.memory_space<hbm>>
      tpu.enqueue_indirect_dma source(%dma_start3A_86 : memref<262144xf32, #tpu.memory_space<hbm>>) target(%dma_start3A_81 : memref<128xf32, #tpu.memory_space<vmem>>) offsets(%dma_start3A_84 : memref<128xi32, #tpu.memory_space<vmem>>) semaphore(%arg31 : memref<!tpu.dma_semaphore, #tpu.memory_space<semaphore_mem>>)
    }
    %scan3A_52 = arith.constant 10 : i32
    %scan3A_53 = arith.constant 0 : i32
    %scan3A_54 = arith.constant 0 : i32
    %scan3A_55 = arith.constant 256 : i32
    %scan3A_56 = arith.addi %scan3A_54, %scan3A_55 : i32
    %scan3A_57 = arith.constant 1 : i32
    scf.for %scan3A_73 = %scan3A_54 to %scan3A_56 step %scan3A_57  : i32 {
      %mul3A_74 = arith.constant 16 : i32
      %mul3A_75 = arith.muli %scan3A_73, %mul3A_74 : i32
      %get3A = arith.index_cast %mul3A_75 : i32 to index
      %get3A_76 = tpu.vector_load %arg21[%get3A] {strides = array<i32>} : memref<4096xi32, #tpu.memory_space<vmem>>, vector<16xi32>,
      %add3A_77 = arith.constant 1 : i32
      %add3A_78 = vector.broadcast %add3A_77 : i32 to vector<16xi32>
      %add3A_79 = arith.addi %get3A_76, %add3A_78 : vector<16xi32>
      %swap3A = arith.index_cast %mul3A_75 : i32 to index
      %swap3A_80 = tpu.vector_load %arg21[%swap3A] {strides = array<i32>} : memref<4096xi32, #tpu.memory_space<vmem>>, vector<16xi32>,
      tpu.vector_store %arg21[%swap3A], %add3A_79 {strides = array<i32>} : memref<4096xi32, #tpu.memory_space<vmem>>, vector<16xi32>,
      %get3A_81 = arith.index_cast %mul3A_75 : i32 to index
      %get3A_82 = tpu.vector_load %arg22[%get3A_81] {strides = array<i32>} : memref<4096xf32, #tpu.memory_space<vmem>>, vector<16xf32>,
      %get3A_83 = arith.index_cast %mul3A_75 : i32 to index
      %get3A_84 = tpu.vector_load %arg23[%get3A_83] {strides = array<i32>} : memref<4096xf32, #tpu.memory_space<vmem>>, vector<16xf32>,
      %add3A_85 = arith.addf %get3A_82, %get3A_84 : vector<16xf32>
      %swap3A_86 = arith.index_cast %mul3A_75 : i32 to index
      %swap3A_87 = tpu.vector_load %arg22[%swap3A_86] {strides = array<i32>} : memref<4096xf32, #tpu.memory_space<vmem>>, vector<16xf32>,
      tpu.vector_store %arg22[%swap3A_86], %add3A_85 {strides = array<i32>} : memref<4096xf32, #tpu.memory_space<vmem>>, vector<16xf32>,
    }
    %scan3A_58 = arith.constant 256 : i32
    "tpu.region"() ({
      %run_scoped3A = tpu.sem_alloc : memref<!tpu.dma_semaphore, #tpu.memory_space<semaphore_mem>>
      %dma_start3A = tpu.memref_slice %arg12[%mul3A_2] : memref<131072xi32, #tpu.memory_space<hbm>> -> memref<4096xi32, #tpu.memory_space<hbm>>
      %dma_start3A_73 = tpu.memref_slice %arg12[%mul3A_2] : memref<131072xi32, #tpu.memory_space<hbm>> -> memref<4096xi32, #tpu.memory_space<hbm>>
      tpu.enqueue_dma source(%arg21 : memref<4096xi32, #tpu.memory_space<vmem>>) target(%dma_start3A_73 : memref<4096xi32, #tpu.memory_space<hbm>>) target_semaphore(%run_scoped3A : memref<!tpu.dma_semaphore, #tpu.memory_space<semaphore_mem>>)
      %dma_wait3A_74 = tpu.memref_slice %arg12[%mul3A_2] : memref<131072xi32, #tpu.memory_space<hbm>> -> memref<4096xi32, #tpu.memory_space<hbm>>
      %dma_wait3A_75 = tpu.memref_slice %arg12[%mul3A_2] : memref<131072xi32, #tpu.memory_space<hbm>> -> memref<4096xi32, #tpu.memory_space<hbm>>
      tpu.wait_dma2 semaphore(%run_scoped3A : memref<!tpu.dma_semaphore, #tpu.memory_space<semaphore_mem>>) src(%arg21 : memref<4096xi32, #tpu.memory_space<vmem>>) dst(%dma_wait3A_75 : memref<4096xi32, #tpu.memory_space<hbm>>)
      tpu.yield
    }) : () -> ()
    "tpu.region"() ({
      %run_scoped3A = tpu.sem_alloc : memref<!tpu.dma_semaphore, #tpu.memory_space<semaphore_mem>>
      %dma_start3A = tpu.memref_slice %arg13[%mul3A_2] : memref<131072xf32, #tpu.memory_space<hbm>> -> memref<4096xf32, #tpu.memory_space<hbm>>
      %dma_start3A_73 = tpu.memref_slice %arg13[%mul3A_2] : memref<131072xf32, #tpu.memory_space<hbm>> -> memref<4096xf32, #tpu.memory_space<hbm>>
      tpu.enqueue_dma source(%arg22 : memref<4096xf32, #tpu.memory_space<vmem>>) target(%dma_start3A_73 : memref<4096xf32, #tpu.memory_space<hbm>>) target_semaphore(%run_scoped3A : memref<!tpu.dma_semaphore, #tpu.memory_space<semaphore_mem>>)
      %dma_wait3A_74 = tpu.memref_slice %arg13[%mul3A_2] : memref<131072xf32, #tpu.memory_space<hbm>> -> memref<4096xf32, #tpu.memory_space<hbm>>
      %dma_wait3A_75 = tpu.memref_slice %arg13[%mul3A_2] : memref<131072xf32, #tpu.memory_space<hbm>> -> memref<4096xf32, #tpu.memory_space<hbm>>
      tpu.wait_dma2 semaphore(%run_scoped3A : memref<!tpu.dma_semaphore, #tpu.memory_space<semaphore_mem>>) src(%arg22 : memref<4096xf32, #tpu.memory_space<vmem>>) dst(%dma_wait3A_75 : memref<4096xf32, #tpu.memory_space<hbm>>)
      tpu.yield
    }) : () -> ()
    %dma_wait3A_59 = arith.constant 0 : i32
    %dma_wait3A_60 = tpu.memref_slice %arg9[%dma_wait3A_59] : memref<262144xf32, #tpu.memory_space<hbm>> -> memref<1280xf32, #tpu.memory_space<hbm>>
    %dma_wait3A_61 = arith.constant 0 : i32
    %dma_wait3A_62 = tpu.memref_slice %arg9[%dma_wait3A_61] : memref<262144xf32, #tpu.memory_space<hbm>> -> memref<1280xf32, #tpu.memory_space<hbm>>
    tpu.wait_dma2 semaphore(%arg31 : memref<!tpu.dma_semaphore, #tpu.memory_space<semaphore_mem>>) src(%dma_wait3A_62 : memref<1280xf32, #tpu.memory_space<hbm>>) dst(%arg29 : memref<1280xf32, #tpu.memory_space<vmem>>)
    %dma_wait3A_63 = arith.constant 0 : i32
    %dma_wait3A_64 = tpu.memref_slice %arg9[%dma_wait3A_63] : memref<262144xf32, #tpu.memory_space<hbm>> -> memref<1280xf32, #tpu.memory_space<hbm>>
    %dma_wait3A_65 = arith.constant 0 : i32
    %dma_wait3A_66 = tpu.memref_slice %arg9[%dma_wait3A_65] : memref<262144xf32, #tpu.memory_space<hbm>> -> memref<1280xf32, #tpu.memory_space<hbm>>
    tpu.wait_dma2 semaphore(%arg31 : memref<!tpu.dma_semaphore, #tpu.memory_space<semaphore_mem>>) src(%dma_wait3A_66 : memref<1280xf32, #tpu.memory_space<hbm>>) dst(%arg30 : memref<1280xf32, #tpu.memory_space<vmem>>)
    %scan3A_67 = arith.constant 0 : i32
    %scan3A_68 = arith.constant 0 : i32
    %scan3A_69 = arith.constant 80 : i32
    %scan3A_70 = arith.addi %scan3A_68, %scan3A_69 : i32
    %scan3A_71 = arith.constant 1 : i32
    scf.for %scan3A_73 = %scan3A_68 to %scan3A_70 step %scan3A_71  : i32 {
      %mul3A_74 = arith.constant 16 : i32
      %mul3A_75 = arith.muli %scan3A_73, %mul3A_74 : i32
      %get3A = arith.index_cast %mul3A_75 : i32 to index
      %get3A_76 = tpu.vector_load %arg29[%get3A] {strides = array<i32>} : memref<1280xf32, #tpu.memory_space<vmem>>, vector<16xf32>,
      %get3A_77 = arith.index_cast %mul3A_75 : i32 to index
      %get3A_78 = tpu.vector_load %arg30[%get3A_77] {strides = array<i32>} : memref<1280xf32, #tpu.memory_space<vmem>>, vector<16xf32>,
      %add3A_79 = arith.addf %get3A_76, %get3A_78 : vector<16xf32>
      %swap3A = arith.index_cast %mul3A_75 : i32 to index
      %swap3A_80 = tpu.vector_load %arg29[%swap3A] {strides = array<i32>} : memref<1280xf32, #tpu.memory_space<vmem>>, vector<16xf32>,
      tpu.vector_store %arg29[%swap3A], %add3A_79 {strides = array<i32>} : memref<1280xf32, #tpu.memory_space<vmem>>, vector<16xf32>,
    }
    %scan3A_72 = arith.constant 80 : i32
    "tpu.region"() ({
      %run_scoped3A = tpu.sem_alloc : memref<!tpu.dma_semaphore, #tpu.memory_space<semaphore_mem>>
      %dma_start3A = tpu.memref_slice %arg14[%mul3A_4] : memref<40960xf32, #tpu.memory_space<hbm>> -> memref<1280xf32, #tpu.memory_space<hbm>>
      %dma_start3A_73 = tpu.memref_slice %arg14[%mul3A_4] : memref<40960xf32, #tpu.memory_space<hbm>> -> memref<1280xf32, #tpu.memory_space<hbm>>
      tpu.enqueue_dma source(%arg29 : memref<1280xf32, #tpu.memory_space<vmem>>) target(%dma_start3A_73 : memref<1280xf32, #tpu.memory_space<hbm>>) target_semaphore(%run_scoped3A : memref<!tpu.dma_semaphore, #tpu.memory_space<semaphore_mem>>)
      %dma_wait3A_74 = tpu.memref_slice %arg14[%mul3A_4] : memref<40960xf32, #tpu.memory_space<hbm>> -> memref<1280xf32, #tpu.memory_space<hbm>>
      %dma_wait3A_75 = tpu.memref_slice %arg14[%mul3A_4] : memref<40960xf32, #tpu.memory_space<hbm>> -> memref<1280xf32, #tpu.memory_space<hbm>>
      tpu.wait_dma2 semaphore(%run_scoped3A : memref<!tpu.dma_semaphore, #tpu.memory_space<semaphore_mem>>) src(%arg29 : memref<1280xf32, #tpu.memory_space<vmem>>) dst(%dma_wait3A_75 : memref<1280xf32, #tpu.memory_space<hbm>>)
      tpu.yield
    }) : () -> ()
    return
  }
}

#map = affine_map<(d0, d1) -> (0)>
#map1 = affine_map<(d0, d1) -> (0, 0, 0)>
module attributes {stable_mosaic.version = 14 : i64} {
  func.func @_sc_body(%arg0: i32, %arg1: i32, %arg2: memref<131072xi32, #tpu.memory_space<hbm>>, %arg3: memref<131072xf32, #tpu.memory_space<hbm>>, %arg4: memref<4097xi32, #tpu.memory_space<hbm>>, %arg5: memref<100000xi32, #tpu.memory_space<hbm>>, %arg6: memref<32x10x128xi32, #tpu.memory_space<hbm>>, %arg7: memref<100001xi32, #tpu.memory_space<hbm>>, %arg8: memref<100001xi32, #tpu.memory_space<hbm>>, %arg9: memref<262144xf32, #tpu.memory_space<hbm>>, %arg10: memref<262144xf32, #tpu.memory_space<hbm>>, %arg11: memref<262144xf32, #tpu.memory_space<hbm>>, %arg12: memref<131072xi32, #tpu.memory_space<hbm>>, %arg13: memref<131072xf32, #tpu.memory_space<hbm>>, %arg14: memref<40960xf32, #tpu.memory_space<hbm>>, %arg15: memref<4096xi32, #tpu.memory_space<vmem>>, %arg16: memref<4096xf32, #tpu.memory_space<vmem>>, %arg17: memref<4097xi32, #tpu.memory_space<vmem>>, %arg18: memref<32x128xi32, #tpu.memory_space<vmem>>, %arg19: memref<32x128xi32, #tpu.memory_space<vmem>>, %arg20: memref<32x128xi32, #tpu.memory_space<vmem>>, %arg21: memref<4096xi32, #tpu.memory_space<vmem>>, %arg22: memref<4096xf32, #tpu.memory_space<vmem>>, %arg23: memref<4096xf32, #tpu.memory_space<vmem>>, %arg24: memref<10x128xi32, #tpu.memory_space<vmem>>, %arg25: memref<1280xi32, #tpu.memory_space<vmem>>, %arg26: memref<1280xi32, #tpu.memory_space<vmem>>, %arg27: memref<10x128xi32, #tpu.memory_space<vmem>>, %arg28: memref<10x128xi32, #tpu.memory_space<vmem>>, %arg29: memref<1280xf32, #tpu.memory_space<vmem>>, %arg30: memref<1280xf32, #tpu.memory_space<vmem>>, %arg31: memref<!tpu.dma_semaphore, #tpu.memory_space<semaphore_mem>>) attributes {dimension_semantics = [#tpu.dimension_semantics<core_parallel>, #tpu.dimension_semantics<subcore_parallel>], iteration_bounds = array<i64: 2, 16>, scalar_prefetch = 0 : i64, scratch_operands = 17 : i64, tpu.core_type = #tpu.core_type<sc_vector_subcore>, window_params = [{transform_indices = #map}, {transform_indices = #map}, {transform_indices = #map}, {transform_indices = #map}, {transform_indices = #map1}, {transform_indices = #map}, {transform_indices = #map}, {transform_indices = #map}, {transform_indices = #map}, {transform_indices = #map}, {transform_indices = #map}, {transform_indices = #map}, {transform_indices = #map}]} {
    %mul3A = arith.constant 2 : i32
    %mul3A_0 = arith.muli %arg1, %mul3A : i32
    %add3A = arith.addi %mul3A_0, %arg0 : i32
    %mul3A_1 = arith.constant 4096 : i32
    %mul3A_2 = arith.muli %add3A, %mul3A_1 : i32
    %mul3A_3 = arith.constant 1280 : i32
    %mul3A_4 = arith.muli %add3A, %mul3A_3 : i32
    "tpu.region"() ({
      %run_scoped3A = tpu.sem_alloc : memref<!tpu.dma_semaphore, #tpu.memory_space<semaphore_mem>>
      %dma_start3A = tpu.memref_slice %arg2[%mul3A_2] : memref<131072xi32, #tpu.memory_space<hbm>> -> memref<4096xi32, #tpu.memory_space<hbm>>
      %dma_start3A_73 = tpu.memref_slice %arg2[%mul3A_2] : memref<131072xi32, #tpu.memory_space<hbm>> -> memref<4096xi32, #tpu.memory_space<hbm>>
      tpu.enqueue_dma source(%dma_start3A_73 : memref<4096xi32, #tpu.memory_space<hbm>>) target(%arg15 : memref<4096xi32, #tpu.memory_space<vmem>>) target_semaphore(%run_scoped3A : memref<!tpu.dma_semaphore, #tpu.memory_space<semaphore_mem>>)
      %dma_wait3A_74 = tpu.memref_slice %arg2[%mul3A_2] : memref<131072xi32, #tpu.memory_space<hbm>> -> memref<4096xi32, #tpu.memory_space<hbm>>
      %dma_wait3A_75 = tpu.memref_slice %arg2[%mul3A_2] : memref<131072xi32, #tpu.memory_space<hbm>> -> memref<4096xi32, #tpu.memory_space<hbm>>
      tpu.wait_dma2 semaphore(%run_scoped3A : memref<!tpu.dma_semaphore, #tpu.memory_space<semaphore_mem>>) src(%dma_wait3A_75 : memref<4096xi32, #tpu.memory_space<hbm>>) dst(%arg15 : memref<4096xi32, #tpu.memory_space<vmem>>)
      tpu.yield
    }) : () -> ()
    "tpu.region"() ({
      %run_scoped3A = tpu.sem_alloc : memref<!tpu.dma_semaphore, #tpu.memory_space<semaphore_mem>>
      %dma_start3A = tpu.memref_slice %arg3[%mul3A_2] : memref<131072xf32, #tpu.memory_space<hbm>> -> memref<4096xf32, #tpu.memory_space<hbm>>
      %dma_start3A_73 = tpu.memref_slice %arg3[%mul3A_2] : memref<131072xf32, #tpu.memory_space<hbm>> -> memref<4096xf32, #tpu.memory_space<hbm>>
      tpu.enqueue_dma source(%dma_start3A_73 : memref<4096xf32, #tpu.memory_space<hbm>>) target(%arg16 : memref<4096xf32, #tpu.memory_space<vmem>>) target_semaphore(%run_scoped3A : memref<!tpu.dma_semaphore, #tpu.memory_space<semaphore_mem>>)
      %dma_wait3A_74 = tpu.memref_slice %arg3[%mul3A_2] : memref<131072xf32, #tpu.memory_space<hbm>> -> memref<4096xf32, #tpu.memory_space<hbm>>
      %dma_wait3A_75 = tpu.memref_slice %arg3[%mul3A_2] : memref<131072xf32, #tpu.memory_space<hbm>> -> memref<4096xf32, #tpu.memory_space<hbm>>
      tpu.wait_dma2 semaphore(%run_scoped3A : memref<!tpu.dma_semaphore, #tpu.memory_space<semaphore_mem>>) src(%dma_wait3A_75 : memref<4096xf32, #tpu.memory_space<hbm>>) dst(%arg16 : memref<4096xf32, #tpu.memory_space<vmem>>)
      tpu.yield
    }) : () -> ()
    "tpu.region"() ({
      %run_scoped3A = tpu.sem_alloc : memref<!tpu.dma_semaphore, #tpu.memory_space<semaphore_mem>>
      tpu.enqueue_dma source(%arg4 : memref<4097xi32, #tpu.memory_space<hbm>>) target(%arg17 : memref<4097xi32, #tpu.memory_space<vmem>>) target_semaphore(%run_scoped3A : memref<!tpu.dma_semaphore, #tpu.memory_space<semaphore_mem>>)
      tpu.wait_dma2 semaphore(%run_scoped3A : memref<!tpu.dma_semaphore, #tpu.memory_space<semaphore_mem>>) src(%arg4 : memref<4097xi32, #tpu.memory_space<hbm>>) dst(%arg17 : memref<4097xi32, #tpu.memory_space<vmem>>)
      tpu.yield
    }) : () -> ()
    "tpu.region"() ({
      %run_scoped3A = tpu.sem_alloc : memref<!tpu.dma_semaphore, #tpu.memory_space<semaphore_mem>>
      %dma_start3A = arith.constant 0 : i32
      %dma_start3A_73 = arith.constant 0 : i32
      %dma_start3A_74 = tpu.memref_slice %arg6[%add3A, %dma_start3A, %dma_start3A_73] : memref<32x10x128xi32, #tpu.memory_space<hbm>> -> memref<1x10x128xi32, #tpu.memory_space<hbm>>
      %dma_start3A_75 = tpu.memref_squeeze %dma_start3A_74 : memref<1x10x128xi32, #tpu.memory_space<hbm>> -> memref<10x128xi32, #tpu.memory_space<hbm>>
      %dma_start3A_76 = arith.constant 0 : i32
      %dma_start3A_77 = arith.constant 0 : i32
      %dma_start3A_78 = tpu.memref_slice %arg6[%add3A, %dma_start3A_76, %dma_start3A_77] : memref<32x10x128xi32, #tpu.memory_space<hbm>> -> memref<1x10x128xi32, #tpu.memory_space<hbm>>
      %dma_start3A_79 = tpu.memref_squeeze %dma_start3A_78 : memref<1x10x128xi32, #tpu.memory_space<hbm>> -> memref<10x128xi32, #tpu.memory_space<hbm>>
      tpu.enqueue_dma source(%dma_start3A_79 : memref<10x128xi32, #tpu.memory_space<hbm>>) target(%arg24 : memref<10x128xi32, #tpu.memory_space<vmem>>) target_semaphore(%run_scoped3A : memref<!tpu.dma_semaphore, #tpu.memory_space<semaphore_mem>>)
      %dma_wait3A_80 = arith.constant 0 : i32
      %dma_wait3A_81 = arith.constant 0 : i32
      %dma_wait3A_82 = tpu.memref_slice %arg6[%add3A, %dma_wait3A_80, %dma_wait3A_81] : memref<32x10x128xi32, #tpu.memory_space<hbm>> -> memref<1x10x128xi32, #tpu.memory_space<hbm>>
      %dma_wait3A_83 = tpu.memref_squeeze %dma_wait3A_82 : memref<1x10x128xi32, #tpu.memory_space<hbm>> -> memref<10x128xi32, #tpu.memory_space<hbm>>
      %dma_wait3A_84 = arith.constant 0 : i32
      %dma_wait3A_85 = arith.constant 0 : i32
      %dma_wait3A_86 = tpu.memref_slice %arg6[%add3A, %dma_wait3A_84, %dma_wait3A_85] : memref<32x10x128xi32, #tpu.memory_space<hbm>> -> memref<1x10x128xi32, #tpu.memory_space<hbm>>
      %dma_wait3A_87 = tpu.memref_squeeze %dma_wait3A_86 : memref<1x10x128xi32, #tpu.memory_space<hbm>> -> memref<10x128xi32, #tpu.memory_space<hbm>>
      tpu.wait_dma2 semaphore(%run_scoped3A : memref<!tpu.dma_semaphore, #tpu.memory_space<semaphore_mem>>) src(%dma_wait3A_87 : memref<10x128xi32, #tpu.memory_space<hbm>>) dst(%arg24 : memref<10x128xi32, #tpu.memory_space<vmem>>)
      tpu.yield
    }) : () -> ()
    %scan3A = arith.constant 0 : i32
    %scan3A_5 = arith.constant 0 : i32
    %scan3A_6 = arith.constant 256 : i32
    %scan3A_7 = arith.addi %scan3A_5, %scan3A_6 : i32
    %scan3A_8 = arith.constant 1 : i32
    scf.for %scan3A_73 = %scan3A_5 to %scan3A_7 step %scan3A_8  : i32 {
      %mul3A_74 = arith.constant 16 : i32
      %mul3A_75 = arith.muli %scan3A_73, %mul3A_74 : i32
      %jit3A = arith.constant 8 : i32
      %div3A = arith.divsi %scan3A_73, %jit3A : i32
      %sign3A = arith.constant 0 : i32
      %sign3A_76 = arith.cmpi sgt, %scan3A_73, %sign3A : i32
      %sign3A_77 = arith.extui %sign3A_76 : i1 to i32
      %sign3A_78 = arith.constant 0 : i32
      %sign3A_79 = arith.cmpi slt, %scan3A_73, %sign3A_78 : i32
      %sign3A_80 = arith.extui %sign3A_79 : i1 to i32
      %sign3A_81 = arith.subi %sign3A_77, %sign3A_80 : i32
      %sign3A_82 = arith.constant 0 : i32
      %sign3A_83 = arith.cmpi sgt, %jit3A, %sign3A_82 : i32
      %sign3A_84 = arith.extui %sign3A_83 : i1 to i32
      %sign3A_85 = arith.constant 0 : i32
      %sign3A_86 = arith.cmpi slt, %jit3A, %sign3A_85 : i32
      %sign3A_87 = arith.extui %sign3A_86 : i1 to i32
      %sign3A_88 = arith.subi %sign3A_84, %sign3A_87 : i32
      %ne3A = arith.cmpi ne, %sign3A_81, %sign3A_88 : i32
      %rem3A = arith.remsi %scan3A_73, %jit3A : i32
      %ne3A_89 = arith.constant 0 : i32
      %ne3A_90 = arith.cmpi ne, %rem3A, %ne3A_89 : i32
      %and3A = arith.andi %ne3A, %ne3A_90 : i1
      %sub3A = arith.constant 1 : i32
      %sub3A_91 = arith.subi %div3A, %sub3A : i32
      %select_n3A = arith.select %and3A, %sub3A_91, %div3A : i32
      %jit3A_92 = arith.constant 8 : i32
      %eq3A = arith.constant 0 : i32
      %eq3A_93 = arith.cmpi eq, %jit3A_92, %eq3A : i32
      %jit3A_94 = arith.constant 1 : i32
      %select_n3A_95 = arith.select %eq3A_93, %jit3A_94, %jit3A_92 : i32
      %rem3A_96 = arith.remsi %scan3A_73, %select_n3A_95 : i32
      %ne3A_97 = arith.constant 0 : i32
      %ne3A_98 = arith.cmpi ne, %rem3A_96, %ne3A_97 : i32
      %lt3A = arith.constant 0 : i32
      %lt3A_99 = arith.cmpi slt, %rem3A_96, %lt3A : i32
      %lt3A_100 = arith.constant 0 : i32
      %lt3A_101 = arith.cmpi slt, %select_n3A_95, %lt3A_100 : i32
      %ne3A_102 = arith.xori %lt3A_99, %lt3A_101 : i1
      %and3A_103 = arith.andi %ne3A_102, %ne3A_98 : i1
      %add3A_104 = arith.addi %rem3A_96, %select_n3A_95 : i32
      %select_n3A_105 = arith.select %and3A_103, %add3A_104, %rem3A_96 : i32
      %mul3A_106 = arith.constant 16 : i32
      %mul3A_107 = arith.muli %select_n3A_105, %mul3A_106 : i32
      %get3A = arith.index_cast %mul3A_75 : i32 to index
      %get3A_108 = tpu.vector_load %arg15[%get3A] {strides = array<i32>} : memref<4096xi32, #tpu.memory_space<vmem>>, vector<16xi32>,
      %gather3A = tpu.vector_load_idx %arg17[%get3A_108] : memref<4097xi32, #tpu.memory_space<vmem>>[vector<16xi32>], vector<16xi32>,
      %add3A_109 = arith.constant 1 : i32
      %add3A_110 = vector.broadcast %add3A_109 : i32 to vector<16xi32>
      %add3A_111 = arith.addi %get3A_108, %add3A_110 : vector<16xi32>
      %gather3A_112 = tpu.vector_load_idx %arg17[%add3A_111] : memref<4097xi32, #tpu.memory_space<vmem>>[vector<16xi32>], vector<16xi32>,
      %sub3A_113 = arith.subi %gather3A_112, %gather3A : vector<16xi32>
      %convert_element_type3A = arith.sitofp %sub3A_113 : vector<16xi32> to vector<16xf32>
      %get3A_114 = arith.index_cast %mul3A_75 : i32 to index
      %get3A_115 = tpu.vector_load %arg16[%get3A_114] {strides = array<i32>} : memref<4096xf32, #tpu.memory_space<vmem>>, vector<16xf32>,
      %mul3A_116 = arith.mulf %convert_element_type3A, %get3A_115 : vector<16xf32>
      %convert_element_type3A_117 = arith.fptosi %mul3A_116 : vector<16xf32> to vector<16xi32>
      %add3A_118 = arith.addi %convert_element_type3A_117, %gather3A : vector<16xi32>
      %swap3A = arith.index_cast %select_n3A : i32 to index
      %swap3A_119 = arith.index_cast %mul3A_107 : i32 to index
      %swap3A_120 = tpu.vector_load %arg18[%swap3A, %swap3A_119] {strides = array<i32>} : memref<32x128xi32, #tpu.memory_space<vmem>>, vector<16xi32>,
      tpu.vector_store %arg18[%swap3A, %swap3A_119], %add3A_118 {strides = array<i32>} : memref<32x128xi32, #tpu.memory_space<vmem>>, vector<16xi32>,
      %mul3A_121 = arith.constant 16 : i32
      %mul3A_122 = arith.muli %scan3A_73, %mul3A_121 : i32
      %add3A_123 = arith.addi %mul3A_2, %mul3A_122 : i32
      %iota3A = tpu.iota {dimensions = array<i32: 0>} : vector<16xi32>
      %add3A_124 = vector.broadcast %add3A_123 : i32 to vector<16xi32>
      %add3A_125 = arith.addi %add3A_124, %iota3A : vector<16xi32>
      %shift_right_logical3A = arith.constant 6 : i32
      %shift_right_logical3A_126 = vector.broadcast %shift_right_logical3A : i32 to vector<16xi32>
      %shift_right_logical3A_127 = arith.shrui %add3A_125, %shift_right_logical3A_126 : vector<16xi32>
      %shift_left3A = arith.constant 7 : i32
      %shift_left3A_128 = vector.broadcast %shift_left3A : i32 to vector<16xi32>
      %shift_left3A_129 = arith.shli %shift_right_logical3A_127, %shift_left3A_128 : vector<16xi32>
      %shift_right_logical3A_130 = arith.constant 6 : i32
      %shift_right_logical3A_131 = vector.broadcast %shift_right_logical3A_130 : i32 to vector<16xi32>
      %shift_right_logical3A_132 = arith.shrui %get3A_108, %shift_right_logical3A_131 : vector<16xi32>
      %add3A_133 = arith.addi %shift_left3A_129, %shift_right_logical3A_132 : vector<16xi32>
      %swap3A_134 = arith.index_cast %select_n3A : i32 to index
      %swap3A_135 = arith.index_cast %mul3A_107 : i32 to index
      %swap3A_136 = tpu.vector_load %arg19[%swap3A_134, %swap3A_135] {strides = array<i32>} : memref<32x128xi32, #tpu.memory_space<vmem>>, vector<16xi32>,
      tpu.vector_store %arg19[%swap3A_134, %swap3A_135], %add3A_133 {strides = array<i32>} : memref<32x128xi32, #tpu.memory_space<vmem>>, vector<16xi32>,
      %add3A_137 = arith.constant 64 : i32
      %add3A_138 = vector.broadcast %add3A_137 : i32 to vector<16xi32>
      %add3A_139 = arith.addi %shift_left3A_129, %add3A_138 : vector<16xi32>
      %and3A_140 = arith.constant 63 : i32
      %and3A_141 = vector.broadcast %and3A_140 : i32 to vector<16xi32>
      %and3A_142 = arith.andi %get3A_108, %and3A_141 : vector<16xi32>
      %add3A_143 = arith.addi %add3A_139, %and3A_142 : vector<16xi32>
      %swap3A_144 = arith.index_cast %select_n3A : i32 to index
      %swap3A_145 = arith.index_cast %mul3A_107 : i32 to index
      %swap3A_146 = tpu.vector_load %arg20[%swap3A_144, %swap3A_145] {strides = array<i32>} : memref<32x128xi32, #tpu.memory_space<vmem>>, vector<16xi32>,
      tpu.vector_store %arg20[%swap3A_144, %swap3A_145], %add3A_143 {strides = array<i32>} : memref<32x128xi32, #tpu.memory_space<vmem>>, vector<16xi32>,
    }
    %scan3A_9 = arith.constant 256 : i32
    %scan3A_10 = arith.constant 0 : i32
    %scan3A_11 = arith.constant 0 : i32
    %scan3A_12 = arith.constant 32 : i32
    %scan3A_13 = arith.addi %scan3A_11, %scan3A_12 : i32
    %scan3A_14 = arith.constant 1 : i32
    scf.for %scan3A_73 = %scan3A_11 to %scan3A_13 step %scan3A_14  : i32 {
      %mul3A_74 = arith.constant 128 : i32
      %mul3A_75 = arith.muli %scan3A_73, %mul3A_74 : i32
      %dma_start3A = tpu.memref_slice %arg21[%mul3A_75] : memref<4096xi32, #tpu.memory_space<vmem>> -> memref<128xi32, #tpu.memory_space<vmem>>
      %dma_start3A_76 = arith.constant 0 : i32
      %dma_start3A_77 = tpu.memref_slice %arg18[%scan3A_73, %dma_start3A_76] : memref<32x128xi32, #tpu.memory_space<vmem>> -> memref<1x128xi32, #tpu.memory_space<vmem>>
      %dma_start3A_78 = tpu.memref_squeeze %dma_start3A_77 : memref<1x128xi32, #tpu.memory_space<vmem>> -> memref<128xi32, #tpu.memory_space<vmem>>
      %dma_start3A_79 = arith.constant 0 : i32
      %dma_start3A_80 = tpu.memref_slice %arg5[%dma_start3A_79] : memref<100000xi32, #tpu.memory_space<hbm>> -> memref<100000xi32, #tpu.memory_space<hbm>>
      tpu.enqueue_indirect_dma source(%dma_start3A_80 : memref<100000xi32, #tpu.memory_space<hbm>>) target(%dma_start3A : memref<128xi32, #tpu.memory_space<vmem>>) offsets(%dma_start3A_78 : memref<128xi32, #tpu.memory_space<vmem>>) semaphore(%arg31 : memref<!tpu.dma_semaphore, #tpu.memory_space<semaphore_mem>>)
      %dma_start3A_81 = tpu.memref_slice %arg22[%mul3A_75] : memref<4096xf32, #tpu.memory_space<vmem>> -> memref<128xf32, #tpu.memory_space<vmem>>
      %dma_start3A_82 = arith.constant 0 : i32
      %dma_start3A_83 = tpu.memref_slice %arg19[%scan3A_73, %dma_start3A_82] : memref<32x128xi32, #tpu.memory_space<vmem>> -> memref<1x128xi32, #tpu.memory_space<vmem>>
      %dma_start3A_84 = tpu.memref_squeeze %dma_start3A_83 : memref<1x128xi32, #tpu.memory_space<vmem>> -> memref<128xi32, #tpu.memory_space<vmem>>
      %dma_start3A_85 = arith.constant 0 : i32
      %dma_start3A_86 = tpu.memref_slice %arg11[%dma_start3A_85] : memref<262144xf32, #tpu.memory_space<hbm>> -> memref<262144xf32, #tpu.memory_space<hbm>>
      tpu.enqueue_indirect_dma source(%dma_start3A_86 : memref<262144xf32, #tpu.memory_space<hbm>>) target(%dma_start3A_81 : memref<128xf32, #tpu.memory_space<vmem>>) offsets(%dma_start3A_84 : memref<128xi32, #tpu.memory_space<vmem>>) semaphore(%arg31 : memref<!tpu.dma_semaphore, #tpu.memory_space<semaphore_mem>>)
      %dma_start3A_87 = tpu.memref_slice %arg23[%mul3A_75] : memref<4096xf32, #tpu.memory_space<vmem>> -> memref<128xf32, #tpu.memory_space<vmem>>
      %dma_start3A_88 = arith.constant 0 : i32
      %dma_start3A_89 = tpu.memref_slice %arg20[%scan3A_73, %dma_start3A_88] : memref<32x128xi32, #tpu.memory_space<vmem>> -> memref<1x128xi32, #tpu.memory_space<vmem>>
      %dma_start3A_90 = tpu.memref_squeeze %dma_start3A_89 : memref<1x128xi32, #tpu.memory_space<vmem>> -> memref<128xi32, #tpu.memory_space<vmem>>
      %dma_start3A_91 = arith.constant 0 : i32
      %dma_start3A_92 = tpu.memref_slice %arg11[%dma_start3A_91] : memref<262144xf32, #tpu.memory_space<hbm>> -> memref<262144xf32, #tpu.memory_space<hbm>>
      tpu.enqueue_indirect_dma source(%dma_start3A_92 : memref<262144xf32, #tpu.memory_space<hbm>>) target(%dma_start3A_87 : memref<128xf32, #tpu.memory_space<vmem>>) offsets(%dma_start3A_90 : memref<128xi32, #tpu.memory_space<vmem>>) semaphore(%arg31 : memref<!tpu.dma_semaphore, #tpu.memory_space<semaphore_mem>>)
    }
    %scan3A_15 = arith.constant 32 : i32
    %scan3A_16 = arith.constant 0 : i32
    %scan3A_17 = arith.constant 0 : i32
    %scan3A_18 = arith.constant 10 : i32
    %scan3A_19 = arith.addi %scan3A_17, %scan3A_18 : i32
    %scan3A_20 = arith.constant 1 : i32
    scf.for %scan3A_73 = %scan3A_17 to %scan3A_19 step %scan3A_20  : i32 {
      %mul3A_74 = arith.constant 128 : i32
      %mul3A_75 = arith.muli %scan3A_73, %mul3A_74 : i32
      %dma_start3A = tpu.memref_slice %arg25[%mul3A_75] : memref<1280xi32, #tpu.memory_space<vmem>> -> memref<128xi32, #tpu.memory_space<vmem>>
      %dma_start3A_76 = arith.constant 0 : i32
      %dma_start3A_77 = tpu.memref_slice %arg24[%scan3A_73, %dma_start3A_76] : memref<10x128xi32, #tpu.memory_space<vmem>> -> memref<1x128xi32, #tpu.memory_space<vmem>>
      %dma_start3A_78 = tpu.memref_squeeze %dma_start3A_77 : memref<1x128xi32, #tpu.memory_space<vmem>> -> memref<128xi32, #tpu.memory_space<vmem>>
      %dma_start3A_79 = arith.constant 0 : i32
      %dma_start3A_80 = tpu.memref_slice %arg7[%dma_start3A_79] : memref<100001xi32, #tpu.memory_space<hbm>> -> memref<100001xi32, #tpu.memory_space<hbm>>
      tpu.enqueue_indirect_dma source(%dma_start3A_80 : memref<100001xi32, #tpu.memory_space<hbm>>) target(%dma_start3A : memref<128xi32, #tpu.memory_space<vmem>>) offsets(%dma_start3A_78 : memref<128xi32, #tpu.memory_space<vmem>>) semaphore(%arg31 : memref<!tpu.dma_semaphore, #tpu.memory_space<semaphore_mem>>)
      %dma_start3A_81 = tpu.memref_slice %arg26[%mul3A_75] : memref<1280xi32, #tpu.memory_space<vmem>> -> memref<128xi32, #tpu.memory_space<vmem>>
      %dma_start3A_82 = arith.constant 0 : i32
      %dma_start3A_83 = tpu.memref_slice %arg24[%scan3A_73, %dma_start3A_82] : memref<10x128xi32, #tpu.memory_space<vmem>> -> memref<1x128xi32, #tpu.memory_space<vmem>>
      %dma_start3A_84 = tpu.memref_squeeze %dma_start3A_83 : memref<1x128xi32, #tpu.memory_space<vmem>> -> memref<128xi32, #tpu.memory_space<vmem>>
      %dma_start3A_85 = arith.constant 0 : i32
      %dma_start3A_86 = tpu.memref_slice %arg8[%dma_start3A_85] : memref<100001xi32, #tpu.memory_space<hbm>> -> memref<100001xi32, #tpu.memory_space<hbm>>
      tpu.enqueue_indirect_dma source(%dma_start3A_86 : memref<100001xi32, #tpu.memory_space<hbm>>) target(%dma_start3A_81 : memref<128xi32, #tpu.memory_space<vmem>>) offsets(%dma_start3A_84 : memref<128xi32, #tpu.memory_space<vmem>>) semaphore(%arg31 : memref<!tpu.dma_semaphore, #tpu.memory_space<semaphore_mem>>)
    }
    %scan3A_21 = arith.constant 10 : i32
    %dma_wait3A = arith.constant 0 : i32
    %dma_wait3A_22 = tpu.memref_slice %arg5[%dma_wait3A] : memref<100000xi32, #tpu.memory_space<hbm>> -> memref<4096xi32, #tpu.memory_space<hbm>>
    %dma_wait3A_23 = arith.constant 0 : i32
    %dma_wait3A_24 = tpu.memref_slice %arg5[%dma_wait3A_23] : memref<100000xi32, #tpu.memory_space<hbm>> -> memref<4096xi32, #tpu.memory_space<hbm>>
    tpu.wait_dma2 semaphore(%arg31 : memref<!tpu.dma_semaphore, #tpu.memory_space<semaphore_mem>>) src(%dma_wait3A_24 : memref<4096xi32, #tpu.memory_space<hbm>>) dst(%arg21 : memref<4096xi32, #tpu.memory_space<vmem>>)
    %dma_wait3A_25 = arith.constant 0 : i32
    %dma_wait3A_26 = tpu.memref_slice %arg11[%dma_wait3A_25] : memref<262144xf32, #tpu.memory_space<hbm>> -> memref<4096xf32, #tpu.memory_space<hbm>>
    %dma_wait3A_27 = arith.constant 0 : i32
    %dma_wait3A_28 = tpu.memref_slice %arg11[%dma_wait3A_27] : memref<262144xf32, #tpu.memory_space<hbm>> -> memref<4096xf32, #tpu.memory_space<hbm>>
    tpu.wait_dma2 semaphore(%arg31 : memref<!tpu.dma_semaphore, #tpu.memory_space<semaphore_mem>>) src(%dma_wait3A_28 : memref<4096xf32, #tpu.memory_space<hbm>>) dst(%arg22 : memref<4096xf32, #tpu.memory_space<vmem>>)
    %dma_wait3A_29 = arith.constant 0 : i32
    %dma_wait3A_30 = tpu.memref_slice %arg11[%dma_wait3A_29] : memref<262144xf32, #tpu.memory_space<hbm>> -> memref<4096xf32, #tpu.memory_space<hbm>>
    %dma_wait3A_31 = arith.constant 0 : i32
    %dma_wait3A_32 = tpu.memref_slice %arg11[%dma_wait3A_31] : memref<262144xf32, #tpu.memory_space<hbm>> -> memref<4096xf32, #tpu.memory_space<hbm>>
    tpu.wait_dma2 semaphore(%arg31 : memref<!tpu.dma_semaphore, #tpu.memory_space<semaphore_mem>>) src(%dma_wait3A_32 : memref<4096xf32, #tpu.memory_space<hbm>>) dst(%arg23 : memref<4096xf32, #tpu.memory_space<vmem>>)
    %dma_wait3A_33 = arith.constant 0 : i32
    %dma_wait3A_34 = tpu.memref_slice %arg7[%dma_wait3A_33] : memref<100001xi32, #tpu.memory_space<hbm>> -> memref<1280xi32, #tpu.memory_space<hbm>>
    %dma_wait3A_35 = arith.constant 0 : i32
    %dma_wait3A_36 = tpu.memref_slice %arg7[%dma_wait3A_35] : memref<100001xi32, #tpu.memory_space<hbm>> -> memref<1280xi32, #tpu.memory_space<hbm>>
    tpu.wait_dma2 semaphore(%arg31 : memref<!tpu.dma_semaphore, #tpu.memory_space<semaphore_mem>>) src(%dma_wait3A_36 : memref<1280xi32, #tpu.memory_space<hbm>>) dst(%arg25 : memref<1280xi32, #tpu.memory_space<vmem>>)
    %dma_wait3A_37 = arith.constant 0 : i32
    %dma_wait3A_38 = tpu.memref_slice %arg7[%dma_wait3A_37] : memref<100001xi32, #tpu.memory_space<hbm>> -> memref<1280xi32, #tpu.memory_space<hbm>>
    %dma_wait3A_39 = arith.constant 0 : i32
    %dma_wait3A_40 = tpu.memref_slice %arg7[%dma_wait3A_39] : memref<100001xi32, #tpu.memory_space<hbm>> -> memref<1280xi32, #tpu.memory_space<hbm>>
    tpu.wait_dma2 semaphore(%arg31 : memref<!tpu.dma_semaphore, #tpu.memory_space<semaphore_mem>>) src(%dma_wait3A_40 : memref<1280xi32, #tpu.memory_space<hbm>>) dst(%arg26 : memref<1280xi32, #tpu.memory_space<vmem>>)
    %scan3A_41 = arith.constant 0 : i32
    %scan3A_42 = arith.constant 0 : i32
    %scan3A_43 = arith.constant 80 : i32
    %scan3A_44 = arith.addi %scan3A_42, %scan3A_43 : i32
    %scan3A_45 = arith.constant 1 : i32
    scf.for %scan3A_73 = %scan3A_42 to %scan3A_44 step %scan3A_45  : i32 {
      %mul3A_74 = arith.constant 16 : i32
      %mul3A_75 = arith.muli %scan3A_73, %mul3A_74 : i32
      %mul3A_76 = arith.constant 16 : i32
      %mul3A_77 = arith.muli %scan3A_73, %mul3A_76 : i32
      %add3A_78 = arith.addi %mul3A_4, %mul3A_77 : i32
      %iota3A = tpu.iota {dimensions = array<i32: 0>} : vector<16xi32>
      %add3A_79 = vector.broadcast %add3A_78 : i32 to vector<16xi32>
      %add3A_80 = arith.addi %add3A_79, %iota3A : vector<16xi32>
      %div3A = arith.constant 20 : i32
      %div3A_81 = vector.broadcast %div3A : i32 to vector<16xi32>
      %div3A_82 = arith.divsi %add3A_80, %div3A_81 : vector<16xi32>
      %jit3A = arith.constant 8 : i32
      %div3A_83 = arith.divsi %scan3A_73, %jit3A : i32
      %sign3A = arith.constant 0 : i32
      %sign3A_84 = arith.cmpi sgt, %scan3A_73, %sign3A : i32
      %sign3A_85 = arith.extui %sign3A_84 : i1 to i32
      %sign3A_86 = arith.constant 0 : i32
      %sign3A_87 = arith.cmpi slt, %scan3A_73, %sign3A_86 : i32
      %sign3A_88 = arith.extui %sign3A_87 : i1 to i32
      %sign3A_89 = arith.subi %sign3A_85, %sign3A_88 : i32
      %sign3A_90 = arith.constant 0 : i32
      %sign3A_91 = arith.cmpi sgt, %jit3A, %sign3A_90 : i32
      %sign3A_92 = arith.extui %sign3A_91 : i1 to i32
      %sign3A_93 = arith.constant 0 : i32
      %sign3A_94 = arith.cmpi slt, %jit3A, %sign3A_93 : i32
      %sign3A_95 = arith.extui %sign3A_94 : i1 to i32
      %sign3A_96 = arith.subi %sign3A_92, %sign3A_95 : i32
      %ne3A = arith.cmpi ne, %sign3A_89, %sign3A_96 : i32
      %rem3A = arith.remsi %scan3A_73, %jit3A : i32
      %ne3A_97 = arith.constant 0 : i32
      %ne3A_98 = arith.cmpi ne, %rem3A, %ne3A_97 : i32
      %and3A = arith.andi %ne3A, %ne3A_98 : i1
      %sub3A = arith.constant 1 : i32
      %sub3A_99 = arith.subi %div3A_83, %sub3A : i32
      %select_n3A = arith.select %and3A, %sub3A_99, %div3A_83 : i32
      %jit3A_100 = arith.constant 8 : i32
      %eq3A = arith.constant 0 : i32
      %eq3A_101 = arith.cmpi eq, %jit3A_100, %eq3A : i32
      %jit3A_102 = arith.constant 1 : i32
      %select_n3A_103 = arith.select %eq3A_101, %jit3A_102, %jit3A_100 : i32
      %rem3A_104 = arith.remsi %scan3A_73, %select_n3A_103 : i32
      %ne3A_105 = arith.constant 0 : i32
      %ne3A_106 = arith.cmpi ne, %rem3A_104, %ne3A_105 : i32
      %lt3A = arith.constant 0 : i32
      %lt3A_107 = arith.cmpi slt, %rem3A_104, %lt3A : i32
      %lt3A_108 = arith.constant 0 : i32
      %lt3A_109 = arith.cmpi slt, %select_n3A_103, %lt3A_108 : i32
      %ne3A_110 = arith.xori %lt3A_107, %lt3A_109 : i1
      %and3A_111 = arith.andi %ne3A_110, %ne3A_106 : i1
      %add3A_112 = arith.addi %rem3A_104, %select_n3A_103 : i32
      %select_n3A_113 = arith.select %and3A_111, %add3A_112, %rem3A_104 : i32
      %mul3A_114 = arith.constant 16 : i32
      %mul3A_115 = arith.muli %select_n3A_113, %mul3A_114 : i32
      %mul3A_116 = arith.constant 128 : i32
      %mul3A_117 = vector.broadcast %mul3A_116 : i32 to vector<16xi32>
      %mul3A_118 = arith.muli %div3A_82, %mul3A_117 : vector<16xi32>
      %get3A = arith.index_cast %mul3A_75 : i32 to index
      %get3A_119 = tpu.vector_load %arg25[%get3A] {strides = array<i32>} : memref<1280xi32, #tpu.memory_space<vmem>>, vector<16xi32>,
      %add3A_120 = arith.addi %mul3A_118, %get3A_119 : vector<16xi32>
      %swap3A = arith.index_cast %select_n3A : i32 to index
      %swap3A_121 = arith.index_cast %mul3A_115 : i32 to index
      %swap3A_122 = tpu.vector_load %arg27[%swap3A, %swap3A_121] {strides = array<i32>} : memref<10x128xi32, #tpu.memory_space<vmem>>, vector<16xi32>,
      tpu.vector_store %arg27[%swap3A, %swap3A_121], %add3A_120 {strides = array<i32>} : memref<10x128xi32, #tpu.memory_space<vmem>>, vector<16xi32>,
      %mul3A_123 = arith.constant 128 : i32
      %mul3A_124 = vector.broadcast %mul3A_123 : i32 to vector<16xi32>
      %mul3A_125 = arith.muli %div3A_82, %mul3A_124 : vector<16xi32>
      %get3A_126 = arith.index_cast %mul3A_75 : i32 to index
      %get3A_127 = tpu.vector_load %arg26[%get3A_126] {strides = array<i32>} : memref<1280xi32, #tpu.memory_space<vmem>>, vector<16xi32>,
      %add3A_128 = arith.addi %mul3A_125, %get3A_127 : vector<16xi32>
      %swap3A_129 = arith.index_cast %select_n3A : i32 to index
      %swap3A_130 = arith.index_cast %mul3A_115 : i32 to index
      %swap3A_131 = tpu.vector_load %arg28[%swap3A_129, %swap3A_130] {strides = array<i32>} : memref<10x128xi32, #tpu.memory_space<vmem>>, vector<16xi32>,
      tpu.vector_store %arg28[%swap3A_129, %swap3A_130], %add3A_128 {strides = array<i32>} : memref<10x128xi32, #tpu.memory_space<vmem>>, vector<16xi32>,
    }
    %scan3A_46 = arith.constant 80 : i32
    %scan3A_47 = arith.constant 0 : i32
    %scan3A_48 = arith.constant 0 : i32
    %scan3A_49 = arith.constant 10 : i32
    %scan3A_50 = arith.addi %scan3A_48, %scan3A_49 : i32
    %scan3A_51 = arith.constant 1 : i32
    scf.for %scan3A_73 = %scan3A_48 to %scan3A_50 step %scan3A_51  : i32 {
      %mul3A_74 = arith.constant 128 : i32
      %mul3A_75 = arith.muli %scan3A_73, %mul3A_74 : i32
      %dma_start3A = tpu.memref_slice %arg29[%mul3A_75] : memref<1280xf32, #tpu.memory_space<vmem>> -> memref<128xf32, #tpu.memory_space<vmem>>
      %dma_start3A_76 = arith.constant 0 : i32
      %dma_start3A_77 = tpu.memref_slice %arg27[%scan3A_73, %dma_start3A_76] : memref<10x128xi32, #tpu.memory_space<vmem>> -> memref<1x128xi32, #tpu.memory_space<vmem>>
      %dma_start3A_78 = tpu.memref_squeeze %dma_start3A_77 : memref<1x128xi32, #tpu.memory_space<vmem>> -> memref<128xi32, #tpu.memory_space<vmem>>
      %dma_start3A_79 = arith.constant 0 : i32
      %dma_start3A_80 = tpu.memref_slice %arg9[%dma_start3A_79] : memref<262144xf32, #tpu.memory_space<hbm>> -> memref<262144xf32, #tpu.memory_space<hbm>>
      tpu.enqueue_indirect_dma source(%dma_start3A_80 : memref<262144xf32, #tpu.memory_space<hbm>>) target(%dma_start3A : memref<128xf32, #tpu.memory_space<vmem>>) offsets(%dma_start3A_78 : memref<128xi32, #tpu.memory_space<vmem>>) semaphore(%arg31 : memref<!tpu.dma_semaphore, #tpu.memory_space<semaphore_mem>>)
      %dma_start3A_81 = tpu.memref_slice %arg30[%mul3A_75] : memref<1280xf32, #tpu.memory_space<vmem>> -> memref<128xf32, #tpu.memory_space<vmem>>
      %dma_start3A_82 = arith.constant 0 : i32
      %dma_start3A_83 = tpu.memref_slice %arg28[%scan3A_73, %dma_start3A_82] : memref<10x128xi32, #tpu.memory_space<vmem>> -> memref<1x128xi32, #tpu.memory_space<vmem>>
      %dma_start3A_84 = tpu.memref_squeeze %dma_start3A_83 : memref<1x128xi32, #tpu.memory_space<vmem>> -> memref<128xi32, #tpu.memory_space<vmem>>
      %dma_start3A_85 = arith.constant 0 : i32
      %dma_start3A_86 = tpu.memref_slice %arg10[%dma_start3A_85] : memref<262144xf32, #tpu.memory_space<hbm>> -> memref<262144xf32, #tpu.memory_space<hbm>>
      tpu.enqueue_indirect_dma source(%dma_start3A_86 : memref<262144xf32, #tpu.memory_space<hbm>>) target(%dma_start3A_81 : memref<128xf32, #tpu.memory_space<vmem>>) offsets(%dma_start3A_84 : memref<128xi32, #tpu.memory_space<vmem>>) semaphore(%arg31 : memref<!tpu.dma_semaphore, #tpu.memory_space<semaphore_mem>>)
    }
    %scan3A_52 = arith.constant 10 : i32
    %scan3A_53 = arith.constant 0 : i32
    %scan3A_54 = arith.constant 0 : i32
    %scan3A_55 = arith.constant 256 : i32
    %scan3A_56 = arith.addi %scan3A_54, %scan3A_55 : i32
    %scan3A_57 = arith.constant 1 : i32
    scf.for %scan3A_73 = %scan3A_54 to %scan3A_56 step %scan3A_57  : i32 {
      %mul3A_74 = arith.constant 16 : i32
      %mul3A_75 = arith.muli %scan3A_73, %mul3A_74 : i32
      %get3A = arith.index_cast %mul3A_75 : i32 to index
      %get3A_76 = tpu.vector_load %arg21[%get3A] {strides = array<i32>} : memref<4096xi32, #tpu.memory_space<vmem>>, vector<16xi32>,
      %add3A_77 = arith.constant 1 : i32
      %add3A_78 = vector.broadcast %add3A_77 : i32 to vector<16xi32>
      %add3A_79 = arith.addi %get3A_76, %add3A_78 : vector<16xi32>
      %swap3A = arith.index_cast %mul3A_75 : i32 to index
      %swap3A_80 = tpu.vector_load %arg21[%swap3A] {strides = array<i32>} : memref<4096xi32, #tpu.memory_space<vmem>>, vector<16xi32>,
      tpu.vector_store %arg21[%swap3A], %add3A_79 {strides = array<i32>} : memref<4096xi32, #tpu.memory_space<vmem>>, vector<16xi32>,
      %get3A_81 = arith.index_cast %mul3A_75 : i32 to index
      %get3A_82 = tpu.vector_load %arg22[%get3A_81] {strides = array<i32>} : memref<4096xf32, #tpu.memory_space<vmem>>, vector<16xf32>,
      %get3A_83 = arith.index_cast %mul3A_75 : i32 to index
      %get3A_84 = tpu.vector_load %arg23[%get3A_83] {strides = array<i32>} : memref<4096xf32, #tpu.memory_space<vmem>>, vector<16xf32>,
      %add3A_85 = arith.addf %get3A_82, %get3A_84 : vector<16xf32>
      %swap3A_86 = arith.index_cast %mul3A_75 : i32 to index
      %swap3A_87 = tpu.vector_load %arg22[%swap3A_86] {strides = array<i32>} : memref<4096xf32, #tpu.memory_space<vmem>>, vector<16xf32>,
      tpu.vector_store %arg22[%swap3A_86], %add3A_85 {strides = array<i32>} : memref<4096xf32, #tpu.memory_space<vmem>>, vector<16xf32>,
    }
    %scan3A_58 = arith.constant 256 : i32
    "tpu.region"() ({
      %run_scoped3A = tpu.sem_alloc : memref<!tpu.dma_semaphore, #tpu.memory_space<semaphore_mem>>
      %dma_start3A = tpu.memref_slice %arg12[%mul3A_2] : memref<131072xi32, #tpu.memory_space<hbm>> -> memref<4096xi32, #tpu.memory_space<hbm>>
      %dma_start3A_73 = tpu.memref_slice %arg12[%mul3A_2] : memref<131072xi32, #tpu.memory_space<hbm>> -> memref<4096xi32, #tpu.memory_space<hbm>>
      tpu.enqueue_dma source(%arg21 : memref<4096xi32, #tpu.memory_space<vmem>>) target(%dma_start3A_73 : memref<4096xi32, #tpu.memory_space<hbm>>) target_semaphore(%run_scoped3A : memref<!tpu.dma_semaphore, #tpu.memory_space<semaphore_mem>>)
      %dma_wait3A_74 = tpu.memref_slice %arg12[%mul3A_2] : memref<131072xi32, #tpu.memory_space<hbm>> -> memref<4096xi32, #tpu.memory_space<hbm>>
      %dma_wait3A_75 = tpu.memref_slice %arg12[%mul3A_2] : memref<131072xi32, #tpu.memory_space<hbm>> -> memref<4096xi32, #tpu.memory_space<hbm>>
      tpu.wait_dma2 semaphore(%run_scoped3A : memref<!tpu.dma_semaphore, #tpu.memory_space<semaphore_mem>>) src(%arg21 : memref<4096xi32, #tpu.memory_space<vmem>>) dst(%dma_wait3A_75 : memref<4096xi32, #tpu.memory_space<hbm>>)
      tpu.yield
    }) : () -> ()
    "tpu.region"() ({
      %run_scoped3A = tpu.sem_alloc : memref<!tpu.dma_semaphore, #tpu.memory_space<semaphore_mem>>
      %dma_start3A = tpu.memref_slice %arg13[%mul3A_2] : memref<131072xf32, #tpu.memory_space<hbm>> -> memref<4096xf32, #tpu.memory_space<hbm>>
      %dma_start3A_73 = tpu.memref_slice %arg13[%mul3A_2] : memref<131072xf32, #tpu.memory_space<hbm>> -> memref<4096xf32, #tpu.memory_space<hbm>>
      tpu.enqueue_dma source(%arg22 : memref<4096xf32, #tpu.memory_space<vmem>>) target(%dma_start3A_73 : memref<4096xf32, #tpu.memory_space<hbm>>) target_semaphore(%run_scoped3A : memref<!tpu.dma_semaphore, #tpu.memory_space<semaphore_mem>>)
      %dma_wait3A_74 = tpu.memref_slice %arg13[%mul3A_2] : memref<131072xf32, #tpu.memory_space<hbm>> -> memref<4096xf32, #tpu.memory_space<hbm>>
      %dma_wait3A_75 = tpu.memref_slice %arg13[%mul3A_2] : memref<131072xf32, #tpu.memory_space<hbm>> -> memref<4096xf32, #tpu.memory_space<hbm>>
      tpu.wait_dma2 semaphore(%run_scoped3A : memref<!tpu.dma_semaphore, #tpu.memory_space<semaphore_mem>>) src(%arg22 : memref<4096xf32, #tpu.memory_space<vmem>>) dst(%dma_wait3A_75 : memref<4096xf32, #tpu.memory_space<hbm>>)
      tpu.yield
    }) : () -> ()
    %dma_wait3A_59 = arith.constant 0 : i32
    %dma_wait3A_60 = tpu.memref_slice %arg9[%dma_wait3A_59] : memref<262144xf32, #tpu.memory_space<hbm>> -> memref<1280xf32, #tpu.memory_space<hbm>>
    %dma_wait3A_61 = arith.constant 0 : i32
    %dma_wait3A_62 = tpu.memref_slice %arg9[%dma_wait3A_61] : memref<262144xf32, #tpu.memory_space<hbm>> -> memref<1280xf32, #tpu.memory_space<hbm>>
    tpu.wait_dma2 semaphore(%arg31 : memref<!tpu.dma_semaphore, #tpu.memory_space<semaphore_mem>>) src(%dma_wait3A_62 : memref<1280xf32, #tpu.memory_space<hbm>>) dst(%arg29 : memref<1280xf32, #tpu.memory_space<vmem>>)
    %dma_wait3A_63 = arith.constant 0 : i32
    %dma_wait3A_64 = tpu.memref_slice %arg9[%dma_wait3A_63] : memref<262144xf32, #tpu.memory_space<hbm>> -> memref<1280xf32, #tpu.memory_space<hbm>>
    %dma_wait3A_65 = arith.constant 0 : i32
    %dma_wait3A_66 = tpu.memref_slice %arg9[%dma_wait3A_65] : memref<262144xf32, #tpu.memory_space<hbm>> -> memref<1280xf32, #tpu.memory_space<hbm>>
    tpu.wait_dma2 semaphore(%arg31 : memref<!tpu.dma_semaphore, #tpu.memory_space<semaphore_mem>>) src(%dma_wait3A_66 : memref<1280xf32, #tpu.memory_space<hbm>>) dst(%arg30 : memref<1280xf32, #tpu.memory_space<vmem>>)
    %scan3A_67 = arith.constant 0 : i32
    %scan3A_68 = arith.constant 0 : i32
    %scan3A_69 = arith.constant 80 : i32
    %scan3A_70 = arith.addi %scan3A_68, %scan3A_69 : i32
    %scan3A_71 = arith.constant 1 : i32
    scf.for %scan3A_73 = %scan3A_68 to %scan3A_70 step %scan3A_71  : i32 {
      %mul3A_74 = arith.constant 16 : i32
      %mul3A_75 = arith.muli %scan3A_73, %mul3A_74 : i32
      %get3A = arith.index_cast %mul3A_75 : i32 to index
      %get3A_76 = tpu.vector_load %arg29[%get3A] {strides = array<i32>} : memref<1280xf32, #tpu.memory_space<vmem>>, vector<16xf32>,
      %get3A_77 = arith.index_cast %mul3A_75 : i32 to index
      %get3A_78 = tpu.vector_load %arg30[%get3A_77] {strides = array<i32>} : memref<1280xf32, #tpu.memory_space<vmem>>, vector<16xf32>,
      %add3A_79 = arith.addf %get3A_76, %get3A_78 : vector<16xf32>
      %swap3A = arith.index_cast %mul3A_75 : i32 to index
      %swap3A_80 = tpu.vector_load %arg29[%swap3A] {strides = array<i32>} : memref<1280xf32, #tpu.memory_space<vmem>>, vector<16xf32>,
      tpu.vector_store %arg29[%swap3A], %add3A_79 {strides = array<i32>} : memref<1280xf32, #tpu.memory_space<vmem>>, vector<16xf32>,
    }
    %scan3A_72 = arith.constant 80 : i32
    "tpu.region"() ({
      %run_scoped3A = tpu.sem_alloc : memref<!tpu.dma_semaphore, #tpu.memory_space<semaphore_mem>>
      %dma_start3A = tpu.memref_slice %arg14[%mul3A_4] : memref<40960xf32, #tpu.memory_space<hbm>> -> memref<1280xf32, #tpu.memory_space<hbm>>
      %dma_start3A_73 = tpu.memref_slice %arg14[%mul3A_4] : memref<40960xf32, #tpu.memory_space<hbm>> -> memref<1280xf32, #tpu.memory_space<hbm>>
      tpu.enqueue_dma source(%arg29 : memref<1280xf32, #tpu.memory_space<vmem>>) target(%dma_start3A_73 : memref<1280xf32, #tpu.memory_space<hbm>>) target_semaphore(%run_scoped3A : memref<!tpu.dma_semaphore, #tpu.memory_space<semaphore_mem>>)
      %dma_wait3A_74 = tpu.memref_slice %arg14[%mul3A_4] : memref<40960xf32, #tpu.memory_space<hbm>> -> memref<1280xf32, #tpu.memory_space<hbm>>
      %dma_wait3A_75 = tpu.memref_slice %arg14[%mul3A_4] : memref<40960xf32, #tpu.memory_space<hbm>> -> memref<1280xf32, #tpu.memory_space<hbm>>
      tpu.wait_dma2 semaphore(%run_scoped3A : memref<!tpu.dma_semaphore, #tpu.memory_space<semaphore_mem>>) src(%arg29 : memref<1280xf32, #tpu.memory_space<vmem>>) dst(%dma_wait3A_75 : memref<1280xf32, #tpu.memory_space<hbm>>)
      tpu.yield
    }) : () -> ()
    return
  }
}

module attributes {stable_mosaic.version = 14 : i64} {
  func.func @_tc_body(%arg0: i32, %arg1: memref<128x64xf32, #tpu.memory_space<vmem>>, %arg2: memref<64x32xf32, #tpu.memory_space<vmem>>, %arg3: memref<64x32xf32, #tpu.memory_space<vmem>>, %arg4: memref<128x32xf32, #tpu.memory_space<vmem>>, %arg5: memref<128x32xf32, #tpu.memory_space<vmem>>, %arg6: memref<64x64xf32, #tpu.memory_space<vmem>>, %arg7: memref<1x8192xi32, #tpu.memory_space<vmem>>, %arg8: memref<1x8192xf32, #tpu.memory_space<vmem>>, %arg9: memref<128x128xf32, #tpu.memory_space<vmem>>, %arg10: memref<128x128xf32, #tpu.memory_space<vmem>>, %arg11: memref<128x128xf32, #tpu.memory_space<vmem>>) attributes {dimension_semantics = [#tpu.dimension_semantics<arbitrary>], iteration_bounds = array<i64: 16>, scalar_prefetch = 0 : i64, scratch_operands = 0 : i64, tpu.core_type = #tpu.core_type<tc>, window_params = [{transform_indices = @transform_0, window_bounds = array<i64: 128, 64>}, {pipeline_mode = #tpu.pipeline_mode<synchronous>, transform_indices = @transform_1, window_bounds = array<i64: 64, 32>}, {pipeline_mode = #tpu.pipeline_mode<synchronous>, transform_indices = @transform_2, window_bounds = array<i64: 64, 32>}, {pipeline_mode = #tpu.pipeline_mode<synchronous>, transform_indices = @transform_3, window_bounds = array<i64: 128, 32>}, {pipeline_mode = #tpu.pipeline_mode<synchronous>, transform_indices = @transform_4, window_bounds = array<i64: 128, 32>}, {pipeline_mode = #tpu.pipeline_mode<synchronous>, transform_indices = @transform_5, window_bounds = array<i64: 64, 64>}, {transform_indices = @transform_6, window_bounds = array<i64: 1, 8192>}, {transform_indices = @transform_7, window_bounds = array<i64: 1, 8192>}, {transform_indices = @transform_8, window_bounds = array<i64: 128, 128>}, {transform_indices = @transform_9, window_bounds = array<i64: 128, 128>}, {transform_indices = @transform_10, window_bounds = array<i64: 128, 128>}]} {
    %add3A = arith.constant 16 : i32
    %add3A_0 = arith.addi %arg0, %add3A : i32
    %get3A = arith.constant 0 : index
    %get3A_1 = arith.constant 0 : index
    %get3A_2 = vector.load %arg1[%get3A, %get3A_1] : memref<128x64xf32, #tpu.memory_space<vmem>>, vector<128x64xf32>
    %slice3A = vector.extract_strided_slice %get3A_2 {offsets = [0, 0], sizes = [128, 32], strides = [1, 1]} : vector<128x64xf32> to vector<128x32xf32>
    %slice3A_3 = vector.extract_strided_slice %get3A_2 {offsets = [0, 32], sizes = [128, 32], strides = [1, 1]} : vector<128x64xf32> to vector<128x32xf32>
    %get3A_4 = arith.constant 0 : index
    %get3A_5 = arith.constant 0 : index
    %get3A_6 = vector.load %arg2[%get3A_4, %get3A_5] : memref<64x32xf32, #tpu.memory_space<vmem>>, vector<64x32xf32>
    %dot_general3A = arith.constant dense<0.000000e+00> : vector<128x64xf32>
    %dot_general3A_7 = tpu.matmul %slice3A, %get3A_6, %dot_general3A {dimension_numbers = #tpu.dot_dimension_numbers<[1], [1], [0], [0], [0, 0, 1, 0], [], []>, transpose_lhs_hint = false} : vector<128x32xf32>, vector<64x32xf32>, vector<128x64xf32> -> vector<128x64xf32>
    %get3A_8 = arith.constant 0 : index
    %get3A_9 = arith.constant 0 : index
    %get3A_10 = vector.load %arg3[%get3A_8, %get3A_9] : memref<64x32xf32, #tpu.memory_space<vmem>>, vector<64x32xf32>
    %dot_general3A_11 = arith.constant dense<0.000000e+00> : vector<128x64xf32>
    %dot_general3A_12 = tpu.matmul %slice3A_3, %get3A_10, %dot_general3A_11 {dimension_numbers = #tpu.dot_dimension_numbers<[1], [1], [0], [0], [0, 0, 1, 0], [], []>, transpose_lhs_hint = false} : vector<128x32xf32>, vector<64x32xf32>, vector<128x64xf32> -> vector<128x64xf32>
    %reduce_max3A = arith.constant dense<0xFF800000> : vector<128xf32>
    %reduce_max3A_13 = vector.multi_reduction <maximumf>, %dot_general3A_7, %reduce_max3A [1] : vector<128x64xf32> to vector<128xf32>
    %broadcast_in_dim3A = vector.shape_cast %reduce_max3A_13 : vector<128xf32> to vector<128x1xf32>
    %sub3A = vector.broadcast %broadcast_in_dim3A : vector<128x1xf32> to vector<128x64xf32>
    %sub3A_14 = arith.subf %dot_general3A_7, %sub3A : vector<128x64xf32>
    %exp3A = math.exp %sub3A_14 : vector<128x64xf32>
    %reduce_sum3A = arith.constant dense<0.000000e+00> : vector<128xf32>
    %reduce_sum3A_15 = vector.multi_reduction <add>, %exp3A, %reduce_sum3A [1] : vector<128x64xf32> to vector<128xf32>
    %broadcast_in_dim3A_16 = vector.shape_cast %reduce_sum3A_15 : vector<128xf32> to vector<128x1xf32>
    %div3A = vector.broadcast %broadcast_in_dim3A_16 : vector<128x1xf32> to vector<128x64xf32>
    %div3A_17 = arith.divf %exp3A, %div3A : vector<128x64xf32>
    %reduce_max3A_18 = arith.constant dense<0xFF800000> : vector<128xf32>
    %reduce_max3A_19 = vector.multi_reduction <maximumf>, %dot_general3A_12, %reduce_max3A_18 [1] : vector<128x64xf32> to vector<128xf32>
    %broadcast_in_dim3A_20 = vector.shape_cast %reduce_max3A_19 : vector<128xf32> to vector<128x1xf32>
    %sub3A_21 = vector.broadcast %broadcast_in_dim3A_20 : vector<128x1xf32> to vector<128x64xf32>
    %sub3A_22 = arith.subf %dot_general3A_12, %sub3A_21 : vector<128x64xf32>
    %exp3A_23 = math.exp %sub3A_22 : vector<128x64xf32>
    %reduce_sum3A_24 = arith.constant dense<0.000000e+00> : vector<128xf32>
    %reduce_sum3A_25 = vector.multi_reduction <add>, %exp3A_23, %reduce_sum3A_24 [1] : vector<128x64xf32> to vector<128xf32>
    %broadcast_in_dim3A_26 = vector.shape_cast %reduce_sum3A_25 : vector<128xf32> to vector<128x1xf32>
    %div3A_27 = vector.broadcast %broadcast_in_dim3A_26 : vector<128x1xf32> to vector<128x64xf32>
    %div3A_28 = arith.divf %exp3A_23, %div3A_27 : vector<128x64xf32>
    %get3A_29 = arith.constant 0 : index
    %get3A_30 = arith.constant 0 : index
    %get3A_31 = vector.load %arg6[%get3A_29, %get3A_30] : memref<64x64xf32, #tpu.memory_space<vmem>>, vector<64x64xf32>
    %dot_general3A_32 = arith.constant dense<0.000000e+00> : vector<128x64xf32>
    %dot_general3A_33 = tpu.matmul %div3A_28, %get3A_31, %dot_general3A_32 {dimension_numbers = #tpu.dot_dimension_numbers<[1], [1], [0], [0], [0, 0, 1, 0], [], []>, transpose_lhs_hint = false} : vector<128x64xf32>, vector<64x64xf32>, vector<128x64xf32> -> vector<128x64xf32>
    %mul3A = arith.mulf %dot_general3A_33, %div3A_17 : vector<128x64xf32>
    %gt3A = arith.constant 0.000000e+00 : f32
    %gt3A_34 = vector.broadcast %gt3A : f32 to vector<128x64xf32>
    %gt3A_35 = arith.cmpf ogt, %mul3A, %gt3A_34 : vector<128x64xf32>
    %max3A = arith.constant 1.000000e-30 : f32
    %max3A_36 = vector.broadcast %max3A : f32 to vector<128x64xf32>
    %max3A_37 = arith.maximumf %mul3A, %max3A_36 : vector<128x64xf32>
    %log3A = math.log %max3A_37 : vector<128x64xf32>
    %jit3A = arith.constant -1.000000e+30 : f32
    %broadcast_in_dim3A_38 = vector.broadcast %jit3A : f32 to vector<128x64xf32>
    %select_n3A = arith.select %gt3A_35, %log3A, %broadcast_in_dim3A_38 : vector<128x64xi1>, vector<128x64xf32>
    %transpose3A = tpu.transpose %select_n3A, [1, 0] : vector<128x64xf32> -> vector<64x128xf32>
    %transpose3A_39 = tpu.transpose %div3A_28, [1, 0] : vector<128x64xf32> -> vector<64x128xf32>
    %concatenate3A = tpu.concatenate %dot_general3A_7, %dot_general3A_12 in 1 : vector<128x64xf32>, vector<128x64xf32> -> vector<128x128xf32>
    %swap3A = arith.constant 0 : index
    %swap3A_40 = arith.constant 0 : index
    %swap3A_41 = vector.load %arg9[%swap3A, %swap3A_40] : memref<128x128xf32, #tpu.memory_space<vmem>>, vector<128x128xf32>
    tpu.vector_store %arg9[%swap3A, %swap3A_40], %concatenate3A {strides = array<i32>} : memref<128x128xf32, #tpu.memory_space<vmem>>, vector<128x128xf32>,
    %iota3A = tpu.iota {dimensions = array<i32: 1>} : vector<128x8192xi32>
    %shift_right_logical3A = arith.constant 6 : i32
    %shift_right_logical3A_42 = vector.broadcast %shift_right_logical3A : i32 to vector<128x8192xi32>
    %shift_right_logical3A_43 = arith.shrui %iota3A, %shift_right_logical3A_42 : vector<128x8192xi32>
    %iota3A_44 = tpu.iota {dimensions = array<i32: 0>} : vector<128x8192xi32>
    %eq3A = arith.cmpi eq, %shift_right_logical3A_43, %iota3A_44 : vector<128x8192xi32>
    %jit3A_45 = arith.constant 1.000000e+00 : f32
    %jit3A_46 = arith.constant 0.000000e+00 : f32
    %broadcast_in_dim3A_47 = vector.broadcast %jit3A_45 : f32 to vector<128x8192xf32>
    %broadcast_in_dim3A_48 = vector.broadcast %jit3A_46 : f32 to vector<128x8192xf32>
    %select_n3A_49 = arith.select %eq3A, %broadcast_in_dim3A_47, %broadcast_in_dim3A_48 : vector<128x8192xi1>, vector<128x8192xf32>
    %dot_general3A_50 = arith.constant dense<0.000000e+00> : vector<64x8192xf32>
    %dot_general3A_51 = tpu.matmul %transpose3A, %select_n3A_49, %dot_general3A_50 {dimension_numbers = #tpu.dot_dimension_numbers<[1], [0], [0], [1], [0, 0, 1, 1], [], []>, precision = #tpu.contract_precision<fp32>, transpose_lhs_hint = false} : vector<64x128xf32>, vector<128x8192xf32>, vector<64x8192xf32> -> vector<64x8192xf32>
    %dot_general3A_52 = arith.constant dense<0.000000e+00> : vector<64x8192xf32>
    %dot_general3A_53 = tpu.matmul %transpose3A_39, %select_n3A_49, %dot_general3A_52 {dimension_numbers = #tpu.dot_dimension_numbers<[1], [0], [0], [1], [0, 0, 1, 1], [], []>, precision = #tpu.contract_precision<fp32>, transpose_lhs_hint = false} : vector<64x128xf32>, vector<128x8192xf32>, vector<64x8192xf32> -> vector<64x8192xf32>
    %iota3A_54 = tpu.iota {dimensions = array<i32: 1>} : vector<1x8192xi32>
    %iota3A_55 = tpu.iota {dimensions = array<i32: 0>} : vector<64x1xi32>
    %iota3A_56 = tpu.iota {dimensions = array<i32: 0>} : vector<64x8192xi32>
    %mul3A_57 = arith.constant 524288 : i32
    %mul3A_58 = arith.muli %add3A_0, %mul3A_57 : i32
    %add3A_59 = vector.broadcast %mul3A_58 : i32 to vector<64x1xi32>
    %add3A_60 = arith.addi %iota3A_55, %add3A_59 : vector<64x1xi32>
    %shift_left3A = arith.constant 6 : i32
    %shift_left3A_61 = vector.broadcast %shift_left3A : i32 to vector<1x8192xi32>
    %shift_left3A_62 = arith.shli %iota3A_54, %shift_left3A_61 : vector<1x8192xi32>
    %add3A_63 = vector.broadcast %add3A_60 : vector<64x1xi32> to vector<64x8192xi32>
    %add3A_64 = vector.broadcast %shift_left3A_62 : vector<1x8192xi32> to vector<64x8192xi32>
    %add3A_65 = arith.addi %add3A_63, %add3A_64 : vector<64x8192xi32>
    %add3A_66 = arith.constant 270669613 : i32
    %add3A_67 = vector.broadcast %add3A_66 : i32 to vector<64x8192xi32>
    %add3A_68 = arith.addi %add3A_65, %add3A_67 : vector<64x8192xi32>
    %add3A_69 = arith.constant 1832780943 : i32
    %add3A_70 = vector.broadcast %add3A_69 : i32 to vector<64x8192xi32>
    %add3A_71 = arith.addi %add3A_68, %add3A_70 : vector<64x8192xi32>
    %shift_left3A_72 = arith.constant 13 : i32
    %shift_left3A_73 = vector.broadcast %shift_left3A_72 : i32 to vector<64x8192xi32>
    %shift_left3A_74 = arith.shli %add3A_68, %shift_left3A_73 : vector<64x8192xi32>
    %shift_right_logical3A_75 = arith.constant 19 : i32
    %shift_right_logical3A_76 = vector.broadcast %shift_right_logical3A_75 : i32 to vector<64x8192xi32>
    %shift_right_logical3A_77 = arith.shrui %add3A_68, %shift_right_logical3A_76 : vector<64x8192xi32>
    %or3A = arith.ori %shift_left3A_74, %shift_right_logical3A_77 : vector<64x8192xi32>
    %xor3A = arith.xori %or3A, %add3A_71 : vector<64x8192xi32>
    %add3A_78 = arith.addi %add3A_71, %xor3A : vector<64x8192xi32>
    %shift_left3A_79 = arith.constant 15 : i32
    %shift_left3A_80 = vector.broadcast %shift_left3A_79 : i32 to vector<64x8192xi32>
    %shift_left3A_81 = arith.shli %xor3A, %shift_left3A_80 : vector<64x8192xi32>
    %shift_right_logical3A_82 = arith.constant 17 : i32
    %shift_right_logical3A_83 = vector.broadcast %shift_right_logical3A_82 : i32 to vector<64x8192xi32>
    %shift_right_logical3A_84 = arith.shrui %xor3A, %shift_right_logical3A_83 : vector<64x8192xi32>
    %or3A_85 = arith.ori %shift_left3A_81, %shift_right_logical3A_84 : vector<64x8192xi32>
    %xor3A_86 = arith.xori %or3A_85, %add3A_78 : vector<64x8192xi32>
    %add3A_87 = arith.addi %add3A_78, %xor3A_86 : vector<64x8192xi32>
    %shift_left3A_88 = arith.constant 26 : i32
    %shift_left3A_89 = vector.broadcast %shift_left3A_88 : i32 to vector<64x8192xi32>
    %shift_left3A_90 = arith.shli %xor3A_86, %shift_left3A_89 : vector<64x8192xi32>
    %shift_right_logical3A_91 = arith.constant 6 : i32
    %shift_right_logical3A_92 = vector.broadcast %shift_right_logical3A_91 : i32 to vector<64x8192xi32>
    %shift_right_logical3A_93 = arith.shrui %xor3A_86, %shift_right_logical3A_92 : vector<64x8192xi32>
    %or3A_94 = arith.ori %shift_left3A_90, %shift_right_logical3A_93 : vector<64x8192xi32>
    %xor3A_95 = arith.xori %or3A_94, %add3A_87 : vector<64x8192xi32>
    %add3A_96 = arith.addi %add3A_87, %xor3A_95 : vector<64x8192xi32>
    %shift_left3A_97 = arith.constant 6 : i32
    %shift_left3A_98 = vector.broadcast %shift_left3A_97 : i32 to vector<64x8192xi32>
    %shift_left3A_99 = arith.shli %xor3A_95, %shift_left3A_98 : vector<64x8192xi32>
    %shift_right_logical3A_100 = arith.constant 26 : i32
    %shift_right_logical3A_101 = vector.broadcast %shift_right_logical3A_100 : i32 to vector<64x8192xi32>
    %shift_right_logical3A_102 = arith.shrui %xor3A_95, %shift_right_logical3A_101 : vector<64x8192xi32>
    %or3A_103 = arith.ori %shift_left3A_99, %shift_right_logical3A_102 : vector<64x8192xi32>
    %xor3A_104 = arith.xori %or3A_103, %add3A_96 : vector<64x8192xi32>
    %add3A_105 = arith.constant 270669613 : i32
    %add3A_106 = vector.broadcast %add3A_105 : i32 to vector<64x8192xi32>
    %add3A_107 = arith.addi %add3A_96, %add3A_106 : vector<64x8192xi32>
    %add3A_108 = arith.constant 1724713080 : i32
    %add3A_109 = vector.broadcast %add3A_108 : i32 to vector<64x8192xi32>
    %add3A_110 = arith.addi %xor3A_104, %add3A_109 : vector<64x8192xi32>
    %add3A_111 = arith.constant 1 : i32
    %add3A_112 = vector.broadcast %add3A_111 : i32 to vector<64x8192xi32>
    %add3A_113 = arith.addi %add3A_110, %add3A_112 : vector<64x8192xi32>
    %add3A_114 = arith.addi %add3A_107, %add3A_113 : vector<64x8192xi32>
    %shift_left3A_115 = arith.constant 17 : i32
    %shift_left3A_116 = vector.broadcast %shift_left3A_115 : i32 to vector<64x8192xi32>
    %shift_left3A_117 = arith.shli %add3A_113, %shift_left3A_116 : vector<64x8192xi32>
    %shift_right_logical3A_118 = arith.constant 15 : i32
    %shift_right_logical3A_119 = vector.broadcast %shift_right_logical3A_118 : i32 to vector<64x8192xi32>
    %shift_right_logical3A_120 = arith.shrui %add3A_113, %shift_right_logical3A_119 : vector<64x8192xi32>
    %or3A_121 = arith.ori %shift_left3A_117, %shift_right_logical3A_120 : vector<64x8192xi32>
    %xor3A_122 = arith.xori %or3A_121, %add3A_114 : vector<64x8192xi32>
    %add3A_123 = arith.addi %add3A_114, %xor3A_122 : vector<64x8192xi32>
    %shift_left3A_124 = arith.constant 29 : i32
    %shift_left3A_125 = vector.broadcast %shift_left3A_124 : i32 to vector<64x8192xi32>
    %shift_left3A_126 = arith.shli %xor3A_122, %shift_left3A_125 : vector<64x8192xi32>
    %shift_right_logical3A_127 = arith.constant 3 : i32
    %shift_right_logical3A_128 = vector.broadcast %shift_right_logical3A_127 : i32 to vector<64x8192xi32>
    %shift_right_logical3A_129 = arith.shrui %xor3A_122, %shift_right_logical3A_128 : vector<64x8192xi32>
    %or3A_130 = arith.ori %shift_left3A_126, %shift_right_logical3A_129 : vector<64x8192xi32>
    %xor3A_131 = arith.xori %or3A_130, %add3A_123 : vector<64x8192xi32>
    %add3A_132 = arith.addi %add3A_123, %xor3A_131 : vector<64x8192xi32>
    %shift_left3A_133 = arith.constant 16 : i32
    %shift_left3A_134 = vector.broadcast %shift_left3A_133 : i32 to vector<64x8192xi32>
    %shift_left3A_135 = arith.shli %xor3A_131, %shift_left3A_134 : vector<64x8192xi32>
    %shift_right_logical3A_136 = arith.constant 16 : i32
    %shift_right_logical3A_137 = vector.broadcast %shift_right_logical3A_136 : i32 to vector<64x8192xi32>
    %shift_right_logical3A_138 = arith.shrui %xor3A_131, %shift_right_logical3A_137 : vector<64x8192xi32>
    %or3A_139 = arith.ori %shift_left3A_135, %shift_right_logical3A_138 : vector<64x8192xi32>
    %xor3A_140 = arith.xori %or3A_139, %add3A_132 : vector<64x8192xi32>
    %add3A_141 = arith.addi %add3A_132, %xor3A_140 : vector<64x8192xi32>
    %shift_left3A_142 = arith.constant 24 : i32
    %shift_left3A_143 = vector.broadcast %shift_left3A_142 : i32 to vector<64x8192xi32>
    %shift_left3A_144 = arith.shli %xor3A_140, %shift_left3A_143 : vector<64x8192xi32>
    %shift_right_logical3A_145 = arith.constant 8 : i32
    %shift_right_logical3A_146 = vector.broadcast %shift_right_logical3A_145 : i32 to vector<64x8192xi32>
    %shift_right_logical3A_147 = arith.shrui %xor3A_140, %shift_right_logical3A_146 : vector<64x8192xi32>
    %or3A_148 = arith.ori %shift_left3A_144, %shift_right_logical3A_147 : vector<64x8192xi32>
    %xor3A_149 = arith.xori %or3A_148, %add3A_141 : vector<64x8192xi32>
    %add3A_150 = arith.constant 1724713080 : i32
    %add3A_151 = vector.broadcast %add3A_150 : i32 to vector<64x8192xi32>
    %add3A_152 = arith.addi %add3A_141, %add3A_151 : vector<64x8192xi32>
    %add3A_153 = arith.constant 1832780943 : i32
    %add3A_154 = vector.broadcast %add3A_153 : i32 to vector<64x8192xi32>
    %add3A_155 = arith.addi %xor3A_149, %add3A_154 : vector<64x8192xi32>
    %add3A_156 = arith.constant 2 : i32
    %add3A_157 = vector.broadcast %add3A_156 : i32 to vector<64x8192xi32>
    %add3A_158 = arith.addi %add3A_155, %add3A_157 : vector<64x8192xi32>
    %add3A_159 = arith.addi %add3A_152, %add3A_158 : vector<64x8192xi32>
    %shift_left3A_160 = arith.constant 13 : i32
    %shift_left3A_161 = vector.broadcast %shift_left3A_160 : i32 to vector<64x8192xi32>
    %shift_left3A_162 = arith.shli %add3A_158, %shift_left3A_161 : vector<64x8192xi32>
    %shift_right_logical3A_163 = arith.constant 19 : i32
    %shift_right_logical3A_164 = vector.broadcast %shift_right_logical3A_163 : i32 to vector<64x8192xi32>
    %shift_right_logical3A_165 = arith.shrui %add3A_158, %shift_right_logical3A_164 : vector<64x8192xi32>
    %or3A_166 = arith.ori %shift_left3A_162, %shift_right_logical3A_165 : vector<64x8192xi32>
    %xor3A_167 = arith.xori %or3A_166, %add3A_159 : vector<64x8192xi32>
    %add3A_168 = arith.addi %add3A_159, %xor3A_167 : vector<64x8192xi32>
    %shift_left3A_169 = arith.constant 15 : i32
    %shift_left3A_170 = vector.broadcast %shift_left3A_169 : i32 to vector<64x8192xi32>
    %shift_left3A_171 = arith.shli %xor3A_167, %shift_left3A_170 : vector<64x8192xi32>
    %shift_right_logical3A_172 = arith.constant 17 : i32
    %shift_right_logical3A_173 = vector.broadcast %shift_right_logical3A_172 : i32 to vector<64x8192xi32>
    %shift_right_logical3A_174 = arith.shrui %xor3A_167, %shift_right_logical3A_173 : vector<64x8192xi32>
    %or3A_175 = arith.ori %shift_left3A_171, %shift_right_logical3A_174 : vector<64x8192xi32>
    %xor3A_176 = arith.xori %or3A_175, %add3A_168 : vector<64x8192xi32>
    %add3A_177 = arith.addi %add3A_168, %xor3A_176 : vector<64x8192xi32>
    %shift_left3A_178 = arith.constant 26 : i32
    %shift_left3A_179 = vector.broadcast %shift_left3A_178 : i32 to vector<64x8192xi32>
    %shift_left3A_180 = arith.shli %xor3A_176, %shift_left3A_179 : vector<64x8192xi32>
    %shift_right_logical3A_181 = arith.constant 6 : i32
    %shift_right_logical3A_182 = vector.broadcast %shift_right_logical3A_181 : i32 to vector<64x8192xi32>
    %shift_right_logical3A_183 = arith.shrui %xor3A_176, %shift_right_logical3A_182 : vector<64x8192xi32>
    %or3A_184 = arith.ori %shift_left3A_180, %shift_right_logical3A_183 : vector<64x8192xi32>
    %xor3A_185 = arith.xori %or3A_184, %add3A_177 : vector<64x8192xi32>
    %add3A_186 = arith.addi %add3A_177, %xor3A_185 : vector<64x8192xi32>
    %shift_left3A_187 = arith.constant 6 : i32
    %shift_left3A_188 = vector.broadcast %shift_left3A_187 : i32 to vector<64x8192xi32>
    %shift_left3A_189 = arith.shli %xor3A_185, %shift_left3A_188 : vector<64x8192xi32>
    %shift_right_logical3A_190 = arith.constant 26 : i32
    %shift_right_logical3A_191 = vector.broadcast %shift_right_logical3A_190 : i32 to vector<64x8192xi32>
    %shift_right_logical3A_192 = arith.shrui %xor3A_185, %shift_right_logical3A_191 : vector<64x8192xi32>
    %or3A_193 = arith.ori %shift_left3A_189, %shift_right_logical3A_192 : vector<64x8192xi32>
    %xor3A_194 = arith.xori %or3A_193, %add3A_186 : vector<64x8192xi32>
    %add3A_195 = arith.constant 1832780943 : i32
    %add3A_196 = vector.broadcast %add3A_195 : i32 to vector<64x8192xi32>
    %add3A_197 = arith.addi %add3A_186, %add3A_196 : vector<64x8192xi32>
    %add3A_198 = arith.constant 270669613 : i32
    %add3A_199 = vector.broadcast %add3A_198 : i32 to vector<64x8192xi32>
    %add3A_200 = arith.addi %xor3A_194, %add3A_199 : vector<64x8192xi32>
    %add3A_201 = arith.constant 3 : i32
    %add3A_202 = vector.broadcast %add3A_201 : i32 to vector<64x8192xi32>
    %add3A_203 = arith.addi %add3A_200, %add3A_202 : vector<64x8192xi32>
    %add3A_204 = arith.addi %add3A_197, %add3A_203 : vector<64x8192xi32>
    %shift_left3A_205 = arith.constant 17 : i32
    %shift_left3A_206 = vector.broadcast %shift_left3A_205 : i32 to vector<64x8192xi32>
    %shift_left3A_207 = arith.shli %add3A_203, %shift_left3A_206 : vector<64x8192xi32>
    %shift_right_logical3A_208 = arith.constant 15 : i32
    %shift_right_logical3A_209 = vector.broadcast %shift_right_logical3A_208 : i32 to vector<64x8192xi32>
    %shift_right_logical3A_210 = arith.shrui %add3A_203, %shift_right_logical3A_209 : vector<64x8192xi32>
    %or3A_211 = arith.ori %shift_left3A_207, %shift_right_logical3A_210 : vector<64x8192xi32>
    %xor3A_212 = arith.xori %or3A_211, %add3A_204 : vector<64x8192xi32>
    %add3A_213 = arith.addi %add3A_204, %xor3A_212 : vector<64x8192xi32>
    %shift_left3A_214 = arith.constant 29 : i32
    %shift_left3A_215 = vector.broadcast %shift_left3A_214 : i32 to vector<64x8192xi32>
    %shift_left3A_216 = arith.shli %xor3A_212, %shift_left3A_215 : vector<64x8192xi32>
    %shift_right_logical3A_217 = arith.constant 3 : i32
    %shift_right_logical3A_218 = vector.broadcast %shift_right_logical3A_217 : i32 to vector<64x8192xi32>
    %shift_right_logical3A_219 = arith.shrui %xor3A_212, %shift_right_logical3A_218 : vector<64x8192xi32>
    %or3A_220 = arith.ori %shift_left3A_216, %shift_right_logical3A_219 : vector<64x8192xi32>
    %xor3A_221 = arith.xori %or3A_220, %add3A_213 : vector<64x8192xi32>
    %add3A_222 = arith.addi %add3A_213, %xor3A_221 : vector<64x8192xi32>
    %shift_left3A_223 = arith.constant 16 : i32
    %shift_left3A_224 = vector.broadcast %shift_left3A_223 : i32 to vector<64x8192xi32>
    %shift_left3A_225 = arith.shli %xor3A_221, %shift_left3A_224 : vector<64x8192xi32>
    %shift_right_logical3A_226 = arith.constant 16 : i32
    %shift_right_logical3A_227 = vector.broadcast %shift_right_logical3A_226 : i32 to vector<64x8192xi32>
    %shift_right_logical3A_228 = arith.shrui %xor3A_221, %shift_right_logical3A_227 : vector<64x8192xi32>
    %or3A_229 = arith.ori %shift_left3A_225, %shift_right_logical3A_228 : vector<64x8192xi32>
    %xor3A_230 = arith.xori %or3A_229, %add3A_222 : vector<64x8192xi32>
    %add3A_231 = arith.addi %add3A_222, %xor3A_230 : vector<64x8192xi32>
    %shift_left3A_232 = arith.constant 24 : i32
    %shift_left3A_233 = vector.broadcast %shift_left3A_232 : i32 to vector<64x8192xi32>
    %shift_left3A_234 = arith.shli %xor3A_230, %shift_left3A_233 : vector<64x8192xi32>
    %shift_right_logical3A_235 = arith.constant 8 : i32
    %shift_right_logical3A_236 = vector.broadcast %shift_right_logical3A_235 : i32 to vector<64x8192xi32>
    %shift_right_logical3A_237 = arith.shrui %xor3A_230, %shift_right_logical3A_236 : vector<64x8192xi32>
    %or3A_238 = arith.ori %shift_left3A_234, %shift_right_logical3A_237 : vector<64x8192xi32>
    %xor3A_239 = arith.xori %or3A_238, %add3A_231 : vector<64x8192xi32>
    %add3A_240 = arith.constant 270669613 : i32
    %add3A_241 = vector.broadcast %add3A_240 : i32 to vector<64x8192xi32>
    %add3A_242 = arith.addi %add3A_231, %add3A_241 : vector<64x8192xi32>
    %add3A_243 = arith.constant 1724713080 : i32
    %add3A_244 = vector.broadcast %add3A_243 : i32 to vector<64x8192xi32>
    %add3A_245 = arith.addi %xor3A_239, %add3A_244 : vector<64x8192xi32>
    %add3A_246 = arith.constant 4 : i32
    %add3A_247 = vector.broadcast %add3A_246 : i32 to vector<64x8192xi32>
    %add3A_248 = arith.addi %add3A_245, %add3A_247 : vector<64x8192xi32>
    %add3A_249 = arith.addi %add3A_242, %add3A_248 : vector<64x8192xi32>
    %shift_left3A_250 = arith.constant 13 : i32
    %shift_left3A_251 = vector.broadcast %shift_left3A_250 : i32 to vector<64x8192xi32>
    %shift_left3A_252 = arith.shli %add3A_248, %shift_left3A_251 : vector<64x8192xi32>
    %shift_right_logical3A_253 = arith.constant 19 : i32
    %shift_right_logical3A_254 = vector.broadcast %shift_right_logical3A_253 : i32 to vector<64x8192xi32>
    %shift_right_logical3A_255 = arith.shrui %add3A_248, %shift_right_logical3A_254 : vector<64x8192xi32>
    %or3A_256 = arith.ori %shift_left3A_252, %shift_right_logical3A_255 : vector<64x8192xi32>
    %xor3A_257 = arith.xori %or3A_256, %add3A_249 : vector<64x8192xi32>
    %add3A_258 = arith.addi %add3A_249, %xor3A_257 : vector<64x8192xi32>
    %shift_left3A_259 = arith.constant 15 : i32
    %shift_left3A_260 = vector.broadcast %shift_left3A_259 : i32 to vector<64x8192xi32>
    %shift_left3A_261 = arith.shli %xor3A_257, %shift_left3A_260 : vector<64x8192xi32>
    %shift_right_logical3A_262 = arith.constant 17 : i32
    %shift_right_logical3A_263 = vector.broadcast %shift_right_logical3A_262 : i32 to vector<64x8192xi32>
    %shift_right_logical3A_264 = arith.shrui %xor3A_257, %shift_right_logical3A_263 : vector<64x8192xi32>
    %or3A_265 = arith.ori %shift_left3A_261, %shift_right_logical3A_264 : vector<64x8192xi32>
    %xor3A_266 = arith.xori %or3A_265, %add3A_258 : vector<64x8192xi32>
    %add3A_267 = arith.addi %add3A_258, %xor3A_266 : vector<64x8192xi32>
    %shift_left3A_268 = arith.constant 26 : i32
    %shift_left3A_269 = vector.broadcast %shift_left3A_268 : i32 to vector<64x8192xi32>
    %shift_left3A_270 = arith.shli %xor3A_266, %shift_left3A_269 : vector<64x8192xi32>
    %shift_right_logical3A_271 = arith.constant 6 : i32
    %shift_right_logical3A_272 = vector.broadcast %shift_right_logical3A_271 : i32 to vector<64x8192xi32>
    %shift_right_logical3A_273 = arith.shrui %xor3A_266, %shift_right_logical3A_272 : vector<64x8192xi32>
    %or3A_274 = arith.ori %shift_left3A_270, %shift_right_logical3A_273 : vector<64x8192xi32>
    %xor3A_275 = arith.xori %or3A_274, %add3A_267 : vector<64x8192xi32>
    %add3A_276 = arith.addi %add3A_267, %xor3A_275 : vector<64x8192xi32>
    %shift_left3A_277 = arith.constant 6 : i32
    %shift_left3A_278 = vector.broadcast %shift_left3A_277 : i32 to vector<64x8192xi32>
    %shift_left3A_279 = arith.shli %xor3A_275, %shift_left3A_278 : vector<64x8192xi32>
    %shift_right_logical3A_280 = arith.constant 26 : i32
    %shift_right_logical3A_281 = vector.broadcast %shift_right_logical3A_280 : i32 to vector<64x8192xi32>
    %shift_right_logical3A_282 = arith.shrui %xor3A_275, %shift_right_logical3A_281 : vector<64x8192xi32>
    %or3A_283 = arith.ori %shift_left3A_279, %shift_right_logical3A_282 : vector<64x8192xi32>
    %xor3A_284 = arith.xori %or3A_283, %add3A_276 : vector<64x8192xi32>
    %add3A_285 = arith.constant 1724713080 : i32
    %add3A_286 = vector.broadcast %add3A_285 : i32 to vector<64x8192xi32>
    %add3A_287 = arith.addi %add3A_276, %add3A_286 : vector<64x8192xi32>
    %add3A_288 = arith.constant 1832780943 : i32
    %add3A_289 = vector.broadcast %add3A_288 : i32 to vector<64x8192xi32>
    %add3A_290 = arith.addi %xor3A_284, %add3A_289 : vector<64x8192xi32>
    %add3A_291 = arith.constant 5 : i32
    %add3A_292 = vector.broadcast %add3A_291 : i32 to vector<64x8192xi32>
    %add3A_293 = arith.addi %add3A_290, %add3A_292 : vector<64x8192xi32>
    %xor3A_294 = arith.xori %add3A_287, %add3A_293 : vector<64x8192xi32>
    %shift_right_logical3A_295 = arith.constant 9 : i32
    %shift_right_logical3A_296 = vector.broadcast %shift_right_logical3A_295 : i32 to vector<64x8192xi32>
    %shift_right_logical3A_297 = arith.shrui %xor3A_294, %shift_right_logical3A_296 : vector<64x8192xi32>
    %or3A_298 = arith.constant 1065353216 : i32
    %or3A_299 = vector.broadcast %or3A_298 : i32 to vector<64x8192xi32>
    %or3A_300 = arith.ori %shift_right_logical3A_297, %or3A_299 : vector<64x8192xi32>
    %bitcast_convert_type3A = tpu.bitcast %or3A_300 : vector<64x8192xi32> -> vector<64x8192xf32>
    %sub3A_301 = arith.constant 1.000000e+00 : f32
    %sub3A_302 = vector.broadcast %sub3A_301 : f32 to vector<64x8192xf32>
    %sub3A_303 = arith.subf %bitcast_convert_type3A, %sub3A_302 : vector<64x8192xf32>
    %max3A_304 = arith.constant 1.17549435E-38 : f32
    %max3A_305 = vector.broadcast %max3A_304 : f32 to vector<64x8192xf32>
    %max3A_306 = arith.maximumf %sub3A_303, %max3A_305 : vector<64x8192xf32>
    %log3A_307 = math.log %max3A_306 : vector<64x8192xf32>
    %neg3A = arith.constant 0.000000e+00 : f32
    %neg3A_308 = vector.broadcast %neg3A : f32 to vector<64x8192xf32>
    %neg3A_309 = arith.subf %neg3A_308, %log3A_307 : vector<64x8192xf32>
    %log3A_310 = math.log %neg3A_309 : vector<64x8192xf32>
    %neg3A_311 = arith.constant 0.000000e+00 : f32
    %neg3A_312 = vector.broadcast %neg3A_311 : f32 to vector<64x8192xf32>
    %neg3A_313 = arith.subf %neg3A_312, %log3A_310 : vector<64x8192xf32>
    %add3A_314 = arith.addf %dot_general3A_51, %neg3A_313 : vector<64x8192xf32>
    %reduce_max3A_315 = arith.constant dense<0xFF800000> : vector<8192xf32>
    %reduce_max3A_316 = vector.multi_reduction <maximumf>, %add3A_314, %reduce_max3A_315 [0] : vector<64x8192xf32> to vector<8192xf32>
    %broadcast_in_dim3A_317 = vector.shape_cast %reduce_max3A_316 : vector<8192xf32> to vector<1x8192xf32>
    %eq3A_318 = vector.broadcast %broadcast_in_dim3A_317 : vector<1x8192xf32> to vector<64x8192xf32>
    %eq3A_319 = arith.cmpf oeq, %add3A_314, %eq3A_318 : vector<64x8192xf32>
    %jit3A_320 = arith.constant 64 : i32
    %broadcast_in_dim3A_321 = vector.broadcast %jit3A_320 : i32 to vector<64x8192xi32>
    %select_n3A_322 = arith.select %eq3A_319, %iota3A_56, %broadcast_in_dim3A_321 : vector<64x8192xi1>, vector<64x8192xi32>
    %reduce_min3A = arith.constant dense<2147483647> : vector<8192xi32>
    %reduce_min3A_323 = vector.multi_reduction <minsi>, %select_n3A_322, %reduce_min3A [0] : vector<64x8192xi32> to vector<8192xi32>
    %broadcast_in_dim3A_324 = vector.shape_cast %reduce_min3A_323 : vector<8192xi32> to vector<1x8192xi32>
    %eq3A_325 = vector.broadcast %broadcast_in_dim3A_324 : vector<1x8192xi32> to vector<64x8192xi32>
    %eq3A_326 = arith.cmpi eq, %iota3A_56, %eq3A_325 : vector<64x8192xi32>
    %jit3A_327 = arith.constant 1.000000e+00 : f32
    %jit3A_328 = arith.constant 0.000000e+00 : f32
    %broadcast_in_dim3A_329 = vector.broadcast %jit3A_327 : f32 to vector<64x8192xf32>
    %broadcast_in_dim3A_330 = vector.broadcast %jit3A_328 : f32 to vector<64x8192xf32>
    %select_n3A_331 = arith.select %eq3A_326, %broadcast_in_dim3A_329, %broadcast_in_dim3A_330 : vector<64x8192xi1>, vector<64x8192xf32>
    %dot_general3A_332 = arith.constant dense<0.000000e+00> : vector<64x8192xf32>
    %dot_general3A_333 = tpu.matmul %get3A_31, %select_n3A_331, %dot_general3A_332 {dimension_numbers = #tpu.dot_dimension_numbers<[0], [0], [1], [1], [0, 1, 1, 1], [], []>, precision = #tpu.contract_precision<fp32>, transpose_lhs_hint = false} : vector<64x64xf32>, vector<64x8192xf32>, vector<64x8192xf32> -> vector<64x8192xf32>
    %mul3A_334 = arith.mulf %dot_general3A_333, %dot_general3A_53 : vector<64x8192xf32>
    %add3A_335 = arith.constant -1378843660 : i32
    %add3A_336 = vector.broadcast %add3A_335 : i32 to vector<64x8192xi32>
    %add3A_337 = arith.addi %add3A_65, %add3A_336 : vector<64x8192xi32>
    %add3A_338 = arith.constant 64467757 : i32
    %add3A_339 = vector.broadcast %add3A_338 : i32 to vector<64x8192xi32>
    %add3A_340 = arith.addi %add3A_337, %add3A_339 : vector<64x8192xi32>
    %shift_left3A_341 = arith.constant 13 : i32
    %shift_left3A_342 = vector.broadcast %shift_left3A_341 : i32 to vector<64x8192xi32>
    %shift_left3A_343 = arith.shli %add3A_337, %shift_left3A_342 : vector<64x8192xi32>
    %shift_right_logical3A_344 = arith.constant 19 : i32
    %shift_right_logical3A_345 = vector.broadcast %shift_right_logical3A_344 : i32 to vector<64x8192xi32>
    %shift_right_logical3A_346 = arith.shrui %add3A_337, %shift_right_logical3A_345 : vector<64x8192xi32>
    %or3A_347 = arith.ori %shift_left3A_343, %shift_right_logical3A_346 : vector<64x8192xi32>
    %xor3A_348 = arith.xori %or3A_347, %add3A_340 : vector<64x8192xi32>
    %add3A_349 = arith.addi %add3A_340, %xor3A_348 : vector<64x8192xi32>
    %shift_left3A_350 = arith.constant 15 : i32
    %shift_left3A_351 = vector.broadcast %shift_left3A_350 : i32 to vector<64x8192xi32>
    %shift_left3A_352 = arith.shli %xor3A_348, %shift_left3A_351 : vector<64x8192xi32>
    %shift_right_logical3A_353 = arith.constant 17 : i32
    %shift_right_logical3A_354 = vector.broadcast %shift_right_logical3A_353 : i32 to vector<64x8192xi32>
    %shift_right_logical3A_355 = arith.shrui %xor3A_348, %shift_right_logical3A_354 : vector<64x8192xi32>
    %or3A_356 = arith.ori %shift_left3A_352, %shift_right_logical3A_355 : vector<64x8192xi32>
    %xor3A_357 = arith.xori %or3A_356, %add3A_349 : vector<64x8192xi32>
    %add3A_358 = arith.addi %add3A_349, %xor3A_357 : vector<64x8192xi32>
    %shift_left3A_359 = arith.constant 26 : i32
    %shift_left3A_360 = vector.broadcast %shift_left3A_359 : i32 to vector<64x8192xi32>
    %shift_left3A_361 = arith.shli %xor3A_357, %shift_left3A_360 : vector<64x8192xi32>
    %shift_right_logical3A_362 = arith.constant 6 : i32
    %shift_right_logical3A_363 = vector.broadcast %shift_right_logical3A_362 : i32 to vector<64x8192xi32>
    %shift_right_logical3A_364 = arith.shrui %xor3A_357, %shift_right_logical3A_363 : vector<64x8192xi32>
    %or3A_365 = arith.ori %shift_left3A_361, %shift_right_logical3A_364 : vector<64x8192xi32>
    %xor3A_366 = arith.xori %or3A_365, %add3A_358 : vector<64x8192xi32>
    %add3A_367 = arith.addi %add3A_358, %xor3A_366 : vector<64x8192xi32>
    %shift_left3A_368 = arith.constant 6 : i32
    %shift_left3A_369 = vector.broadcast %shift_left3A_368 : i32 to vector<64x8192xi32>
    %shift_left3A_370 = arith.shli %xor3A_366, %shift_left3A_369 : vector<64x8192xi32>
    %shift_right_logical3A_371 = arith.constant 26 : i32
    %shift_right_logical3A_372 = vector.broadcast %shift_right_logical3A_371 : i32 to vector<64x8192xi32>
    %shift_right_logical3A_373 = arith.shrui %xor3A_366, %shift_right_logical3A_372 : vector<64x8192xi32>
    %or3A_374 = arith.ori %shift_left3A_370, %shift_right_logical3A_373 : vector<64x8192xi32>
    %xor3A_375 = arith.xori %or3A_374, %add3A_367 : vector<64x8192xi32>
    %add3A_376 = arith.constant -1378843660 : i32
    %add3A_377 = vector.broadcast %add3A_376 : i32 to vector<64x8192xi32>
    %add3A_378 = arith.addi %add3A_367, %add3A_377 : vector<64x8192xi32>
    %add3A_379 = arith.constant -1244255485 : i32
    %add3A_380 = vector.broadcast %add3A_379 : i32 to vector<64x8192xi32>
    %add3A_381 = arith.addi %xor3A_375, %add3A_380 : vector<64x8192xi32>
    %add3A_382 = arith.constant 1 : i32
    %add3A_383 = vector.broadcast %add3A_382 : i32 to vector<64x8192xi32>
    %add3A_384 = arith.addi %add3A_381, %add3A_383 : vector<64x8192xi32>
    %add3A_385 = arith.addi %add3A_378, %add3A_384 : vector<64x8192xi32>
    %shift_left3A_386 = arith.constant 17 : i32
    %shift_left3A_387 = vector.broadcast %shift_left3A_386 : i32 to vector<64x8192xi32>
    %shift_left3A_388 = arith.shli %add3A_384, %shift_left3A_387 : vector<64x8192xi32>
    %shift_right_logical3A_389 = arith.constant 15 : i32
    %shift_right_logical3A_390 = vector.broadcast %shift_right_logical3A_389 : i32 to vector<64x8192xi32>
    %shift_right_logical3A_391 = arith.shrui %add3A_384, %shift_right_logical3A_390 : vector<64x8192xi32>
    %or3A_392 = arith.ori %shift_left3A_388, %shift_right_logical3A_391 : vector<64x8192xi32>
    %xor3A_393 = arith.xori %or3A_392, %add3A_385 : vector<64x8192xi32>
    %add3A_394 = arith.addi %add3A_385, %xor3A_393 : vector<64x8192xi32>
    %shift_left3A_395 = arith.constant 29 : i32
    %shift_left3A_396 = vector.broadcast %shift_left3A_395 : i32 to vector<64x8192xi32>
    %shift_left3A_397 = arith.shli %xor3A_393, %shift_left3A_396 : vector<64x8192xi32>
    %shift_right_logical3A_398 = arith.constant 3 : i32
    %shift_right_logical3A_399 = vector.broadcast %shift_right_logical3A_398 : i32 to vector<64x8192xi32>
    %shift_right_logical3A_400 = arith.shrui %xor3A_393, %shift_right_logical3A_399 : vector<64x8192xi32>
    %or3A_401 = arith.ori %shift_left3A_397, %shift_right_logical3A_400 : vector<64x8192xi32>
    %xor3A_402 = arith.xori %or3A_401, %add3A_394 : vector<64x8192xi32>
    %add3A_403 = arith.addi %add3A_394, %xor3A_402 : vector<64x8192xi32>
    %shift_left3A_404 = arith.constant 16 : i32
    %shift_left3A_405 = vector.broadcast %shift_left3A_404 : i32 to vector<64x8192xi32>
    %shift_left3A_406 = arith.shli %xor3A_402, %shift_left3A_405 : vector<64x8192xi32>
    %shift_right_logical3A_407 = arith.constant 16 : i32
    %shift_right_logical3A_408 = vector.broadcast %shift_right_logical3A_407 : i32 to vector<64x8192xi32>
    %shift_right_logical3A_409 = arith.shrui %xor3A_402, %shift_right_logical3A_408 : vector<64x8192xi32>
    %or3A_410 = arith.ori %shift_left3A_406, %shift_right_logical3A_409 : vector<64x8192xi32>
    %xor3A_411 = arith.xori %or3A_410, %add3A_403 : vector<64x8192xi32>
    %add3A_412 = arith.addi %add3A_403, %xor3A_411 : vector<64x8192xi32>
    %shift_left3A_413 = arith.constant 24 : i32
    %shift_left3A_414 = vector.broadcast %shift_left3A_413 : i32 to vector<64x8192xi32>
    %shift_left3A_415 = arith.shli %xor3A_411, %shift_left3A_414 : vector<64x8192xi32>
    %shift_right_logical3A_416 = arith.constant 8 : i32
    %shift_right_logical3A_417 = vector.broadcast %shift_right_logical3A_416 : i32 to vector<64x8192xi32>
    %shift_right_logical3A_418 = arith.shrui %xor3A_411, %shift_right_logical3A_417 : vector<64x8192xi32>
    %or3A_419 = arith.ori %shift_left3A_415, %shift_right_logical3A_418 : vector<64x8192xi32>
    %xor3A_420 = arith.xori %or3A_419, %add3A_412 : vector<64x8192xi32>
    %add3A_421 = arith.constant -1244255485 : i32
    %add3A_422 = vector.broadcast %add3A_421 : i32 to vector<64x8192xi32>
    %add3A_423 = arith.addi %add3A_412, %add3A_422 : vector<64x8192xi32>
    %add3A_424 = arith.constant 64467757 : i32
    %add3A_425 = vector.broadcast %add3A_424 : i32 to vector<64x8192xi32>
    %add3A_426 = arith.addi %xor3A_420, %add3A_425 : vector<64x8192xi32>
    %add3A_427 = arith.constant 2 : i32
    %add3A_428 = vector.broadcast %add3A_427 : i32 to vector<64x8192xi32>
    %add3A_429 = arith.addi %add3A_426, %add3A_428 : vector<64x8192xi32>
    %add3A_430 = arith.addi %add3A_423, %add3A_429 : vector<64x8192xi32>
    %shift_left3A_431 = arith.constant 13 : i32
    %shift_left3A_432 = vector.broadcast %shift_left3A_431 : i32 to vector<64x8192xi32>
    %shift_left3A_433 = arith.shli %add3A_429, %shift_left3A_432 : vector<64x8192xi32>
    %shift_right_logical3A_434 = arith.constant 19 : i32
    %shift_right_logical3A_435 = vector.broadcast %shift_right_logical3A_434 : i32 to vector<64x8192xi32>
    %shift_right_logical3A_436 = arith.shrui %add3A_429, %shift_right_logical3A_435 : vector<64x8192xi32>
    %or3A_437 = arith.ori %shift_left3A_433, %shift_right_logical3A_436 : vector<64x8192xi32>
    %xor3A_438 = arith.xori %or3A_437, %add3A_430 : vector<64x8192xi32>
    %add3A_439 = arith.addi %add3A_430, %xor3A_438 : vector<64x8192xi32>
    %shift_left3A_440 = arith.constant 15 : i32
    %shift_left3A_441 = vector.broadcast %shift_left3A_440 : i32 to vector<64x8192xi32>
    %shift_left3A_442 = arith.shli %xor3A_438, %shift_left3A_441 : vector<64x8192xi32>
    %shift_right_logical3A_443 = arith.constant 17 : i32
    %shift_right_logical3A_444 = vector.broadcast %shift_right_logical3A_443 : i32 to vector<64x8192xi32>
    %shift_right_logical3A_445 = arith.shrui %xor3A_438, %shift_right_logical3A_444 : vector<64x8192xi32>
    %or3A_446 = arith.ori %shift_left3A_442, %shift_right_logical3A_445 : vector<64x8192xi32>
    %xor3A_447 = arith.xori %or3A_446, %add3A_439 : vector<64x8192xi32>
    %add3A_448 = arith.addi %add3A_439, %xor3A_447 : vector<64x8192xi32>
    %shift_left3A_449 = arith.constant 26 : i32
    %shift_left3A_450 = vector.broadcast %shift_left3A_449 : i32 to vector<64x8192xi32>
    %shift_left3A_451 = arith.shli %xor3A_447, %shift_left3A_450 : vector<64x8192xi32>
    %shift_right_logical3A_452 = arith.constant 6 : i32
    %shift_right_logical3A_453 = vector.broadcast %shift_right_logical3A_452 : i32 to vector<64x8192xi32>
    %shift_right_logical3A_454 = arith.shrui %xor3A_447, %shift_right_logical3A_453 : vector<64x8192xi32>
    %or3A_455 = arith.ori %shift_left3A_451, %shift_right_logical3A_454 : vector<64x8192xi32>
    %xor3A_456 = arith.xori %or3A_455, %add3A_448 : vector<64x8192xi32>
    %add3A_457 = arith.addi %add3A_448, %xor3A_456 : vector<64x8192xi32>
    %shift_left3A_458 = arith.constant 6 : i32
    %shift_left3A_459 = vector.broadcast %shift_left3A_458 : i32 to vector<64x8192xi32>
    %shift_left3A_460 = arith.shli %xor3A_456, %shift_left3A_459 : vector<64x8192xi32>
    %shift_right_logical3A_461 = arith.constant 26 : i32
    %shift_right_logical3A_462 = vector.broadcast %shift_right_logical3A_461 : i32 to vector<64x8192xi32>
    %shift_right_logical3A_463 = arith.shrui %xor3A_456, %shift_right_logical3A_462 : vector<64x8192xi32>
    %or3A_464 = arith.ori %shift_left3A_460, %shift_right_logical3A_463 : vector<64x8192xi32>
    %xor3A_465 = arith.xori %or3A_464, %add3A_457 : vector<64x8192xi32>
    %add3A_466 = arith.constant 64467757 : i32
    %add3A_467 = vector.broadcast %add3A_466 : i32 to vector<64x8192xi32>
    %add3A_468 = arith.addi %add3A_457, %add3A_467 : vector<64x8192xi32>
    %add3A_469 = arith.constant -1378843660 : i32
    %add3A_470 = vector.broadcast %add3A_469 : i32 to vector<64x8192xi32>
    %add3A_471 = arith.addi %xor3A_465, %add3A_470 : vector<64x8192xi32>
    %add3A_472 = arith.constant 3 : i32
    %add3A_473 = vector.broadcast %add3A_472 : i32 to vector<64x8192xi32>
    %add3A_474 = arith.addi %add3A_471, %add3A_473 : vector<64x8192xi32>
    %add3A_475 = arith.addi %add3A_468, %add3A_474 : vector<64x8192xi32>
    %shift_left3A_476 = arith.constant 17 : i32
    %shift_left3A_477 = vector.broadcast %shift_left3A_476 : i32 to vector<64x8192xi32>
    %shift_left3A_478 = arith.shli %add3A_474, %shift_left3A_477 : vector<64x8192xi32>
    %shift_right_logical3A_479 = arith.constant 15 : i32
    %shift_right_logical3A_480 = vector.broadcast %shift_right_logical3A_479 : i32 to vector<64x8192xi32>
    %shift_right_logical3A_481 = arith.shrui %add3A_474, %shift_right_logical3A_480 : vector<64x8192xi32>
    %or3A_482 = arith.ori %shift_left3A_478, %shift_right_logical3A_481 : vector<64x8192xi32>
    %xor3A_483 = arith.xori %or3A_482, %add3A_475 : vector<64x8192xi32>
    %add3A_484 = arith.addi %add3A_475, %xor3A_483 : vector<64x8192xi32>
    %shift_left3A_485 = arith.constant 29 : i32
    %shift_left3A_486 = vector.broadcast %shift_left3A_485 : i32 to vector<64x8192xi32>
    %shift_left3A_487 = arith.shli %xor3A_483, %shift_left3A_486 : vector<64x8192xi32>
    %shift_right_logical3A_488 = arith.constant 3 : i32
    %shift_right_logical3A_489 = vector.broadcast %shift_right_logical3A_488 : i32 to vector<64x8192xi32>
    %shift_right_logical3A_490 = arith.shrui %xor3A_483, %shift_right_logical3A_489 : vector<64x8192xi32>
    %or3A_491 = arith.ori %shift_left3A_487, %shift_right_logical3A_490 : vector<64x8192xi32>
    %xor3A_492 = arith.xori %or3A_491, %add3A_484 : vector<64x8192xi32>
    %add3A_493 = arith.addi %add3A_484, %xor3A_492 : vector<64x8192xi32>
    %shift_left3A_494 = arith.constant 16 : i32
    %shift_left3A_495 = vector.broadcast %shift_left3A_494 : i32 to vector<64x8192xi32>
    %shift_left3A_496 = arith.shli %xor3A_492, %shift_left3A_495 : vector<64x8192xi32>
    %shift_right_logical3A_497 = arith.constant 16 : i32
    %shift_right_logical3A_498 = vector.broadcast %shift_right_logical3A_497 : i32 to vector<64x8192xi32>
    %shift_right_logical3A_499 = arith.shrui %xor3A_492, %shift_right_logical3A_498 : vector<64x8192xi32>
    %or3A_500 = arith.ori %shift_left3A_496, %shift_right_logical3A_499 : vector<64x8192xi32>
    %xor3A_501 = arith.xori %or3A_500, %add3A_493 : vector<64x8192xi32>
    %add3A_502 = arith.addi %add3A_493, %xor3A_501 : vector<64x8192xi32>
    %shift_left3A_503 = arith.constant 24 : i32
    %shift_left3A_504 = vector.broadcast %shift_left3A_503 : i32 to vector<64x8192xi32>
    %shift_left3A_505 = arith.shli %xor3A_501, %shift_left3A_504 : vector<64x8192xi32>
    %shift_right_logical3A_506 = arith.constant 8 : i32
    %shift_right_logical3A_507 = vector.broadcast %shift_right_logical3A_506 : i32 to vector<64x8192xi32>
    %shift_right_logical3A_508 = arith.shrui %xor3A_501, %shift_right_logical3A_507 : vector<64x8192xi32>
    %or3A_509 = arith.ori %shift_left3A_505, %shift_right_logical3A_508 : vector<64x8192xi32>
    %xor3A_510 = arith.xori %or3A_509, %add3A_502 : vector<64x8192xi32>
    %add3A_511 = arith.constant -1378843660 : i32
    %add3A_512 = vector.broadcast %add3A_511 : i32 to vector<64x8192xi32>
    %add3A_513 = arith.addi %add3A_502, %add3A_512 : vector<64x8192xi32>
    %add3A_514 = arith.constant -1244255485 : i32
    %add3A_515 = vector.broadcast %add3A_514 : i32 to vector<64x8192xi32>
    %add3A_516 = arith.addi %xor3A_510, %add3A_515 : vector<64x8192xi32>
    %add3A_517 = arith.constant 4 : i32
    %add3A_518 = vector.broadcast %add3A_517 : i32 to vector<64x8192xi32>
    %add3A_519 = arith.addi %add3A_516, %add3A_518 : vector<64x8192xi32>
    %add3A_520 = arith.addi %add3A_513, %add3A_519 : vector<64x8192xi32>
    %shift_left3A_521 = arith.constant 13 : i32
    %shift_left3A_522 = vector.broadcast %shift_left3A_521 : i32 to vector<64x8192xi32>
    %shift_left3A_523 = arith.shli %add3A_519, %shift_left3A_522 : vector<64x8192xi32>
    %shift_right_logical3A_524 = arith.constant 19 : i32
    %shift_right_logical3A_525 = vector.broadcast %shift_right_logical3A_524 : i32 to vector<64x8192xi32>
    %shift_right_logical3A_526 = arith.shrui %add3A_519, %shift_right_logical3A_525 : vector<64x8192xi32>
    %or3A_527 = arith.ori %shift_left3A_523, %shift_right_logical3A_526 : vector<64x8192xi32>
    %xor3A_528 = arith.xori %or3A_527, %add3A_520 : vector<64x8192xi32>
    %add3A_529 = arith.addi %add3A_520, %xor3A_528 : vector<64x8192xi32>
    %shift_left3A_530 = arith.constant 15 : i32
    %shift_left3A_531 = vector.broadcast %shift_left3A_530 : i32 to vector<64x8192xi32>
    %shift_left3A_532 = arith.shli %xor3A_528, %shift_left3A_531 : vector<64x8192xi32>
    %shift_right_logical3A_533 = arith.constant 17 : i32
    %shift_right_logical3A_534 = vector.broadcast %shift_right_logical3A_533 : i32 to vector<64x8192xi32>
    %shift_right_logical3A_535 = arith.shrui %xor3A_528, %shift_right_logical3A_534 : vector<64x8192xi32>
    %or3A_536 = arith.ori %shift_left3A_532, %shift_right_logical3A_535 : vector<64x8192xi32>
    %xor3A_537 = arith.xori %or3A_536, %add3A_529 : vector<64x8192xi32>
    %add3A_538 = arith.addi %add3A_529, %xor3A_537 : vector<64x8192xi32>
    %shift_left3A_539 = arith.constant 26 : i32
    %shift_left3A_540 = vector.broadcast %shift_left3A_539 : i32 to vector<64x8192xi32>
    %shift_left3A_541 = arith.shli %xor3A_537, %shift_left3A_540 : vector<64x8192xi32>
    %shift_right_logical3A_542 = arith.constant 6 : i32
    %shift_right_logical3A_543 = vector.broadcast %shift_right_logical3A_542 : i32 to vector<64x8192xi32>
    %shift_right_logical3A_544 = arith.shrui %xor3A_537, %shift_right_logical3A_543 : vector<64x8192xi32>
    %or3A_545 = arith.ori %shift_left3A_541, %shift_right_logical3A_544 : vector<64x8192xi32>
    %xor3A_546 = arith.xori %or3A_545, %add3A_538 : vector<64x8192xi32>
    %add3A_547 = arith.addi %add3A_538, %xor3A_546 : vector<64x8192xi32>
    %shift_left3A_548 = arith.constant 6 : i32
    %shift_left3A_549 = vector.broadcast %shift_left3A_548 : i32 to vector<64x8192xi32>
    %shift_left3A_550 = arith.shli %xor3A_546, %shift_left3A_549 : vector<64x8192xi32>
    %shift_right_logical3A_551 = arith.constant 26 : i32
    %shift_right_logical3A_552 = vector.broadcast %shift_right_logical3A_551 : i32 to vector<64x8192xi32>
    %shift_right_logical3A_553 = arith.shrui %xor3A_546, %shift_right_logical3A_552 : vector<64x8192xi32>
    %or3A_554 = arith.ori %shift_left3A_550, %shift_right_logical3A_553 : vector<64x8192xi32>
    %xor3A_555 = arith.xori %or3A_554, %add3A_547 : vector<64x8192xi32>
    %add3A_556 = arith.constant -1244255485 : i32
    %add3A_557 = vector.broadcast %add3A_556 : i32 to vector<64x8192xi32>
    %add3A_558 = arith.addi %add3A_547, %add3A_557 : vector<64x8192xi32>
    %add3A_559 = arith.constant 64467757 : i32
    %add3A_560 = vector.broadcast %add3A_559 : i32 to vector<64x8192xi32>
    %add3A_561 = arith.addi %xor3A_555, %add3A_560 : vector<64x8192xi32>
    %add3A_562 = arith.constant 5 : i32
    %add3A_563 = vector.broadcast %add3A_562 : i32 to vector<64x8192xi32>
    %add3A_564 = arith.addi %add3A_561, %add3A_563 : vector<64x8192xi32>
    %xor3A_565 = arith.xori %add3A_558, %add3A_564 : vector<64x8192xi32>
    %shift_right_logical3A_566 = arith.constant 9 : i32
    %shift_right_logical3A_567 = vector.broadcast %shift_right_logical3A_566 : i32 to vector<64x8192xi32>
    %shift_right_logical3A_568 = arith.shrui %xor3A_565, %shift_right_logical3A_567 : vector<64x8192xi32>
    %or3A_569 = arith.constant 1065353216 : i32
    %or3A_570 = vector.broadcast %or3A_569 : i32 to vector<64x8192xi32>
    %or3A_571 = arith.ori %shift_right_logical3A_568, %or3A_570 : vector<64x8192xi32>
    %bitcast_convert_type3A_572 = tpu.bitcast %or3A_571 : vector<64x8192xi32> -> vector<64x8192xf32>
    %sub3A_573 = arith.constant 1.000000e+00 : f32
    %sub3A_574 = vector.broadcast %sub3A_573 : f32 to vector<64x8192xf32>
    %sub3A_575 = arith.subf %bitcast_convert_type3A_572, %sub3A_574 : vector<64x8192xf32>
    %max3A_576 = arith.constant 1.17549435E-38 : f32
    %max3A_577 = vector.broadcast %max3A_576 : f32 to vector<64x8192xf32>
    %max3A_578 = arith.maximumf %sub3A_575, %max3A_577 : vector<64x8192xf32>
    %log3A_579 = math.log %max3A_578 : vector<64x8192xf32>
    %neg3A_580 = arith.constant 0.000000e+00 : f32
    %neg3A_581 = vector.broadcast %neg3A_580 : f32 to vector<64x8192xf32>
    %neg3A_582 = arith.subf %neg3A_581, %log3A_579 : vector<64x8192xf32>
    %log3A_583 = math.log %neg3A_582 : vector<64x8192xf32>
    %neg3A_584 = arith.constant 0.000000e+00 : f32
    %neg3A_585 = vector.broadcast %neg3A_584 : f32 to vector<64x8192xf32>
    %neg3A_586 = arith.subf %neg3A_585, %log3A_583 : vector<64x8192xf32>
    %gt3A_587 = arith.constant 0.000000e+00 : f32
    %gt3A_588 = vector.broadcast %gt3A_587 : f32 to vector<64x8192xf32>
    %gt3A_589 = arith.cmpf ogt, %mul3A_334, %gt3A_588 : vector<64x8192xf32>
    %max3A_590 = arith.constant 1.000000e-30 : f32
    %max3A_591 = vector.broadcast %max3A_590 : f32 to vector<64x8192xf32>
    %max3A_592 = arith.maximumf %mul3A_334, %max3A_591 : vector<64x8192xf32>
    %log3A_593 = math.log %max3A_592 : vector<64x8192xf32>
    %jit3A_594 = arith.constant -1.000000e+30 : f32
    %broadcast_in_dim3A_595 = vector.broadcast %jit3A_594 : f32 to vector<64x8192xf32>
    %select_n3A_596 = arith.select %gt3A_589, %log3A_593, %broadcast_in_dim3A_595 : vector<64x8192xi1>, vector<64x8192xf32>
    %add3A_597 = arith.addf %select_n3A_596, %neg3A_586 : vector<64x8192xf32>
    %reduce_max3A_598 = arith.constant dense<0xFF800000> : vector<8192xf32>
    %reduce_max3A_599 = vector.multi_reduction <maximumf>, %add3A_597, %reduce_max3A_598 [0] : vector<64x8192xf32> to vector<8192xf32>
    %broadcast_in_dim3A_600 = vector.shape_cast %reduce_max3A_599 : vector<8192xf32> to vector<1x8192xf32>
    %eq3A_601 = vector.broadcast %broadcast_in_dim3A_600 : vector<1x8192xf32> to vector<64x8192xf32>
    %eq3A_602 = arith.cmpf oeq, %add3A_597, %eq3A_601 : vector<64x8192xf32>
    %jit3A_603 = arith.constant 64 : i32
    %broadcast_in_dim3A_604 = vector.broadcast %jit3A_603 : i32 to vector<64x8192xi32>
    %select_n3A_605 = arith.select %eq3A_602, %iota3A_56, %broadcast_in_dim3A_604 : vector<64x8192xi1>, vector<64x8192xi32>
    %reduce_min3A_606 = arith.constant dense<2147483647> : vector<8192xi32>
    %reduce_min3A_607 = vector.multi_reduction <minsi>, %select_n3A_605, %reduce_min3A_606 [0] : vector<64x8192xi32> to vector<8192xi32>
    %broadcast_in_dim3A_608 = vector.shape_cast %reduce_min3A_607 : vector<8192xi32> to vector<1x8192xi32>
    %mul3A_609 = arith.constant 64 : i32
    %mul3A_610 = vector.broadcast %mul3A_609 : i32 to vector<1x8192xi32>
    %mul3A_611 = arith.muli %broadcast_in_dim3A_324, %mul3A_610 : vector<1x8192xi32>
    %add3A_612 = arith.addi %mul3A_611, %broadcast_in_dim3A_608 : vector<1x8192xi32>
    %swap3A_613 = arith.constant 0 : index
    %swap3A_614 = arith.constant 0 : index
    %swap3A_615 = vector.load %arg7[%swap3A_613, %swap3A_614] : memref<1x8192xi32, #tpu.memory_space<vmem>>, vector<1x8192xi32>
    tpu.vector_store %arg7[%swap3A_613, %swap3A_614], %add3A_612 {strides = array<i32>} : memref<1x8192xi32, #tpu.memory_space<vmem>>, vector<1x8192xi32>,
    %mul3A_616 = arith.constant 8192 : i32
    %mul3A_617 = arith.muli %add3A_0, %mul3A_616 : i32
    %iota3A_618 = tpu.iota {dimensions = array<i32: 1>} : vector<1x8192xi32>
    %add3A_619 = vector.broadcast %mul3A_617 : i32 to vector<1x8192xi32>
    %add3A_620 = arith.addi %add3A_619, %iota3A_618 : vector<1x8192xi32>
    %add3A_621 = arith.constant 255383827 : i32
    %add3A_622 = vector.broadcast %add3A_621 : i32 to vector<1x8192xi32>
    %add3A_623 = arith.addi %add3A_620, %add3A_622 : vector<1x8192xi32>
    %add3A_624 = arith.constant -1829035798 : i32
    %add3A_625 = vector.broadcast %add3A_624 : i32 to vector<1x8192xi32>
    %add3A_626 = arith.addi %add3A_623, %add3A_625 : vector<1x8192xi32>
    %shift_left3A_627 = arith.constant 13 : i32
    %shift_left3A_628 = vector.broadcast %shift_left3A_627 : i32 to vector<1x8192xi32>
    %shift_left3A_629 = arith.shli %add3A_623, %shift_left3A_628 : vector<1x8192xi32>
    %shift_right_logical3A_630 = arith.constant 19 : i32
    %shift_right_logical3A_631 = vector.broadcast %shift_right_logical3A_630 : i32 to vector<1x8192xi32>
    %shift_right_logical3A_632 = arith.shrui %add3A_623, %shift_right_logical3A_631 : vector<1x8192xi32>
    %or3A_633 = arith.ori %shift_left3A_629, %shift_right_logical3A_632 : vector<1x8192xi32>
    %xor3A_634 = arith.xori %or3A_633, %add3A_626 : vector<1x8192xi32>
    %add3A_635 = arith.addi %add3A_626, %xor3A_634 : vector<1x8192xi32>
    %shift_left3A_636 = arith.constant 15 : i32
    %shift_left3A_637 = vector.broadcast %shift_left3A_636 : i32 to vector<1x8192xi32>
    %shift_left3A_638 = arith.shli %xor3A_634, %shift_left3A_637 : vector<1x8192xi32>
    %shift_right_logical3A_639 = arith.constant 17 : i32
    %shift_right_logical3A_640 = vector.broadcast %shift_right_logical3A_639 : i32 to vector<1x8192xi32>
    %shift_right_logical3A_641 = arith.shrui %xor3A_634, %shift_right_logical3A_640 : vector<1x8192xi32>
    %or3A_642 = arith.ori %shift_left3A_638, %shift_right_logical3A_641 : vector<1x8192xi32>
    %xor3A_643 = arith.xori %or3A_642, %add3A_635 : vector<1x8192xi32>
    %add3A_644 = arith.addi %add3A_635, %xor3A_643 : vector<1x8192xi32>
    %shift_left3A_645 = arith.constant 26 : i32
    %shift_left3A_646 = vector.broadcast %shift_left3A_645 : i32 to vector<1x8192xi32>
    %shift_left3A_647 = arith.shli %xor3A_643, %shift_left3A_646 : vector<1x8192xi32>
    %shift_right_logical3A_648 = arith.constant 6 : i32
    %shift_right_logical3A_649 = vector.broadcast %shift_right_logical3A_648 : i32 to vector<1x8192xi32>
    %shift_right_logical3A_650 = arith.shrui %xor3A_643, %shift_right_logical3A_649 : vector<1x8192xi32>
    %or3A_651 = arith.ori %shift_left3A_647, %shift_right_logical3A_650 : vector<1x8192xi32>
    %xor3A_652 = arith.xori %or3A_651, %add3A_644 : vector<1x8192xi32>
    %add3A_653 = arith.addi %add3A_644, %xor3A_652 : vector<1x8192xi32>
    %shift_left3A_654 = arith.constant 6 : i32
    %shift_left3A_655 = vector.broadcast %shift_left3A_654 : i32 to vector<1x8192xi32>
    %shift_left3A_656 = arith.shli %xor3A_652, %shift_left3A_655 : vector<1x8192xi32>
    %shift_right_logical3A_657 = arith.constant 26 : i32
    %shift_right_logical3A_658 = vector.broadcast %shift_right_logical3A_657 : i32 to vector<1x8192xi32>
    %shift_right_logical3A_659 = arith.shrui %xor3A_652, %shift_right_logical3A_658 : vector<1x8192xi32>
    %or3A_660 = arith.ori %shift_left3A_656, %shift_right_logical3A_659 : vector<1x8192xi32>
    %xor3A_661 = arith.xori %or3A_660, %add3A_653 : vector<1x8192xi32>
    %add3A_662 = arith.constant 255383827 : i32
    %add3A_663 = vector.broadcast %add3A_662 : i32 to vector<1x8192xi32>
    %add3A_664 = arith.addi %add3A_653, %add3A_663 : vector<1x8192xi32>
    %add3A_665 = arith.constant -2045582813 : i32
    %add3A_666 = vector.broadcast %add3A_665 : i32 to vector<1x8192xi32>
    %add3A_667 = arith.addi %xor3A_661, %add3A_666 : vector<1x8192xi32>
    %add3A_668 = arith.constant 1 : i32
    %add3A_669 = vector.broadcast %add3A_668 : i32 to vector<1x8192xi32>
    %add3A_670 = arith.addi %add3A_667, %add3A_669 : vector<1x8192xi32>
    %add3A_671 = arith.addi %add3A_664, %add3A_670 : vector<1x8192xi32>
    %shift_left3A_672 = arith.constant 17 : i32
    %shift_left3A_673 = vector.broadcast %shift_left3A_672 : i32 to vector<1x8192xi32>
    %shift_left3A_674 = arith.shli %add3A_670, %shift_left3A_673 : vector<1x8192xi32>
    %shift_right_logical3A_675 = arith.constant 15 : i32
    %shift_right_logical3A_676 = vector.broadcast %shift_right_logical3A_675 : i32 to vector<1x8192xi32>
    %shift_right_logical3A_677 = arith.shrui %add3A_670, %shift_right_logical3A_676 : vector<1x8192xi32>
    %or3A_678 = arith.ori %shift_left3A_674, %shift_right_logical3A_677 : vector<1x8192xi32>
    %xor3A_679 = arith.xori %or3A_678, %add3A_671 : vector<1x8192xi32>
    %add3A_680 = arith.addi %add3A_671, %xor3A_679 : vector<1x8192xi32>
    %shift_left3A_681 = arith.constant 29 : i32
    %shift_left3A_682 = vector.broadcast %shift_left3A_681 : i32 to vector<1x8192xi32>
    %shift_left3A_683 = arith.shli %xor3A_679, %shift_left3A_682 : vector<1x8192xi32>
    %shift_right_logical3A_684 = arith.constant 3 : i32
    %shift_right_logical3A_685 = vector.broadcast %shift_right_logical3A_684 : i32 to vector<1x8192xi32>
    %shift_right_logical3A_686 = arith.shrui %xor3A_679, %shift_right_logical3A_685 : vector<1x8192xi32>
    %or3A_687 = arith.ori %shift_left3A_683, %shift_right_logical3A_686 : vector<1x8192xi32>
    %xor3A_688 = arith.xori %or3A_687, %add3A_680 : vector<1x8192xi32>
    %add3A_689 = arith.addi %add3A_680, %xor3A_688 : vector<1x8192xi32>
    %shift_left3A_690 = arith.constant 16 : i32
    %shift_left3A_691 = vector.broadcast %shift_left3A_690 : i32 to vector<1x8192xi32>
    %shift_left3A_692 = arith.shli %xor3A_688, %shift_left3A_691 : vector<1x8192xi32>
    %shift_right_logical3A_693 = arith.constant 16 : i32
    %shift_right_logical3A_694 = vector.broadcast %shift_right_logical3A_693 : i32 to vector<1x8192xi32>
    %shift_right_logical3A_695 = arith.shrui %xor3A_688, %shift_right_logical3A_694 : vector<1x8192xi32>
    %or3A_696 = arith.ori %shift_left3A_692, %shift_right_logical3A_695 : vector<1x8192xi32>
    %xor3A_697 = arith.xori %or3A_696, %add3A_689 : vector<1x8192xi32>
    %add3A_698 = arith.addi %add3A_689, %xor3A_697 : vector<1x8192xi32>
    %shift_left3A_699 = arith.constant 24 : i32
    %shift_left3A_700 = vector.broadcast %shift_left3A_699 : i32 to vector<1x8192xi32>
    %shift_left3A_701 = arith.shli %xor3A_697, %shift_left3A_700 : vector<1x8192xi32>
    %shift_right_logical3A_702 = arith.constant 8 : i32
    %shift_right_logical3A_703 = vector.broadcast %shift_right_logical3A_702 : i32 to vector<1x8192xi32>
    %shift_right_logical3A_704 = arith.shrui %xor3A_697, %shift_right_logical3A_703 : vector<1x8192xi32>
    %or3A_705 = arith.ori %shift_left3A_701, %shift_right_logical3A_704 : vector<1x8192xi32>
    %xor3A_706 = arith.xori %or3A_705, %add3A_698 : vector<1x8192xi32>
    %add3A_707 = arith.constant -2045582813 : i32
    %add3A_708 = vector.broadcast %add3A_707 : i32 to vector<1x8192xi32>
    %add3A_709 = arith.addi %add3A_698, %add3A_708 : vector<1x8192xi32>
    %add3A_710 = arith.constant -1829035798 : i32
    %add3A_711 = vector.broadcast %add3A_710 : i32 to vector<1x8192xi32>
    %add3A_712 = arith.addi %xor3A_706, %add3A_711 : vector<1x8192xi32>
    %add3A_713 = arith.constant 2 : i32
    %add3A_714 = vector.broadcast %add3A_713 : i32 to vector<1x8192xi32>
    %add3A_715 = arith.addi %add3A_712, %add3A_714 : vector<1x8192xi32>
    %add3A_716 = arith.addi %add3A_709, %add3A_715 : vector<1x8192xi32>
    %shift_left3A_717 = arith.constant 13 : i32
    %shift_left3A_718 = vector.broadcast %shift_left3A_717 : i32 to vector<1x8192xi32>
    %shift_left3A_719 = arith.shli %add3A_715, %shift_left3A_718 : vector<1x8192xi32>
    %shift_right_logical3A_720 = arith.constant 19 : i32
    %shift_right_logical3A_721 = vector.broadcast %shift_right_logical3A_720 : i32 to vector<1x8192xi32>
    %shift_right_logical3A_722 = arith.shrui %add3A_715, %shift_right_logical3A_721 : vector<1x8192xi32>
    %or3A_723 = arith.ori %shift_left3A_719, %shift_right_logical3A_722 : vector<1x8192xi32>
    %xor3A_724 = arith.xori %or3A_723, %add3A_716 : vector<1x8192xi32>
    %add3A_725 = arith.addi %add3A_716, %xor3A_724 : vector<1x8192xi32>
    %shift_left3A_726 = arith.constant 15 : i32
    %shift_left3A_727 = vector.broadcast %shift_left3A_726 : i32 to vector<1x8192xi32>
    %shift_left3A_728 = arith.shli %xor3A_724, %shift_left3A_727 : vector<1x8192xi32>
    %shift_right_logical3A_729 = arith.constant 17 : i32
    %shift_right_logical3A_730 = vector.broadcast %shift_right_logical3A_729 : i32 to vector<1x8192xi32>
    %shift_right_logical3A_731 = arith.shrui %xor3A_724, %shift_right_logical3A_730 : vector<1x8192xi32>
    %or3A_732 = arith.ori %shift_left3A_728, %shift_right_logical3A_731 : vector<1x8192xi32>
    %xor3A_733 = arith.xori %or3A_732, %add3A_725 : vector<1x8192xi32>
    %add3A_734 = arith.addi %add3A_725, %xor3A_733 : vector<1x8192xi32>
    %shift_left3A_735 = arith.constant 26 : i32
    %shift_left3A_736 = vector.broadcast %shift_left3A_735 : i32 to vector<1x8192xi32>
    %shift_left3A_737 = arith.shli %xor3A_733, %shift_left3A_736 : vector<1x8192xi32>
    %shift_right_logical3A_738 = arith.constant 6 : i32
    %shift_right_logical3A_739 = vector.broadcast %shift_right_logical3A_738 : i32 to vector<1x8192xi32>
    %shift_right_logical3A_740 = arith.shrui %xor3A_733, %shift_right_logical3A_739 : vector<1x8192xi32>
    %or3A_741 = arith.ori %shift_left3A_737, %shift_right_logical3A_740 : vector<1x8192xi32>
    %xor3A_742 = arith.xori %or3A_741, %add3A_734 : vector<1x8192xi32>
    %add3A_743 = arith.addi %add3A_734, %xor3A_742 : vector<1x8192xi32>
    %shift_left3A_744 = arith.constant 6 : i32
    %shift_left3A_745 = vector.broadcast %shift_left3A_744 : i32 to vector<1x8192xi32>
    %shift_left3A_746 = arith.shli %xor3A_742, %shift_left3A_745 : vector<1x8192xi32>
    %shift_right_logical3A_747 = arith.constant 26 : i32
    %shift_right_logical3A_748 = vector.broadcast %shift_right_logical3A_747 : i32 to vector<1x8192xi32>
    %shift_right_logical3A_749 = arith.shrui %xor3A_742, %shift_right_logical3A_748 : vector<1x8192xi32>
    %or3A_750 = arith.ori %shift_left3A_746, %shift_right_logical3A_749 : vector<1x8192xi32>
    %xor3A_751 = arith.xori %or3A_750, %add3A_743 : vector<1x8192xi32>
    %add3A_752 = arith.constant -1829035798 : i32
    %add3A_753 = vector.broadcast %add3A_752 : i32 to vector<1x8192xi32>
    %add3A_754 = arith.addi %add3A_743, %add3A_753 : vector<1x8192xi32>
    %add3A_755 = arith.constant 255383827 : i32
    %add3A_756 = vector.broadcast %add3A_755 : i32 to vector<1x8192xi32>
    %add3A_757 = arith.addi %xor3A_751, %add3A_756 : vector<1x8192xi32>
    %add3A_758 = arith.constant 3 : i32
    %add3A_759 = vector.broadcast %add3A_758 : i32 to vector<1x8192xi32>
    %add3A_760 = arith.addi %add3A_757, %add3A_759 : vector<1x8192xi32>
    %add3A_761 = arith.addi %add3A_754, %add3A_760 : vector<1x8192xi32>
    %shift_left3A_762 = arith.constant 17 : i32
    %shift_left3A_763 = vector.broadcast %shift_left3A_762 : i32 to vector<1x8192xi32>
    %shift_left3A_764 = arith.shli %add3A_760, %shift_left3A_763 : vector<1x8192xi32>
    %shift_right_logical3A_765 = arith.constant 15 : i32
    %shift_right_logical3A_766 = vector.broadcast %shift_right_logical3A_765 : i32 to vector<1x8192xi32>
    %shift_right_logical3A_767 = arith.shrui %add3A_760, %shift_right_logical3A_766 : vector<1x8192xi32>
    %or3A_768 = arith.ori %shift_left3A_764, %shift_right_logical3A_767 : vector<1x8192xi32>
    %xor3A_769 = arith.xori %or3A_768, %add3A_761 : vector<1x8192xi32>
    %add3A_770 = arith.addi %add3A_761, %xor3A_769 : vector<1x8192xi32>
    %shift_left3A_771 = arith.constant 29 : i32
    %shift_left3A_772 = vector.broadcast %shift_left3A_771 : i32 to vector<1x8192xi32>
    %shift_left3A_773 = arith.shli %xor3A_769, %shift_left3A_772 : vector<1x8192xi32>
    %shift_right_logical3A_774 = arith.constant 3 : i32
    %shift_right_logical3A_775 = vector.broadcast %shift_right_logical3A_774 : i32 to vector<1x8192xi32>
    %shift_right_logical3A_776 = arith.shrui %xor3A_769, %shift_right_logical3A_775 : vector<1x8192xi32>
    %or3A_777 = arith.ori %shift_left3A_773, %shift_right_logical3A_776 : vector<1x8192xi32>
    %xor3A_778 = arith.xori %or3A_777, %add3A_770 : vector<1x8192xi32>
    %add3A_779 = arith.addi %add3A_770, %xor3A_778 : vector<1x8192xi32>
    %shift_left3A_780 = arith.constant 16 : i32
    %shift_left3A_781 = vector.broadcast %shift_left3A_780 : i32 to vector<1x8192xi32>
    %shift_left3A_782 = arith.shli %xor3A_778, %shift_left3A_781 : vector<1x8192xi32>
    %shift_right_logical3A_783 = arith.constant 16 : i32
    %shift_right_logical3A_784 = vector.broadcast %shift_right_logical3A_783 : i32 to vector<1x8192xi32>
    %shift_right_logical3A_785 = arith.shrui %xor3A_778, %shift_right_logical3A_784 : vector<1x8192xi32>
    %or3A_786 = arith.ori %shift_left3A_782, %shift_right_logical3A_785 : vector<1x8192xi32>
    %xor3A_787 = arith.xori %or3A_786, %add3A_779 : vector<1x8192xi32>
    %add3A_788 = arith.addi %add3A_779, %xor3A_787 : vector<1x8192xi32>
    %shift_left3A_789 = arith.constant 24 : i32
    %shift_left3A_790 = vector.broadcast %shift_left3A_789 : i32 to vector<1x8192xi32>
    %shift_left3A_791 = arith.shli %xor3A_787, %shift_left3A_790 : vector<1x8192xi32>
    %shift_right_logical3A_792 = arith.constant 8 : i32
    %shift_right_logical3A_793 = vector.broadcast %shift_right_logical3A_792 : i32 to vector<1x8192xi32>
    %shift_right_logical3A_794 = arith.shrui %xor3A_787, %shift_right_logical3A_793 : vector<1x8192xi32>
    %or3A_795 = arith.ori %shift_left3A_791, %shift_right_logical3A_794 : vector<1x8192xi32>
    %xor3A_796 = arith.xori %or3A_795, %add3A_788 : vector<1x8192xi32>
    %add3A_797 = arith.constant 255383827 : i32
    %add3A_798 = vector.broadcast %add3A_797 : i32 to vector<1x8192xi32>
    %add3A_799 = arith.addi %add3A_788, %add3A_798 : vector<1x8192xi32>
    %add3A_800 = arith.constant -2045582813 : i32
    %add3A_801 = vector.broadcast %add3A_800 : i32 to vector<1x8192xi32>
    %add3A_802 = arith.addi %xor3A_796, %add3A_801 : vector<1x8192xi32>
    %add3A_803 = arith.constant 4 : i32
    %add3A_804 = vector.broadcast %add3A_803 : i32 to vector<1x8192xi32>
    %add3A_805 = arith.addi %add3A_802, %add3A_804 : vector<1x8192xi32>
    %add3A_806 = arith.addi %add3A_799, %add3A_805 : vector<1x8192xi32>
    %shift_left3A_807 = arith.constant 13 : i32
    %shift_left3A_808 = vector.broadcast %shift_left3A_807 : i32 to vector<1x8192xi32>
    %shift_left3A_809 = arith.shli %add3A_805, %shift_left3A_808 : vector<1x8192xi32>
    %shift_right_logical3A_810 = arith.constant 19 : i32
    %shift_right_logical3A_811 = vector.broadcast %shift_right_logical3A_810 : i32 to vector<1x8192xi32>
    %shift_right_logical3A_812 = arith.shrui %add3A_805, %shift_right_logical3A_811 : vector<1x8192xi32>
    %or3A_813 = arith.ori %shift_left3A_809, %shift_right_logical3A_812 : vector<1x8192xi32>
    %xor3A_814 = arith.xori %or3A_813, %add3A_806 : vector<1x8192xi32>
    %add3A_815 = arith.addi %add3A_806, %xor3A_814 : vector<1x8192xi32>
    %shift_left3A_816 = arith.constant 15 : i32
    %shift_left3A_817 = vector.broadcast %shift_left3A_816 : i32 to vector<1x8192xi32>
    %shift_left3A_818 = arith.shli %xor3A_814, %shift_left3A_817 : vector<1x8192xi32>
    %shift_right_logical3A_819 = arith.constant 17 : i32
    %shift_right_logical3A_820 = vector.broadcast %shift_right_logical3A_819 : i32 to vector<1x8192xi32>
    %shift_right_logical3A_821 = arith.shrui %xor3A_814, %shift_right_logical3A_820 : vector<1x8192xi32>
    %or3A_822 = arith.ori %shift_left3A_818, %shift_right_logical3A_821 : vector<1x8192xi32>
    %xor3A_823 = arith.xori %or3A_822, %add3A_815 : vector<1x8192xi32>
    %add3A_824 = arith.addi %add3A_815, %xor3A_823 : vector<1x8192xi32>
    %shift_left3A_825 = arith.constant 26 : i32
    %shift_left3A_826 = vector.broadcast %shift_left3A_825 : i32 to vector<1x8192xi32>
    %shift_left3A_827 = arith.shli %xor3A_823, %shift_left3A_826 : vector<1x8192xi32>
    %shift_right_logical3A_828 = arith.constant 6 : i32
    %shift_right_logical3A_829 = vector.broadcast %shift_right_logical3A_828 : i32 to vector<1x8192xi32>
    %shift_right_logical3A_830 = arith.shrui %xor3A_823, %shift_right_logical3A_829 : vector<1x8192xi32>
    %or3A_831 = arith.ori %shift_left3A_827, %shift_right_logical3A_830 : vector<1x8192xi32>
    %xor3A_832 = arith.xori %or3A_831, %add3A_824 : vector<1x8192xi32>
    %add3A_833 = arith.addi %add3A_824, %xor3A_832 : vector<1x8192xi32>
    %shift_left3A_834 = arith.constant 6 : i32
    %shift_left3A_835 = vector.broadcast %shift_left3A_834 : i32 to vector<1x8192xi32>
    %shift_left3A_836 = arith.shli %xor3A_832, %shift_left3A_835 : vector<1x8192xi32>
    %shift_right_logical3A_837 = arith.constant 26 : i32
    %shift_right_logical3A_838 = vector.broadcast %shift_right_logical3A_837 : i32 to vector<1x8192xi32>
    %shift_right_logical3A_839 = arith.shrui %xor3A_832, %shift_right_logical3A_838 : vector<1x8192xi32>
    %or3A_840 = arith.ori %shift_left3A_836, %shift_right_logical3A_839 : vector<1x8192xi32>
    %xor3A_841 = arith.xori %or3A_840, %add3A_833 : vector<1x8192xi32>
    %add3A_842 = arith.constant -2045582813 : i32
    %add3A_843 = vector.broadcast %add3A_842 : i32 to vector<1x8192xi32>
    %add3A_844 = arith.addi %add3A_833, %add3A_843 : vector<1x8192xi32>
    %add3A_845 = arith.constant -1829035798 : i32
    %add3A_846 = vector.broadcast %add3A_845 : i32 to vector<1x8192xi32>
    %add3A_847 = arith.addi %xor3A_841, %add3A_846 : vector<1x8192xi32>
    %add3A_848 = arith.constant 5 : i32
    %add3A_849 = vector.broadcast %add3A_848 : i32 to vector<1x8192xi32>
    %add3A_850 = arith.addi %add3A_847, %add3A_849 : vector<1x8192xi32>
    %xor3A_851 = arith.xori %add3A_844, %add3A_850 : vector<1x8192xi32>
    %shift_right_logical3A_852 = arith.constant 9 : i32
    %shift_right_logical3A_853 = vector.broadcast %shift_right_logical3A_852 : i32 to vector<1x8192xi32>
    %shift_right_logical3A_854 = arith.shrui %xor3A_851, %shift_right_logical3A_853 : vector<1x8192xi32>
    %or3A_855 = arith.constant 1065353216 : i32
    %or3A_856 = vector.broadcast %or3A_855 : i32 to vector<1x8192xi32>
    %or3A_857 = arith.ori %shift_right_logical3A_854, %or3A_856 : vector<1x8192xi32>
    %bitcast_convert_type3A_858 = tpu.bitcast %or3A_857 : vector<1x8192xi32> -> vector<1x8192xf32>
    %sub3A_859 = arith.constant 1.000000e+00 : f32
    %sub3A_860 = vector.broadcast %sub3A_859 : f32 to vector<1x8192xf32>
    %sub3A_861 = arith.subf %bitcast_convert_type3A_858, %sub3A_860 : vector<1x8192xf32>
    %max3A_862 = arith.constant 0.000000e+00 : f32
    %max3A_863 = vector.broadcast %max3A_862 : f32 to vector<1x8192xf32>
    %max3A_864 = arith.maximumf %max3A_863, %sub3A_861 : vector<1x8192xf32>
    %swap3A_865 = arith.constant 0 : index
    %swap3A_866 = arith.constant 0 : index
    %swap3A_867 = vector.load %arg8[%swap3A_865, %swap3A_866] : memref<1x8192xf32, #tpu.memory_space<vmem>>, vector<1x8192xf32>
    tpu.vector_store %arg8[%swap3A_865, %swap3A_866], %max3A_864 {strides = array<i32>} : memref<1x8192xf32, #tpu.memory_space<vmem>>, vector<1x8192xf32>,
    %get3A_868 = arith.constant 0 : index
    %get3A_869 = arith.constant 0 : index
    %get3A_870 = vector.load %arg4[%get3A_868, %get3A_869] : memref<128x32xf32, #tpu.memory_space<vmem>>, vector<128x32xf32>
    %dot_general3A_871 = arith.constant dense<0.000000e+00> : vector<128x128xf32>
    %dot_general3A_872 = tpu.matmul %slice3A, %get3A_870, %dot_general3A_871 {dimension_numbers = #tpu.dot_dimension_numbers<[1], [1], [0], [0], [0, 0, 1, 0], [], []>, transpose_lhs_hint = false} : vector<128x32xf32>, vector<128x32xf32>, vector<128x128xf32> -> vector<128x128xf32>
    %swap3A_873 = arith.constant 0 : index
    %swap3A_874 = arith.constant 0 : index
    %swap3A_875 = vector.load %arg10[%swap3A_873, %swap3A_874] : memref<128x128xf32, #tpu.memory_space<vmem>>, vector<128x128xf32>
    tpu.vector_store %arg10[%swap3A_873, %swap3A_874], %dot_general3A_872 {strides = array<i32>} : memref<128x128xf32, #tpu.memory_space<vmem>>, vector<128x128xf32>,
    %get3A_876 = arith.constant 0 : index
    %get3A_877 = arith.constant 0 : index
    %get3A_878 = vector.load %arg5[%get3A_876, %get3A_877] : memref<128x32xf32, #tpu.memory_space<vmem>>, vector<128x32xf32>
    %dot_general3A_879 = arith.constant dense<0.000000e+00> : vector<128x128xf32>
    %dot_general3A_880 = tpu.matmul %slice3A_3, %get3A_878, %dot_general3A_879 {dimension_numbers = #tpu.dot_dimension_numbers<[1], [1], [0], [0], [0, 0, 1, 0], [], []>, transpose_lhs_hint = false} : vector<128x32xf32>, vector<128x32xf32>, vector<128x128xf32> -> vector<128x128xf32>
    %swap3A_881 = arith.constant 0 : index
    %swap3A_882 = arith.constant 0 : index
    %swap3A_883 = vector.load %arg11[%swap3A_881, %swap3A_882] : memref<128x128xf32, #tpu.memory_space<vmem>>, vector<128x128xf32>
    tpu.vector_store %arg11[%swap3A_881, %swap3A_882], %dot_general3A_880 {strides = array<i32>} : memref<128x128xf32, #tpu.memory_space<vmem>>, vector<128x128xf32>,
    return
  }
  func.func @transform_0(%arg0: i32) -> (i32, i32) {
    %c0_i32 = arith.constant 0 : i32
    %c0_i32_0 = arith.constant 0 : i32
    return %arg0, %c0_i32 : i32, i32
  }
  func.func @transform_1(%arg0: i32) -> (i32, i32) {
    %c0_i32 = arith.constant 0 : i32
    %c0_i32_0 = arith.constant 0 : i32
    %c0_i32_1 = arith.constant 0 : i32
    return %c0_i32, %c0_i32_0 : i32, i32
  }
  func.func @transform_2(%arg0: i32) -> (i32, i32) {
    %c0_i32 = arith.constant 0 : i32
    %c0_i32_0 = arith.constant 0 : i32
    %c0_i32_1 = arith.constant 0 : i32
    return %c0_i32, %c0_i32_0 : i32, i32
  }
  func.func @transform_3(%arg0: i32) -> (i32, i32) {
    %c0_i32 = arith.constant 0 : i32
    %c0_i32_0 = arith.constant 0 : i32
    %c0_i32_1 = arith.constant 0 : i32
    return %c0_i32, %c0_i32_0 : i32, i32
  }
  func.func @transform_4(%arg0: i32) -> (i32, i32) {
    %c0_i32 = arith.constant 0 : i32
    %c0_i32_0 = arith.constant 0 : i32
    %c0_i32_1 = arith.constant 0 : i32
    return %c0_i32, %c0_i32_0 : i32, i32
  }
  func.func @transform_5(%arg0: i32) -> (i32, i32) {
    %c0_i32 = arith.constant 0 : i32
    %c0_i32_0 = arith.constant 0 : i32
    %c0_i32_1 = arith.constant 0 : i32
    return %c0_i32, %c0_i32_0 : i32, i32
  }
  func.func @transform_6(%arg0: i32) -> (i32, i32) {
    %c0_i32 = arith.constant 0 : i32
    %c0_i32_0 = arith.constant 0 : i32
    return %c0_i32, %arg0 : i32, i32
  }
  func.func @transform_7(%arg0: i32) -> (i32, i32) {
    %c0_i32 = arith.constant 0 : i32
    %c0_i32_0 = arith.constant 0 : i32
    return %c0_i32, %arg0 : i32, i32
  }
  func.func @transform_8(%arg0: i32) -> (i32, i32) {
    %c0_i32 = arith.constant 0 : i32
    %c0_i32_0 = arith.constant 0 : i32
    return %arg0, %c0_i32 : i32, i32
  }
  func.func @transform_9(%arg0: i32) -> (i32, i32) {
    %c0_i32 = arith.constant 0 : i32
    %c0_i32_0 = arith.constant 0 : i32
    return %arg0, %c0_i32 : i32, i32
  }
  func.func @transform_10(%arg0: i32) -> (i32, i32) {
    %c0_i32 = arith.constant 0 : i32
    %c0_i32_0 = arith.constant 0 : i32
    return %arg0, %c0_i32 : i32, i32
  }
}

module attributes {stable_mosaic.version = 14 : i64} {
  func.func @_tc_body(%arg0: i32, %arg1: memref<128x64xf32, #tpu.memory_space<vmem>>, %arg2: memref<64x32xf32, #tpu.memory_space<vmem>>, %arg3: memref<64x32xf32, #tpu.memory_space<vmem>>, %arg4: memref<128x32xf32, #tpu.memory_space<vmem>>, %arg5: memref<128x32xf32, #tpu.memory_space<vmem>>, %arg6: memref<64x64xf32, #tpu.memory_space<vmem>>, %arg7: memref<1x8192xi32, #tpu.memory_space<vmem>>, %arg8: memref<1x8192xf32, #tpu.memory_space<vmem>>, %arg9: memref<128x128xf32, #tpu.memory_space<vmem>>, %arg10: memref<128x128xf32, #tpu.memory_space<vmem>>, %arg11: memref<128x128xf32, #tpu.memory_space<vmem>>) attributes {dimension_semantics = [#tpu.dimension_semantics<arbitrary>], iteration_bounds = array<i64: 16>, scalar_prefetch = 0 : i64, scratch_operands = 0 : i64, tpu.core_type = #tpu.core_type<tc>, window_params = [{transform_indices = @transform_0, window_bounds = array<i64: 128, 64>}, {pipeline_mode = #tpu.pipeline_mode<synchronous>, transform_indices = @transform_1, window_bounds = array<i64: 64, 32>}, {pipeline_mode = #tpu.pipeline_mode<synchronous>, transform_indices = @transform_2, window_bounds = array<i64: 64, 32>}, {pipeline_mode = #tpu.pipeline_mode<synchronous>, transform_indices = @transform_3, window_bounds = array<i64: 128, 32>}, {pipeline_mode = #tpu.pipeline_mode<synchronous>, transform_indices = @transform_4, window_bounds = array<i64: 128, 32>}, {pipeline_mode = #tpu.pipeline_mode<synchronous>, transform_indices = @transform_5, window_bounds = array<i64: 64, 64>}, {transform_indices = @transform_6, window_bounds = array<i64: 1, 8192>}, {transform_indices = @transform_7, window_bounds = array<i64: 1, 8192>}, {transform_indices = @transform_8, window_bounds = array<i64: 128, 128>}, {transform_indices = @transform_9, window_bounds = array<i64: 128, 128>}, {transform_indices = @transform_10, window_bounds = array<i64: 128, 128>}]} {
    %add3A = arith.constant 0 : i32
    %add3A_0 = arith.addi %arg0, %add3A : i32
    %get3A = arith.constant 0 : index
    %get3A_1 = arith.constant 0 : index
    %get3A_2 = vector.load %arg1[%get3A, %get3A_1] : memref<128x64xf32, #tpu.memory_space<vmem>>, vector<128x64xf32>
    %slice3A = vector.extract_strided_slice %get3A_2 {offsets = [0, 0], sizes = [128, 32], strides = [1, 1]} : vector<128x64xf32> to vector<128x32xf32>
    %slice3A_3 = vector.extract_strided_slice %get3A_2 {offsets = [0, 32], sizes = [128, 32], strides = [1, 1]} : vector<128x64xf32> to vector<128x32xf32>
    %get3A_4 = arith.constant 0 : index
    %get3A_5 = arith.constant 0 : index
    %get3A_6 = vector.load %arg2[%get3A_4, %get3A_5] : memref<64x32xf32, #tpu.memory_space<vmem>>, vector<64x32xf32>
    %dot_general3A = arith.constant dense<0.000000e+00> : vector<128x64xf32>
    %dot_general3A_7 = tpu.matmul %slice3A, %get3A_6, %dot_general3A {dimension_numbers = #tpu.dot_dimension_numbers<[1], [1], [0], [0], [0, 0, 1, 0], [], []>, transpose_lhs_hint = false} : vector<128x32xf32>, vector<64x32xf32>, vector<128x64xf32> -> vector<128x64xf32>
    %get3A_8 = arith.constant 0 : index
    %get3A_9 = arith.constant 0 : index
    %get3A_10 = vector.load %arg3[%get3A_8, %get3A_9] : memref<64x32xf32, #tpu.memory_space<vmem>>, vector<64x32xf32>
    %dot_general3A_11 = arith.constant dense<0.000000e+00> : vector<128x64xf32>
    %dot_general3A_12 = tpu.matmul %slice3A_3, %get3A_10, %dot_general3A_11 {dimension_numbers = #tpu.dot_dimension_numbers<[1], [1], [0], [0], [0, 0, 1, 0], [], []>, transpose_lhs_hint = false} : vector<128x32xf32>, vector<64x32xf32>, vector<128x64xf32> -> vector<128x64xf32>
    %reduce_max3A = arith.constant dense<0xFF800000> : vector<128xf32>
    %reduce_max3A_13 = vector.multi_reduction <maximumf>, %dot_general3A_7, %reduce_max3A [1] : vector<128x64xf32> to vector<128xf32>
    %broadcast_in_dim3A = vector.shape_cast %reduce_max3A_13 : vector<128xf32> to vector<128x1xf32>
    %sub3A = vector.broadcast %broadcast_in_dim3A : vector<128x1xf32> to vector<128x64xf32>
    %sub3A_14 = arith.subf %dot_general3A_7, %sub3A : vector<128x64xf32>
    %exp3A = math.exp %sub3A_14 : vector<128x64xf32>
    %reduce_sum3A = arith.constant dense<0.000000e+00> : vector<128xf32>
    %reduce_sum3A_15 = vector.multi_reduction <add>, %exp3A, %reduce_sum3A [1] : vector<128x64xf32> to vector<128xf32>
    %broadcast_in_dim3A_16 = vector.shape_cast %reduce_sum3A_15 : vector<128xf32> to vector<128x1xf32>
    %div3A = vector.broadcast %broadcast_in_dim3A_16 : vector<128x1xf32> to vector<128x64xf32>
    %div3A_17 = arith.divf %exp3A, %div3A : vector<128x64xf32>
    %reduce_max3A_18 = arith.constant dense<0xFF800000> : vector<128xf32>
    %reduce_max3A_19 = vector.multi_reduction <maximumf>, %dot_general3A_12, %reduce_max3A_18 [1] : vector<128x64xf32> to vector<128xf32>
    %broadcast_in_dim3A_20 = vector.shape_cast %reduce_max3A_19 : vector<128xf32> to vector<128x1xf32>
    %sub3A_21 = vector.broadcast %broadcast_in_dim3A_20 : vector<128x1xf32> to vector<128x64xf32>
    %sub3A_22 = arith.subf %dot_general3A_12, %sub3A_21 : vector<128x64xf32>
    %exp3A_23 = math.exp %sub3A_22 : vector<128x64xf32>
    %reduce_sum3A_24 = arith.constant dense<0.000000e+00> : vector<128xf32>
    %reduce_sum3A_25 = vector.multi_reduction <add>, %exp3A_23, %reduce_sum3A_24 [1] : vector<128x64xf32> to vector<128xf32>
    %broadcast_in_dim3A_26 = vector.shape_cast %reduce_sum3A_25 : vector<128xf32> to vector<128x1xf32>
    %div3A_27 = vector.broadcast %broadcast_in_dim3A_26 : vector<128x1xf32> to vector<128x64xf32>
    %div3A_28 = arith.divf %exp3A_23, %div3A_27 : vector<128x64xf32>
    %get3A_29 = arith.constant 0 : index
    %get3A_30 = arith.constant 0 : index
    %get3A_31 = vector.load %arg6[%get3A_29, %get3A_30] : memref<64x64xf32, #tpu.memory_space<vmem>>, vector<64x64xf32>
    %dot_general3A_32 = arith.constant dense<0.000000e+00> : vector<128x64xf32>
    %dot_general3A_33 = tpu.matmul %div3A_28, %get3A_31, %dot_general3A_32 {dimension_numbers = #tpu.dot_dimension_numbers<[1], [1], [0], [0], [0, 0, 1, 0], [], []>, transpose_lhs_hint = false} : vector<128x64xf32>, vector<64x64xf32>, vector<128x64xf32> -> vector<128x64xf32>
    %mul3A = arith.mulf %dot_general3A_33, %div3A_17 : vector<128x64xf32>
    %gt3A = arith.constant 0.000000e+00 : f32
    %gt3A_34 = vector.broadcast %gt3A : f32 to vector<128x64xf32>
    %gt3A_35 = arith.cmpf ogt, %mul3A, %gt3A_34 : vector<128x64xf32>
    %max3A = arith.constant 1.000000e-30 : f32
    %max3A_36 = vector.broadcast %max3A : f32 to vector<128x64xf32>
    %max3A_37 = arith.maximumf %mul3A, %max3A_36 : vector<128x64xf32>
    %log3A = math.log %max3A_37 : vector<128x64xf32>
    %jit3A = arith.constant -1.000000e+30 : f32
    %broadcast_in_dim3A_38 = vector.broadcast %jit3A : f32 to vector<128x64xf32>
    %select_n3A = arith.select %gt3A_35, %log3A, %broadcast_in_dim3A_38 : vector<128x64xi1>, vector<128x64xf32>
    %transpose3A = tpu.transpose %select_n3A, [1, 0] : vector<128x64xf32> -> vector<64x128xf32>
    %transpose3A_39 = tpu.transpose %div3A_28, [1, 0] : vector<128x64xf32> -> vector<64x128xf32>
    %concatenate3A = tpu.concatenate %dot_general3A_7, %dot_general3A_12 in 1 : vector<128x64xf32>, vector<128x64xf32> -> vector<128x128xf32>
    %swap3A = arith.constant 0 : index
    %swap3A_40 = arith.constant 0 : index
    %swap3A_41 = vector.load %arg9[%swap3A, %swap3A_40] : memref<128x128xf32, #tpu.memory_space<vmem>>, vector<128x128xf32>
    tpu.vector_store %arg9[%swap3A, %swap3A_40], %concatenate3A {strides = array<i32>} : memref<128x128xf32, #tpu.memory_space<vmem>>, vector<128x128xf32>,
    %iota3A = tpu.iota {dimensions = array<i32: 1>} : vector<128x8192xi32>
    %shift_right_logical3A = arith.constant 6 : i32
    %shift_right_logical3A_42 = vector.broadcast %shift_right_logical3A : i32 to vector<128x8192xi32>
    %shift_right_logical3A_43 = arith.shrui %iota3A, %shift_right_logical3A_42 : vector<128x8192xi32>
    %iota3A_44 = tpu.iota {dimensions = array<i32: 0>} : vector<128x8192xi32>
    %eq3A = arith.cmpi eq, %shift_right_logical3A_43, %iota3A_44 : vector<128x8192xi32>
    %jit3A_45 = arith.constant 1.000000e+00 : f32
    %jit3A_46 = arith.constant 0.000000e+00 : f32
    %broadcast_in_dim3A_47 = vector.broadcast %jit3A_45 : f32 to vector<128x8192xf32>
    %broadcast_in_dim3A_48 = vector.broadcast %jit3A_46 : f32 to vector<128x8192xf32>
    %select_n3A_49 = arith.select %eq3A, %broadcast_in_dim3A_47, %broadcast_in_dim3A_48 : vector<128x8192xi1>, vector<128x8192xf32>
    %dot_general3A_50 = arith.constant dense<0.000000e+00> : vector<64x8192xf32>
    %dot_general3A_51 = tpu.matmul %transpose3A, %select_n3A_49, %dot_general3A_50 {dimension_numbers = #tpu.dot_dimension_numbers<[1], [0], [0], [1], [0, 0, 1, 1], [], []>, precision = #tpu.contract_precision<fp32>, transpose_lhs_hint = false} : vector<64x128xf32>, vector<128x8192xf32>, vector<64x8192xf32> -> vector<64x8192xf32>
    %dot_general3A_52 = arith.constant dense<0.000000e+00> : vector<64x8192xf32>
    %dot_general3A_53 = tpu.matmul %transpose3A_39, %select_n3A_49, %dot_general3A_52 {dimension_numbers = #tpu.dot_dimension_numbers<[1], [0], [0], [1], [0, 0, 1, 1], [], []>, precision = #tpu.contract_precision<fp32>, transpose_lhs_hint = false} : vector<64x128xf32>, vector<128x8192xf32>, vector<64x8192xf32> -> vector<64x8192xf32>
    %iota3A_54 = tpu.iota {dimensions = array<i32: 1>} : vector<1x8192xi32>
    %iota3A_55 = tpu.iota {dimensions = array<i32: 0>} : vector<64x1xi32>
    %iota3A_56 = tpu.iota {dimensions = array<i32: 0>} : vector<64x8192xi32>
    %mul3A_57 = arith.constant 524288 : i32
    %mul3A_58 = arith.muli %add3A_0, %mul3A_57 : i32
    %add3A_59 = vector.broadcast %mul3A_58 : i32 to vector<64x1xi32>
    %add3A_60 = arith.addi %iota3A_55, %add3A_59 : vector<64x1xi32>
    %shift_left3A = arith.constant 6 : i32
    %shift_left3A_61 = vector.broadcast %shift_left3A : i32 to vector<1x8192xi32>
    %shift_left3A_62 = arith.shli %iota3A_54, %shift_left3A_61 : vector<1x8192xi32>
    %add3A_63 = vector.broadcast %add3A_60 : vector<64x1xi32> to vector<64x8192xi32>
    %add3A_64 = vector.broadcast %shift_left3A_62 : vector<1x8192xi32> to vector<64x8192xi32>
    %add3A_65 = arith.addi %add3A_63, %add3A_64 : vector<64x8192xi32>
    %add3A_66 = arith.constant 270669613 : i32
    %add3A_67 = vector.broadcast %add3A_66 : i32 to vector<64x8192xi32>
    %add3A_68 = arith.addi %add3A_65, %add3A_67 : vector<64x8192xi32>
    %add3A_69 = arith.constant 1832780943 : i32
    %add3A_70 = vector.broadcast %add3A_69 : i32 to vector<64x8192xi32>
    %add3A_71 = arith.addi %add3A_68, %add3A_70 : vector<64x8192xi32>
    %shift_left3A_72 = arith.constant 13 : i32
    %shift_left3A_73 = vector.broadcast %shift_left3A_72 : i32 to vector<64x8192xi32>
    %shift_left3A_74 = arith.shli %add3A_68, %shift_left3A_73 : vector<64x8192xi32>
    %shift_right_logical3A_75 = arith.constant 19 : i32
    %shift_right_logical3A_76 = vector.broadcast %shift_right_logical3A_75 : i32 to vector<64x8192xi32>
    %shift_right_logical3A_77 = arith.shrui %add3A_68, %shift_right_logical3A_76 : vector<64x8192xi32>
    %or3A = arith.ori %shift_left3A_74, %shift_right_logical3A_77 : vector<64x8192xi32>
    %xor3A = arith.xori %or3A, %add3A_71 : vector<64x8192xi32>
    %add3A_78 = arith.addi %add3A_71, %xor3A : vector<64x8192xi32>
    %shift_left3A_79 = arith.constant 15 : i32
    %shift_left3A_80 = vector.broadcast %shift_left3A_79 : i32 to vector<64x8192xi32>
    %shift_left3A_81 = arith.shli %xor3A, %shift_left3A_80 : vector<64x8192xi32>
    %shift_right_logical3A_82 = arith.constant 17 : i32
    %shift_right_logical3A_83 = vector.broadcast %shift_right_logical3A_82 : i32 to vector<64x8192xi32>
    %shift_right_logical3A_84 = arith.shrui %xor3A, %shift_right_logical3A_83 : vector<64x8192xi32>
    %or3A_85 = arith.ori %shift_left3A_81, %shift_right_logical3A_84 : vector<64x8192xi32>
    %xor3A_86 = arith.xori %or3A_85, %add3A_78 : vector<64x8192xi32>
    %add3A_87 = arith.addi %add3A_78, %xor3A_86 : vector<64x8192xi32>
    %shift_left3A_88 = arith.constant 26 : i32
    %shift_left3A_89 = vector.broadcast %shift_left3A_88 : i32 to vector<64x8192xi32>
    %shift_left3A_90 = arith.shli %xor3A_86, %shift_left3A_89 : vector<64x8192xi32>
    %shift_right_logical3A_91 = arith.constant 6 : i32
    %shift_right_logical3A_92 = vector.broadcast %shift_right_logical3A_91 : i32 to vector<64x8192xi32>
    %shift_right_logical3A_93 = arith.shrui %xor3A_86, %shift_right_logical3A_92 : vector<64x8192xi32>
    %or3A_94 = arith.ori %shift_left3A_90, %shift_right_logical3A_93 : vector<64x8192xi32>
    %xor3A_95 = arith.xori %or3A_94, %add3A_87 : vector<64x8192xi32>
    %add3A_96 = arith.addi %add3A_87, %xor3A_95 : vector<64x8192xi32>
    %shift_left3A_97 = arith.constant 6 : i32
    %shift_left3A_98 = vector.broadcast %shift_left3A_97 : i32 to vector<64x8192xi32>
    %shift_left3A_99 = arith.shli %xor3A_95, %shift_left3A_98 : vector<64x8192xi32>
    %shift_right_logical3A_100 = arith.constant 26 : i32
    %shift_right_logical3A_101 = vector.broadcast %shift_right_logical3A_100 : i32 to vector<64x8192xi32>
    %shift_right_logical3A_102 = arith.shrui %xor3A_95, %shift_right_logical3A_101 : vector<64x8192xi32>
    %or3A_103 = arith.ori %shift_left3A_99, %shift_right_logical3A_102 : vector<64x8192xi32>
    %xor3A_104 = arith.xori %or3A_103, %add3A_96 : vector<64x8192xi32>
    %add3A_105 = arith.constant 270669613 : i32
    %add3A_106 = vector.broadcast %add3A_105 : i32 to vector<64x8192xi32>
    %add3A_107 = arith.addi %add3A_96, %add3A_106 : vector<64x8192xi32>
    %add3A_108 = arith.constant 1724713080 : i32
    %add3A_109 = vector.broadcast %add3A_108 : i32 to vector<64x8192xi32>
    %add3A_110 = arith.addi %xor3A_104, %add3A_109 : vector<64x8192xi32>
    %add3A_111 = arith.constant 1 : i32
    %add3A_112 = vector.broadcast %add3A_111 : i32 to vector<64x8192xi32>
    %add3A_113 = arith.addi %add3A_110, %add3A_112 : vector<64x8192xi32>
    %add3A_114 = arith.addi %add3A_107, %add3A_113 : vector<64x8192xi32>
    %shift_left3A_115 = arith.constant 17 : i32
    %shift_left3A_116 = vector.broadcast %shift_left3A_115 : i32 to vector<64x8192xi32>
    %shift_left3A_117 = arith.shli %add3A_113, %shift_left3A_116 : vector<64x8192xi32>
    %shift_right_logical3A_118 = arith.constant 15 : i32
    %shift_right_logical3A_119 = vector.broadcast %shift_right_logical3A_118 : i32 to vector<64x8192xi32>
    %shift_right_logical3A_120 = arith.shrui %add3A_113, %shift_right_logical3A_119 : vector<64x8192xi32>
    %or3A_121 = arith.ori %shift_left3A_117, %shift_right_logical3A_120 : vector<64x8192xi32>
    %xor3A_122 = arith.xori %or3A_121, %add3A_114 : vector<64x8192xi32>
    %add3A_123 = arith.addi %add3A_114, %xor3A_122 : vector<64x8192xi32>
    %shift_left3A_124 = arith.constant 29 : i32
    %shift_left3A_125 = vector.broadcast %shift_left3A_124 : i32 to vector<64x8192xi32>
    %shift_left3A_126 = arith.shli %xor3A_122, %shift_left3A_125 : vector<64x8192xi32>
    %shift_right_logical3A_127 = arith.constant 3 : i32
    %shift_right_logical3A_128 = vector.broadcast %shift_right_logical3A_127 : i32 to vector<64x8192xi32>
    %shift_right_logical3A_129 = arith.shrui %xor3A_122, %shift_right_logical3A_128 : vector<64x8192xi32>
    %or3A_130 = arith.ori %shift_left3A_126, %shift_right_logical3A_129 : vector<64x8192xi32>
    %xor3A_131 = arith.xori %or3A_130, %add3A_123 : vector<64x8192xi32>
    %add3A_132 = arith.addi %add3A_123, %xor3A_131 : vector<64x8192xi32>
    %shift_left3A_133 = arith.constant 16 : i32
    %shift_left3A_134 = vector.broadcast %shift_left3A_133 : i32 to vector<64x8192xi32>
    %shift_left3A_135 = arith.shli %xor3A_131, %shift_left3A_134 : vector<64x8192xi32>
    %shift_right_logical3A_136 = arith.constant 16 : i32
    %shift_right_logical3A_137 = vector.broadcast %shift_right_logical3A_136 : i32 to vector<64x8192xi32>
    %shift_right_logical3A_138 = arith.shrui %xor3A_131, %shift_right_logical3A_137 : vector<64x8192xi32>
    %or3A_139 = arith.ori %shift_left3A_135, %shift_right_logical3A_138 : vector<64x8192xi32>
    %xor3A_140 = arith.xori %or3A_139, %add3A_132 : vector<64x8192xi32>
    %add3A_141 = arith.addi %add3A_132, %xor3A_140 : vector<64x8192xi32>
    %shift_left3A_142 = arith.constant 24 : i32
    %shift_left3A_143 = vector.broadcast %shift_left3A_142 : i32 to vector<64x8192xi32>
    %shift_left3A_144 = arith.shli %xor3A_140, %shift_left3A_143 : vector<64x8192xi32>
    %shift_right_logical3A_145 = arith.constant 8 : i32
    %shift_right_logical3A_146 = vector.broadcast %shift_right_logical3A_145 : i32 to vector<64x8192xi32>
    %shift_right_logical3A_147 = arith.shrui %xor3A_140, %shift_right_logical3A_146 : vector<64x8192xi32>
    %or3A_148 = arith.ori %shift_left3A_144, %shift_right_logical3A_147 : vector<64x8192xi32>
    %xor3A_149 = arith.xori %or3A_148, %add3A_141 : vector<64x8192xi32>
    %add3A_150 = arith.constant 1724713080 : i32
    %add3A_151 = vector.broadcast %add3A_150 : i32 to vector<64x8192xi32>
    %add3A_152 = arith.addi %add3A_141, %add3A_151 : vector<64x8192xi32>
    %add3A_153 = arith.constant 1832780943 : i32
    %add3A_154 = vector.broadcast %add3A_153 : i32 to vector<64x8192xi32>
    %add3A_155 = arith.addi %xor3A_149, %add3A_154 : vector<64x8192xi32>
    %add3A_156 = arith.constant 2 : i32
    %add3A_157 = vector.broadcast %add3A_156 : i32 to vector<64x8192xi32>
    %add3A_158 = arith.addi %add3A_155, %add3A_157 : vector<64x8192xi32>
    %add3A_159 = arith.addi %add3A_152, %add3A_158 : vector<64x8192xi32>
    %shift_left3A_160 = arith.constant 13 : i32
    %shift_left3A_161 = vector.broadcast %shift_left3A_160 : i32 to vector<64x8192xi32>
    %shift_left3A_162 = arith.shli %add3A_158, %shift_left3A_161 : vector<64x8192xi32>
    %shift_right_logical3A_163 = arith.constant 19 : i32
    %shift_right_logical3A_164 = vector.broadcast %shift_right_logical3A_163 : i32 to vector<64x8192xi32>
    %shift_right_logical3A_165 = arith.shrui %add3A_158, %shift_right_logical3A_164 : vector<64x8192xi32>
    %or3A_166 = arith.ori %shift_left3A_162, %shift_right_logical3A_165 : vector<64x8192xi32>
    %xor3A_167 = arith.xori %or3A_166, %add3A_159 : vector<64x8192xi32>
    %add3A_168 = arith.addi %add3A_159, %xor3A_167 : vector<64x8192xi32>
    %shift_left3A_169 = arith.constant 15 : i32
    %shift_left3A_170 = vector.broadcast %shift_left3A_169 : i32 to vector<64x8192xi32>
    %shift_left3A_171 = arith.shli %xor3A_167, %shift_left3A_170 : vector<64x8192xi32>
    %shift_right_logical3A_172 = arith.constant 17 : i32
    %shift_right_logical3A_173 = vector.broadcast %shift_right_logical3A_172 : i32 to vector<64x8192xi32>
    %shift_right_logical3A_174 = arith.shrui %xor3A_167, %shift_right_logical3A_173 : vector<64x8192xi32>
    %or3A_175 = arith.ori %shift_left3A_171, %shift_right_logical3A_174 : vector<64x8192xi32>
    %xor3A_176 = arith.xori %or3A_175, %add3A_168 : vector<64x8192xi32>
    %add3A_177 = arith.addi %add3A_168, %xor3A_176 : vector<64x8192xi32>
    %shift_left3A_178 = arith.constant 26 : i32
    %shift_left3A_179 = vector.broadcast %shift_left3A_178 : i32 to vector<64x8192xi32>
    %shift_left3A_180 = arith.shli %xor3A_176, %shift_left3A_179 : vector<64x8192xi32>
    %shift_right_logical3A_181 = arith.constant 6 : i32
    %shift_right_logical3A_182 = vector.broadcast %shift_right_logical3A_181 : i32 to vector<64x8192xi32>
    %shift_right_logical3A_183 = arith.shrui %xor3A_176, %shift_right_logical3A_182 : vector<64x8192xi32>
    %or3A_184 = arith.ori %shift_left3A_180, %shift_right_logical3A_183 : vector<64x8192xi32>
    %xor3A_185 = arith.xori %or3A_184, %add3A_177 : vector<64x8192xi32>
    %add3A_186 = arith.addi %add3A_177, %xor3A_185 : vector<64x8192xi32>
    %shift_left3A_187 = arith.constant 6 : i32
    %shift_left3A_188 = vector.broadcast %shift_left3A_187 : i32 to vector<64x8192xi32>
    %shift_left3A_189 = arith.shli %xor3A_185, %shift_left3A_188 : vector<64x8192xi32>
    %shift_right_logical3A_190 = arith.constant 26 : i32
    %shift_right_logical3A_191 = vector.broadcast %shift_right_logical3A_190 : i32 to vector<64x8192xi32>
    %shift_right_logical3A_192 = arith.shrui %xor3A_185, %shift_right_logical3A_191 : vector<64x8192xi32>
    %or3A_193 = arith.ori %shift_left3A_189, %shift_right_logical3A_192 : vector<64x8192xi32>
    %xor3A_194 = arith.xori %or3A_193, %add3A_186 : vector<64x8192xi32>
    %add3A_195 = arith.constant 1832780943 : i32
    %add3A_196 = vector.broadcast %add3A_195 : i32 to vector<64x8192xi32>
    %add3A_197 = arith.addi %add3A_186, %add3A_196 : vector<64x8192xi32>
    %add3A_198 = arith.constant 270669613 : i32
    %add3A_199 = vector.broadcast %add3A_198 : i32 to vector<64x8192xi32>
    %add3A_200 = arith.addi %xor3A_194, %add3A_199 : vector<64x8192xi32>
    %add3A_201 = arith.constant 3 : i32
    %add3A_202 = vector.broadcast %add3A_201 : i32 to vector<64x8192xi32>
    %add3A_203 = arith.addi %add3A_200, %add3A_202 : vector<64x8192xi32>
    %add3A_204 = arith.addi %add3A_197, %add3A_203 : vector<64x8192xi32>
    %shift_left3A_205 = arith.constant 17 : i32
    %shift_left3A_206 = vector.broadcast %shift_left3A_205 : i32 to vector<64x8192xi32>
    %shift_left3A_207 = arith.shli %add3A_203, %shift_left3A_206 : vector<64x8192xi32>
    %shift_right_logical3A_208 = arith.constant 15 : i32
    %shift_right_logical3A_209 = vector.broadcast %shift_right_logical3A_208 : i32 to vector<64x8192xi32>
    %shift_right_logical3A_210 = arith.shrui %add3A_203, %shift_right_logical3A_209 : vector<64x8192xi32>
    %or3A_211 = arith.ori %shift_left3A_207, %shift_right_logical3A_210 : vector<64x8192xi32>
    %xor3A_212 = arith.xori %or3A_211, %add3A_204 : vector<64x8192xi32>
    %add3A_213 = arith.addi %add3A_204, %xor3A_212 : vector<64x8192xi32>
    %shift_left3A_214 = arith.constant 29 : i32
    %shift_left3A_215 = vector.broadcast %shift_left3A_214 : i32 to vector<64x8192xi32>
    %shift_left3A_216 = arith.shli %xor3A_212, %shift_left3A_215 : vector<64x8192xi32>
    %shift_right_logical3A_217 = arith.constant 3 : i32
    %shift_right_logical3A_218 = vector.broadcast %shift_right_logical3A_217 : i32 to vector<64x8192xi32>
    %shift_right_logical3A_219 = arith.shrui %xor3A_212, %shift_right_logical3A_218 : vector<64x8192xi32>
    %or3A_220 = arith.ori %shift_left3A_216, %shift_right_logical3A_219 : vector<64x8192xi32>
    %xor3A_221 = arith.xori %or3A_220, %add3A_213 : vector<64x8192xi32>
    %add3A_222 = arith.addi %add3A_213, %xor3A_221 : vector<64x8192xi32>
    %shift_left3A_223 = arith.constant 16 : i32
    %shift_left3A_224 = vector.broadcast %shift_left3A_223 : i32 to vector<64x8192xi32>
    %shift_left3A_225 = arith.shli %xor3A_221, %shift_left3A_224 : vector<64x8192xi32>
    %shift_right_logical3A_226 = arith.constant 16 : i32
    %shift_right_logical3A_227 = vector.broadcast %shift_right_logical3A_226 : i32 to vector<64x8192xi32>
    %shift_right_logical3A_228 = arith.shrui %xor3A_221, %shift_right_logical3A_227 : vector<64x8192xi32>
    %or3A_229 = arith.ori %shift_left3A_225, %shift_right_logical3A_228 : vector<64x8192xi32>
    %xor3A_230 = arith.xori %or3A_229, %add3A_222 : vector<64x8192xi32>
    %add3A_231 = arith.addi %add3A_222, %xor3A_230 : vector<64x8192xi32>
    %shift_left3A_232 = arith.constant 24 : i32
    %shift_left3A_233 = vector.broadcast %shift_left3A_232 : i32 to vector<64x8192xi32>
    %shift_left3A_234 = arith.shli %xor3A_230, %shift_left3A_233 : vector<64x8192xi32>
    %shift_right_logical3A_235 = arith.constant 8 : i32
    %shift_right_logical3A_236 = vector.broadcast %shift_right_logical3A_235 : i32 to vector<64x8192xi32>
    %shift_right_logical3A_237 = arith.shrui %xor3A_230, %shift_right_logical3A_236 : vector<64x8192xi32>
    %or3A_238 = arith.ori %shift_left3A_234, %shift_right_logical3A_237 : vector<64x8192xi32>
    %xor3A_239 = arith.xori %or3A_238, %add3A_231 : vector<64x8192xi32>
    %add3A_240 = arith.constant 270669613 : i32
    %add3A_241 = vector.broadcast %add3A_240 : i32 to vector<64x8192xi32>
    %add3A_242 = arith.addi %add3A_231, %add3A_241 : vector<64x8192xi32>
    %add3A_243 = arith.constant 1724713080 : i32
    %add3A_244 = vector.broadcast %add3A_243 : i32 to vector<64x8192xi32>
    %add3A_245 = arith.addi %xor3A_239, %add3A_244 : vector<64x8192xi32>
    %add3A_246 = arith.constant 4 : i32
    %add3A_247 = vector.broadcast %add3A_246 : i32 to vector<64x8192xi32>
    %add3A_248 = arith.addi %add3A_245, %add3A_247 : vector<64x8192xi32>
    %add3A_249 = arith.addi %add3A_242, %add3A_248 : vector<64x8192xi32>
    %shift_left3A_250 = arith.constant 13 : i32
    %shift_left3A_251 = vector.broadcast %shift_left3A_250 : i32 to vector<64x8192xi32>
    %shift_left3A_252 = arith.shli %add3A_248, %shift_left3A_251 : vector<64x8192xi32>
    %shift_right_logical3A_253 = arith.constant 19 : i32
    %shift_right_logical3A_254 = vector.broadcast %shift_right_logical3A_253 : i32 to vector<64x8192xi32>
    %shift_right_logical3A_255 = arith.shrui %add3A_248, %shift_right_logical3A_254 : vector<64x8192xi32>
    %or3A_256 = arith.ori %shift_left3A_252, %shift_right_logical3A_255 : vector<64x8192xi32>
    %xor3A_257 = arith.xori %or3A_256, %add3A_249 : vector<64x8192xi32>
    %add3A_258 = arith.addi %add3A_249, %xor3A_257 : vector<64x8192xi32>
    %shift_left3A_259 = arith.constant 15 : i32
    %shift_left3A_260 = vector.broadcast %shift_left3A_259 : i32 to vector<64x8192xi32>
    %shift_left3A_261 = arith.shli %xor3A_257, %shift_left3A_260 : vector<64x8192xi32>
    %shift_right_logical3A_262 = arith.constant 17 : i32
    %shift_right_logical3A_263 = vector.broadcast %shift_right_logical3A_262 : i32 to vector<64x8192xi32>
    %shift_right_logical3A_264 = arith.shrui %xor3A_257, %shift_right_logical3A_263 : vector<64x8192xi32>
    %or3A_265 = arith.ori %shift_left3A_261, %shift_right_logical3A_264 : vector<64x8192xi32>
    %xor3A_266 = arith.xori %or3A_265, %add3A_258 : vector<64x8192xi32>
    %add3A_267 = arith.addi %add3A_258, %xor3A_266 : vector<64x8192xi32>
    %shift_left3A_268 = arith.constant 26 : i32
    %shift_left3A_269 = vector.broadcast %shift_left3A_268 : i32 to vector<64x8192xi32>
    %shift_left3A_270 = arith.shli %xor3A_266, %shift_left3A_269 : vector<64x8192xi32>
    %shift_right_logical3A_271 = arith.constant 6 : i32
    %shift_right_logical3A_272 = vector.broadcast %shift_right_logical3A_271 : i32 to vector<64x8192xi32>
    %shift_right_logical3A_273 = arith.shrui %xor3A_266, %shift_right_logical3A_272 : vector<64x8192xi32>
    %or3A_274 = arith.ori %shift_left3A_270, %shift_right_logical3A_273 : vector<64x8192xi32>
    %xor3A_275 = arith.xori %or3A_274, %add3A_267 : vector<64x8192xi32>
    %add3A_276 = arith.addi %add3A_267, %xor3A_275 : vector<64x8192xi32>
    %shift_left3A_277 = arith.constant 6 : i32
    %shift_left3A_278 = vector.broadcast %shift_left3A_277 : i32 to vector<64x8192xi32>
    %shift_left3A_279 = arith.shli %xor3A_275, %shift_left3A_278 : vector<64x8192xi32>
    %shift_right_logical3A_280 = arith.constant 26 : i32
    %shift_right_logical3A_281 = vector.broadcast %shift_right_logical3A_280 : i32 to vector<64x8192xi32>
    %shift_right_logical3A_282 = arith.shrui %xor3A_275, %shift_right_logical3A_281 : vector<64x8192xi32>
    %or3A_283 = arith.ori %shift_left3A_279, %shift_right_logical3A_282 : vector<64x8192xi32>
    %xor3A_284 = arith.xori %or3A_283, %add3A_276 : vector<64x8192xi32>
    %add3A_285 = arith.constant 1724713080 : i32
    %add3A_286 = vector.broadcast %add3A_285 : i32 to vector<64x8192xi32>
    %add3A_287 = arith.addi %add3A_276, %add3A_286 : vector<64x8192xi32>
    %add3A_288 = arith.constant 1832780943 : i32
    %add3A_289 = vector.broadcast %add3A_288 : i32 to vector<64x8192xi32>
    %add3A_290 = arith.addi %xor3A_284, %add3A_289 : vector<64x8192xi32>
    %add3A_291 = arith.constant 5 : i32
    %add3A_292 = vector.broadcast %add3A_291 : i32 to vector<64x8192xi32>
    %add3A_293 = arith.addi %add3A_290, %add3A_292 : vector<64x8192xi32>
    %xor3A_294 = arith.xori %add3A_287, %add3A_293 : vector<64x8192xi32>
    %shift_right_logical3A_295 = arith.constant 9 : i32
    %shift_right_logical3A_296 = vector.broadcast %shift_right_logical3A_295 : i32 to vector<64x8192xi32>
    %shift_right_logical3A_297 = arith.shrui %xor3A_294, %shift_right_logical3A_296 : vector<64x8192xi32>
    %or3A_298 = arith.constant 1065353216 : i32
    %or3A_299 = vector.broadcast %or3A_298 : i32 to vector<64x8192xi32>
    %or3A_300 = arith.ori %shift_right_logical3A_297, %or3A_299 : vector<64x8192xi32>
    %bitcast_convert_type3A = tpu.bitcast %or3A_300 : vector<64x8192xi32> -> vector<64x8192xf32>
    %sub3A_301 = arith.constant 1.000000e+00 : f32
    %sub3A_302 = vector.broadcast %sub3A_301 : f32 to vector<64x8192xf32>
    %sub3A_303 = arith.subf %bitcast_convert_type3A, %sub3A_302 : vector<64x8192xf32>
    %max3A_304 = arith.constant 1.17549435E-38 : f32
    %max3A_305 = vector.broadcast %max3A_304 : f32 to vector<64x8192xf32>
    %max3A_306 = arith.maximumf %sub3A_303, %max3A_305 : vector<64x8192xf32>
    %log3A_307 = math.log %max3A_306 : vector<64x8192xf32>
    %neg3A = arith.constant 0.000000e+00 : f32
    %neg3A_308 = vector.broadcast %neg3A : f32 to vector<64x8192xf32>
    %neg3A_309 = arith.subf %neg3A_308, %log3A_307 : vector<64x8192xf32>
    %log3A_310 = math.log %neg3A_309 : vector<64x8192xf32>
    %neg3A_311 = arith.constant 0.000000e+00 : f32
    %neg3A_312 = vector.broadcast %neg3A_311 : f32 to vector<64x8192xf32>
    %neg3A_313 = arith.subf %neg3A_312, %log3A_310 : vector<64x8192xf32>
    %add3A_314 = arith.addf %dot_general3A_51, %neg3A_313 : vector<64x8192xf32>
    %reduce_max3A_315 = arith.constant dense<0xFF800000> : vector<8192xf32>
    %reduce_max3A_316 = vector.multi_reduction <maximumf>, %add3A_314, %reduce_max3A_315 [0] : vector<64x8192xf32> to vector<8192xf32>
    %broadcast_in_dim3A_317 = vector.shape_cast %reduce_max3A_316 : vector<8192xf32> to vector<1x8192xf32>
    %eq3A_318 = vector.broadcast %broadcast_in_dim3A_317 : vector<1x8192xf32> to vector<64x8192xf32>
    %eq3A_319 = arith.cmpf oeq, %add3A_314, %eq3A_318 : vector<64x8192xf32>
    %jit3A_320 = arith.constant 64 : i32
    %broadcast_in_dim3A_321 = vector.broadcast %jit3A_320 : i32 to vector<64x8192xi32>
    %select_n3A_322 = arith.select %eq3A_319, %iota3A_56, %broadcast_in_dim3A_321 : vector<64x8192xi1>, vector<64x8192xi32>
    %reduce_min3A = arith.constant dense<2147483647> : vector<8192xi32>
    %reduce_min3A_323 = vector.multi_reduction <minsi>, %select_n3A_322, %reduce_min3A [0] : vector<64x8192xi32> to vector<8192xi32>
    %broadcast_in_dim3A_324 = vector.shape_cast %reduce_min3A_323 : vector<8192xi32> to vector<1x8192xi32>
    %eq3A_325 = vector.broadcast %broadcast_in_dim3A_324 : vector<1x8192xi32> to vector<64x8192xi32>
    %eq3A_326 = arith.cmpi eq, %iota3A_56, %eq3A_325 : vector<64x8192xi32>
    %jit3A_327 = arith.constant 1.000000e+00 : f32
    %jit3A_328 = arith.constant 0.000000e+00 : f32
    %broadcast_in_dim3A_329 = vector.broadcast %jit3A_327 : f32 to vector<64x8192xf32>
    %broadcast_in_dim3A_330 = vector.broadcast %jit3A_328 : f32 to vector<64x8192xf32>
    %select_n3A_331 = arith.select %eq3A_326, %broadcast_in_dim3A_329, %broadcast_in_dim3A_330 : vector<64x8192xi1>, vector<64x8192xf32>
    %dot_general3A_332 = arith.constant dense<0.000000e+00> : vector<64x8192xf32>
    %dot_general3A_333 = tpu.matmul %get3A_31, %select_n3A_331, %dot_general3A_332 {dimension_numbers = #tpu.dot_dimension_numbers<[0], [0], [1], [1], [0, 1, 1, 1], [], []>, precision = #tpu.contract_precision<fp32>, transpose_lhs_hint = false} : vector<64x64xf32>, vector<64x8192xf32>, vector<64x8192xf32> -> vector<64x8192xf32>
    %mul3A_334 = arith.mulf %dot_general3A_333, %dot_general3A_53 : vector<64x8192xf32>
    %add3A_335 = arith.constant -1378843660 : i32
    %add3A_336 = vector.broadcast %add3A_335 : i32 to vector<64x8192xi32>
    %add3A_337 = arith.addi %add3A_65, %add3A_336 : vector<64x8192xi32>
    %add3A_338 = arith.constant 64467757 : i32
    %add3A_339 = vector.broadcast %add3A_338 : i32 to vector<64x8192xi32>
    %add3A_340 = arith.addi %add3A_337, %add3A_339 : vector<64x8192xi32>
    %shift_left3A_341 = arith.constant 13 : i32
    %shift_left3A_342 = vector.broadcast %shift_left3A_341 : i32 to vector<64x8192xi32>
    %shift_left3A_343 = arith.shli %add3A_337, %shift_left3A_342 : vector<64x8192xi32>
    %shift_right_logical3A_344 = arith.constant 19 : i32
    %shift_right_logical3A_345 = vector.broadcast %shift_right_logical3A_344 : i32 to vector<64x8192xi32>
    %shift_right_logical3A_346 = arith.shrui %add3A_337, %shift_right_logical3A_345 : vector<64x8192xi32>
    %or3A_347 = arith.ori %shift_left3A_343, %shift_right_logical3A_346 : vector<64x8192xi32>
    %xor3A_348 = arith.xori %or3A_347, %add3A_340 : vector<64x8192xi32>
    %add3A_349 = arith.addi %add3A_340, %xor3A_348 : vector<64x8192xi32>
    %shift_left3A_350 = arith.constant 15 : i32
    %shift_left3A_351 = vector.broadcast %shift_left3A_350 : i32 to vector<64x8192xi32>
    %shift_left3A_352 = arith.shli %xor3A_348, %shift_left3A_351 : vector<64x8192xi32>
    %shift_right_logical3A_353 = arith.constant 17 : i32
    %shift_right_logical3A_354 = vector.broadcast %shift_right_logical3A_353 : i32 to vector<64x8192xi32>
    %shift_right_logical3A_355 = arith.shrui %xor3A_348, %shift_right_logical3A_354 : vector<64x8192xi32>
    %or3A_356 = arith.ori %shift_left3A_352, %shift_right_logical3A_355 : vector<64x8192xi32>
    %xor3A_357 = arith.xori %or3A_356, %add3A_349 : vector<64x8192xi32>
    %add3A_358 = arith.addi %add3A_349, %xor3A_357 : vector<64x8192xi32>
    %shift_left3A_359 = arith.constant 26 : i32
    %shift_left3A_360 = vector.broadcast %shift_left3A_359 : i32 to vector<64x8192xi32>
    %shift_left3A_361 = arith.shli %xor3A_357, %shift_left3A_360 : vector<64x8192xi32>
    %shift_right_logical3A_362 = arith.constant 6 : i32
    %shift_right_logical3A_363 = vector.broadcast %shift_right_logical3A_362 : i32 to vector<64x8192xi32>
    %shift_right_logical3A_364 = arith.shrui %xor3A_357, %shift_right_logical3A_363 : vector<64x8192xi32>
    %or3A_365 = arith.ori %shift_left3A_361, %shift_right_logical3A_364 : vector<64x8192xi32>
    %xor3A_366 = arith.xori %or3A_365, %add3A_358 : vector<64x8192xi32>
    %add3A_367 = arith.addi %add3A_358, %xor3A_366 : vector<64x8192xi32>
    %shift_left3A_368 = arith.constant 6 : i32
    %shift_left3A_369 = vector.broadcast %shift_left3A_368 : i32 to vector<64x8192xi32>
    %shift_left3A_370 = arith.shli %xor3A_366, %shift_left3A_369 : vector<64x8192xi32>
    %shift_right_logical3A_371 = arith.constant 26 : i32
    %shift_right_logical3A_372 = vector.broadcast %shift_right_logical3A_371 : i32 to vector<64x8192xi32>
    %shift_right_logical3A_373 = arith.shrui %xor3A_366, %shift_right_logical3A_372 : vector<64x8192xi32>
    %or3A_374 = arith.ori %shift_left3A_370, %shift_right_logical3A_373 : vector<64x8192xi32>
    %xor3A_375 = arith.xori %or3A_374, %add3A_367 : vector<64x8192xi32>
    %add3A_376 = arith.constant -1378843660 : i32
    %add3A_377 = vector.broadcast %add3A_376 : i32 to vector<64x8192xi32>
    %add3A_378 = arith.addi %add3A_367, %add3A_377 : vector<64x8192xi32>
    %add3A_379 = arith.constant -1244255485 : i32
    %add3A_380 = vector.broadcast %add3A_379 : i32 to vector<64x8192xi32>
    %add3A_381 = arith.addi %xor3A_375, %add3A_380 : vector<64x8192xi32>
    %add3A_382 = arith.constant 1 : i32
    %add3A_383 = vector.broadcast %add3A_382 : i32 to vector<64x8192xi32>
    %add3A_384 = arith.addi %add3A_381, %add3A_383 : vector<64x8192xi32>
    %add3A_385 = arith.addi %add3A_378, %add3A_384 : vector<64x8192xi32>
    %shift_left3A_386 = arith.constant 17 : i32
    %shift_left3A_387 = vector.broadcast %shift_left3A_386 : i32 to vector<64x8192xi32>
    %shift_left3A_388 = arith.shli %add3A_384, %shift_left3A_387 : vector<64x8192xi32>
    %shift_right_logical3A_389 = arith.constant 15 : i32
    %shift_right_logical3A_390 = vector.broadcast %shift_right_logical3A_389 : i32 to vector<64x8192xi32>
    %shift_right_logical3A_391 = arith.shrui %add3A_384, %shift_right_logical3A_390 : vector<64x8192xi32>
    %or3A_392 = arith.ori %shift_left3A_388, %shift_right_logical3A_391 : vector<64x8192xi32>
    %xor3A_393 = arith.xori %or3A_392, %add3A_385 : vector<64x8192xi32>
    %add3A_394 = arith.addi %add3A_385, %xor3A_393 : vector<64x8192xi32>
    %shift_left3A_395 = arith.constant 29 : i32
    %shift_left3A_396 = vector.broadcast %shift_left3A_395 : i32 to vector<64x8192xi32>
    %shift_left3A_397 = arith.shli %xor3A_393, %shift_left3A_396 : vector<64x8192xi32>
    %shift_right_logical3A_398 = arith.constant 3 : i32
    %shift_right_logical3A_399 = vector.broadcast %shift_right_logical3A_398 : i32 to vector<64x8192xi32>
    %shift_right_logical3A_400 = arith.shrui %xor3A_393, %shift_right_logical3A_399 : vector<64x8192xi32>
    %or3A_401 = arith.ori %shift_left3A_397, %shift_right_logical3A_400 : vector<64x8192xi32>
    %xor3A_402 = arith.xori %or3A_401, %add3A_394 : vector<64x8192xi32>
    %add3A_403 = arith.addi %add3A_394, %xor3A_402 : vector<64x8192xi32>
    %shift_left3A_404 = arith.constant 16 : i32
    %shift_left3A_405 = vector.broadcast %shift_left3A_404 : i32 to vector<64x8192xi32>
    %shift_left3A_406 = arith.shli %xor3A_402, %shift_left3A_405 : vector<64x8192xi32>
    %shift_right_logical3A_407 = arith.constant 16 : i32
    %shift_right_logical3A_408 = vector.broadcast %shift_right_logical3A_407 : i32 to vector<64x8192xi32>
    %shift_right_logical3A_409 = arith.shrui %xor3A_402, %shift_right_logical3A_408 : vector<64x8192xi32>
    %or3A_410 = arith.ori %shift_left3A_406, %shift_right_logical3A_409 : vector<64x8192xi32>
    %xor3A_411 = arith.xori %or3A_410, %add3A_403 : vector<64x8192xi32>
    %add3A_412 = arith.addi %add3A_403, %xor3A_411 : vector<64x8192xi32>
    %shift_left3A_413 = arith.constant 24 : i32
    %shift_left3A_414 = vector.broadcast %shift_left3A_413 : i32 to vector<64x8192xi32>
    %shift_left3A_415 = arith.shli %xor3A_411, %shift_left3A_414 : vector<64x8192xi32>
    %shift_right_logical3A_416 = arith.constant 8 : i32
    %shift_right_logical3A_417 = vector.broadcast %shift_right_logical3A_416 : i32 to vector<64x8192xi32>
    %shift_right_logical3A_418 = arith.shrui %xor3A_411, %shift_right_logical3A_417 : vector<64x8192xi32>
    %or3A_419 = arith.ori %shift_left3A_415, %shift_right_logical3A_418 : vector<64x8192xi32>
    %xor3A_420 = arith.xori %or3A_419, %add3A_412 : vector<64x8192xi32>
    %add3A_421 = arith.constant -1244255485 : i32
    %add3A_422 = vector.broadcast %add3A_421 : i32 to vector<64x8192xi32>
    %add3A_423 = arith.addi %add3A_412, %add3A_422 : vector<64x8192xi32>
    %add3A_424 = arith.constant 64467757 : i32
    %add3A_425 = vector.broadcast %add3A_424 : i32 to vector<64x8192xi32>
    %add3A_426 = arith.addi %xor3A_420, %add3A_425 : vector<64x8192xi32>
    %add3A_427 = arith.constant 2 : i32
    %add3A_428 = vector.broadcast %add3A_427 : i32 to vector<64x8192xi32>
    %add3A_429 = arith.addi %add3A_426, %add3A_428 : vector<64x8192xi32>
    %add3A_430 = arith.addi %add3A_423, %add3A_429 : vector<64x8192xi32>
    %shift_left3A_431 = arith.constant 13 : i32
    %shift_left3A_432 = vector.broadcast %shift_left3A_431 : i32 to vector<64x8192xi32>
    %shift_left3A_433 = arith.shli %add3A_429, %shift_left3A_432 : vector<64x8192xi32>
    %shift_right_logical3A_434 = arith.constant 19 : i32
    %shift_right_logical3A_435 = vector.broadcast %shift_right_logical3A_434 : i32 to vector<64x8192xi32>
    %shift_right_logical3A_436 = arith.shrui %add3A_429, %shift_right_logical3A_435 : vector<64x8192xi32>
    %or3A_437 = arith.ori %shift_left3A_433, %shift_right_logical3A_436 : vector<64x8192xi32>
    %xor3A_438 = arith.xori %or3A_437, %add3A_430 : vector<64x8192xi32>
    %add3A_439 = arith.addi %add3A_430, %xor3A_438 : vector<64x8192xi32>
    %shift_left3A_440 = arith.constant 15 : i32
    %shift_left3A_441 = vector.broadcast %shift_left3A_440 : i32 to vector<64x8192xi32>
    %shift_left3A_442 = arith.shli %xor3A_438, %shift_left3A_441 : vector<64x8192xi32>
    %shift_right_logical3A_443 = arith.constant 17 : i32
    %shift_right_logical3A_444 = vector.broadcast %shift_right_logical3A_443 : i32 to vector<64x8192xi32>
    %shift_right_logical3A_445 = arith.shrui %xor3A_438, %shift_right_logical3A_444 : vector<64x8192xi32>
    %or3A_446 = arith.ori %shift_left3A_442, %shift_right_logical3A_445 : vector<64x8192xi32>
    %xor3A_447 = arith.xori %or3A_446, %add3A_439 : vector<64x8192xi32>
    %add3A_448 = arith.addi %add3A_439, %xor3A_447 : vector<64x8192xi32>
    %shift_left3A_449 = arith.constant 26 : i32
    %shift_left3A_450 = vector.broadcast %shift_left3A_449 : i32 to vector<64x8192xi32>
    %shift_left3A_451 = arith.shli %xor3A_447, %shift_left3A_450 : vector<64x8192xi32>
    %shift_right_logical3A_452 = arith.constant 6 : i32
    %shift_right_logical3A_453 = vector.broadcast %shift_right_logical3A_452 : i32 to vector<64x8192xi32>
    %shift_right_logical3A_454 = arith.shrui %xor3A_447, %shift_right_logical3A_453 : vector<64x8192xi32>
    %or3A_455 = arith.ori %shift_left3A_451, %shift_right_logical3A_454 : vector<64x8192xi32>
    %xor3A_456 = arith.xori %or3A_455, %add3A_448 : vector<64x8192xi32>
    %add3A_457 = arith.addi %add3A_448, %xor3A_456 : vector<64x8192xi32>
    %shift_left3A_458 = arith.constant 6 : i32
    %shift_left3A_459 = vector.broadcast %shift_left3A_458 : i32 to vector<64x8192xi32>
    %shift_left3A_460 = arith.shli %xor3A_456, %shift_left3A_459 : vector<64x8192xi32>
    %shift_right_logical3A_461 = arith.constant 26 : i32
    %shift_right_logical3A_462 = vector.broadcast %shift_right_logical3A_461 : i32 to vector<64x8192xi32>
    %shift_right_logical3A_463 = arith.shrui %xor3A_456, %shift_right_logical3A_462 : vector<64x8192xi32>
    %or3A_464 = arith.ori %shift_left3A_460, %shift_right_logical3A_463 : vector<64x8192xi32>
    %xor3A_465 = arith.xori %or3A_464, %add3A_457 : vector<64x8192xi32>
    %add3A_466 = arith.constant 64467757 : i32
    %add3A_467 = vector.broadcast %add3A_466 : i32 to vector<64x8192xi32>
    %add3A_468 = arith.addi %add3A_457, %add3A_467 : vector<64x8192xi32>
    %add3A_469 = arith.constant -1378843660 : i32
    %add3A_470 = vector.broadcast %add3A_469 : i32 to vector<64x8192xi32>
    %add3A_471 = arith.addi %xor3A_465, %add3A_470 : vector<64x8192xi32>
    %add3A_472 = arith.constant 3 : i32
    %add3A_473 = vector.broadcast %add3A_472 : i32 to vector<64x8192xi32>
    %add3A_474 = arith.addi %add3A_471, %add3A_473 : vector<64x8192xi32>
    %add3A_475 = arith.addi %add3A_468, %add3A_474 : vector<64x8192xi32>
    %shift_left3A_476 = arith.constant 17 : i32
    %shift_left3A_477 = vector.broadcast %shift_left3A_476 : i32 to vector<64x8192xi32>
    %shift_left3A_478 = arith.shli %add3A_474, %shift_left3A_477 : vector<64x8192xi32>
    %shift_right_logical3A_479 = arith.constant 15 : i32
    %shift_right_logical3A_480 = vector.broadcast %shift_right_logical3A_479 : i32 to vector<64x8192xi32>
    %shift_right_logical3A_481 = arith.shrui %add3A_474, %shift_right_logical3A_480 : vector<64x8192xi32>
    %or3A_482 = arith.ori %shift_left3A_478, %shift_right_logical3A_481 : vector<64x8192xi32>
    %xor3A_483 = arith.xori %or3A_482, %add3A_475 : vector<64x8192xi32>
    %add3A_484 = arith.addi %add3A_475, %xor3A_483 : vector<64x8192xi32>
    %shift_left3A_485 = arith.constant 29 : i32
    %shift_left3A_486 = vector.broadcast %shift_left3A_485 : i32 to vector<64x8192xi32>
    %shift_left3A_487 = arith.shli %xor3A_483, %shift_left3A_486 : vector<64x8192xi32>
    %shift_right_logical3A_488 = arith.constant 3 : i32
    %shift_right_logical3A_489 = vector.broadcast %shift_right_logical3A_488 : i32 to vector<64x8192xi32>
    %shift_right_logical3A_490 = arith.shrui %xor3A_483, %shift_right_logical3A_489 : vector<64x8192xi32>
    %or3A_491 = arith.ori %shift_left3A_487, %shift_right_logical3A_490 : vector<64x8192xi32>
    %xor3A_492 = arith.xori %or3A_491, %add3A_484 : vector<64x8192xi32>
    %add3A_493 = arith.addi %add3A_484, %xor3A_492 : vector<64x8192xi32>
    %shift_left3A_494 = arith.constant 16 : i32
    %shift_left3A_495 = vector.broadcast %shift_left3A_494 : i32 to vector<64x8192xi32>
    %shift_left3A_496 = arith.shli %xor3A_492, %shift_left3A_495 : vector<64x8192xi32>
    %shift_right_logical3A_497 = arith.constant 16 : i32
    %shift_right_logical3A_498 = vector.broadcast %shift_right_logical3A_497 : i32 to vector<64x8192xi32>
    %shift_right_logical3A_499 = arith.shrui %xor3A_492, %shift_right_logical3A_498 : vector<64x8192xi32>
    %or3A_500 = arith.ori %shift_left3A_496, %shift_right_logical3A_499 : vector<64x8192xi32>
    %xor3A_501 = arith.xori %or3A_500, %add3A_493 : vector<64x8192xi32>
    %add3A_502 = arith.addi %add3A_493, %xor3A_501 : vector<64x8192xi32>
    %shift_left3A_503 = arith.constant 24 : i32
    %shift_left3A_504 = vector.broadcast %shift_left3A_503 : i32 to vector<64x8192xi32>
    %shift_left3A_505 = arith.shli %xor3A_501, %shift_left3A_504 : vector<64x8192xi32>
    %shift_right_logical3A_506 = arith.constant 8 : i32
    %shift_right_logical3A_507 = vector.broadcast %shift_right_logical3A_506 : i32 to vector<64x8192xi32>
    %shift_right_logical3A_508 = arith.shrui %xor3A_501, %shift_right_logical3A_507 : vector<64x8192xi32>
    %or3A_509 = arith.ori %shift_left3A_505, %shift_right_logical3A_508 : vector<64x8192xi32>
    %xor3A_510 = arith.xori %or3A_509, %add3A_502 : vector<64x8192xi32>
    %add3A_511 = arith.constant -1378843660 : i32
    %add3A_512 = vector.broadcast %add3A_511 : i32 to vector<64x8192xi32>
    %add3A_513 = arith.addi %add3A_502, %add3A_512 : vector<64x8192xi32>
    %add3A_514 = arith.constant -1244255485 : i32
    %add3A_515 = vector.broadcast %add3A_514 : i32 to vector<64x8192xi32>
    %add3A_516 = arith.addi %xor3A_510, %add3A_515 : vector<64x8192xi32>
    %add3A_517 = arith.constant 4 : i32
    %add3A_518 = vector.broadcast %add3A_517 : i32 to vector<64x8192xi32>
    %add3A_519 = arith.addi %add3A_516, %add3A_518 : vector<64x8192xi32>
    %add3A_520 = arith.addi %add3A_513, %add3A_519 : vector<64x8192xi32>
    %shift_left3A_521 = arith.constant 13 : i32
    %shift_left3A_522 = vector.broadcast %shift_left3A_521 : i32 to vector<64x8192xi32>
    %shift_left3A_523 = arith.shli %add3A_519, %shift_left3A_522 : vector<64x8192xi32>
    %shift_right_logical3A_524 = arith.constant 19 : i32
    %shift_right_logical3A_525 = vector.broadcast %shift_right_logical3A_524 : i32 to vector<64x8192xi32>
    %shift_right_logical3A_526 = arith.shrui %add3A_519, %shift_right_logical3A_525 : vector<64x8192xi32>
    %or3A_527 = arith.ori %shift_left3A_523, %shift_right_logical3A_526 : vector<64x8192xi32>
    %xor3A_528 = arith.xori %or3A_527, %add3A_520 : vector<64x8192xi32>
    %add3A_529 = arith.addi %add3A_520, %xor3A_528 : vector<64x8192xi32>
    %shift_left3A_530 = arith.constant 15 : i32
    %shift_left3A_531 = vector.broadcast %shift_left3A_530 : i32 to vector<64x8192xi32>
    %shift_left3A_532 = arith.shli %xor3A_528, %shift_left3A_531 : vector<64x8192xi32>
    %shift_right_logical3A_533 = arith.constant 17 : i32
    %shift_right_logical3A_534 = vector.broadcast %shift_right_logical3A_533 : i32 to vector<64x8192xi32>
    %shift_right_logical3A_535 = arith.shrui %xor3A_528, %shift_right_logical3A_534 : vector<64x8192xi32>
    %or3A_536 = arith.ori %shift_left3A_532, %shift_right_logical3A_535 : vector<64x8192xi32>
    %xor3A_537 = arith.xori %or3A_536, %add3A_529 : vector<64x8192xi32>
    %add3A_538 = arith.addi %add3A_529, %xor3A_537 : vector<64x8192xi32>
    %shift_left3A_539 = arith.constant 26 : i32
    %shift_left3A_540 = vector.broadcast %shift_left3A_539 : i32 to vector<64x8192xi32>
    %shift_left3A_541 = arith.shli %xor3A_537, %shift_left3A_540 : vector<64x8192xi32>
    %shift_right_logical3A_542 = arith.constant 6 : i32
    %shift_right_logical3A_543 = vector.broadcast %shift_right_logical3A_542 : i32 to vector<64x8192xi32>
    %shift_right_logical3A_544 = arith.shrui %xor3A_537, %shift_right_logical3A_543 : vector<64x8192xi32>
    %or3A_545 = arith.ori %shift_left3A_541, %shift_right_logical3A_544 : vector<64x8192xi32>
    %xor3A_546 = arith.xori %or3A_545, %add3A_538 : vector<64x8192xi32>
    %add3A_547 = arith.addi %add3A_538, %xor3A_546 : vector<64x8192xi32>
    %shift_left3A_548 = arith.constant 6 : i32
    %shift_left3A_549 = vector.broadcast %shift_left3A_548 : i32 to vector<64x8192xi32>
    %shift_left3A_550 = arith.shli %xor3A_546, %shift_left3A_549 : vector<64x8192xi32>
    %shift_right_logical3A_551 = arith.constant 26 : i32
    %shift_right_logical3A_552 = vector.broadcast %shift_right_logical3A_551 : i32 to vector<64x8192xi32>
    %shift_right_logical3A_553 = arith.shrui %xor3A_546, %shift_right_logical3A_552 : vector<64x8192xi32>
    %or3A_554 = arith.ori %shift_left3A_550, %shift_right_logical3A_553 : vector<64x8192xi32>
    %xor3A_555 = arith.xori %or3A_554, %add3A_547 : vector<64x8192xi32>
    %add3A_556 = arith.constant -1244255485 : i32
    %add3A_557 = vector.broadcast %add3A_556 : i32 to vector<64x8192xi32>
    %add3A_558 = arith.addi %add3A_547, %add3A_557 : vector<64x8192xi32>
    %add3A_559 = arith.constant 64467757 : i32
    %add3A_560 = vector.broadcast %add3A_559 : i32 to vector<64x8192xi32>
    %add3A_561 = arith.addi %xor3A_555, %add3A_560 : vector<64x8192xi32>
    %add3A_562 = arith.constant 5 : i32
    %add3A_563 = vector.broadcast %add3A_562 : i32 to vector<64x8192xi32>
    %add3A_564 = arith.addi %add3A_561, %add3A_563 : vector<64x8192xi32>
    %xor3A_565 = arith.xori %add3A_558, %add3A_564 : vector<64x8192xi32>
    %shift_right_logical3A_566 = arith.constant 9 : i32
    %shift_right_logical3A_567 = vector.broadcast %shift_right_logical3A_566 : i32 to vector<64x8192xi32>
    %shift_right_logical3A_568 = arith.shrui %xor3A_565, %shift_right_logical3A_567 : vector<64x8192xi32>
    %or3A_569 = arith.constant 1065353216 : i32
    %or3A_570 = vector.broadcast %or3A_569 : i32 to vector<64x8192xi32>
    %or3A_571 = arith.ori %shift_right_logical3A_568, %or3A_570 : vector<64x8192xi32>
    %bitcast_convert_type3A_572 = tpu.bitcast %or3A_571 : vector<64x8192xi32> -> vector<64x8192xf32>
    %sub3A_573 = arith.constant 1.000000e+00 : f32
    %sub3A_574 = vector.broadcast %sub3A_573 : f32 to vector<64x8192xf32>
    %sub3A_575 = arith.subf %bitcast_convert_type3A_572, %sub3A_574 : vector<64x8192xf32>
    %max3A_576 = arith.constant 1.17549435E-38 : f32
    %max3A_577 = vector.broadcast %max3A_576 : f32 to vector<64x8192xf32>
    %max3A_578 = arith.maximumf %sub3A_575, %max3A_577 : vector<64x8192xf32>
    %log3A_579 = math.log %max3A_578 : vector<64x8192xf32>
    %neg3A_580 = arith.constant 0.000000e+00 : f32
    %neg3A_581 = vector.broadcast %neg3A_580 : f32 to vector<64x8192xf32>
    %neg3A_582 = arith.subf %neg3A_581, %log3A_579 : vector<64x8192xf32>
    %log3A_583 = math.log %neg3A_582 : vector<64x8192xf32>
    %neg3A_584 = arith.constant 0.000000e+00 : f32
    %neg3A_585 = vector.broadcast %neg3A_584 : f32 to vector<64x8192xf32>
    %neg3A_586 = arith.subf %neg3A_585, %log3A_583 : vector<64x8192xf32>
    %gt3A_587 = arith.constant 0.000000e+00 : f32
    %gt3A_588 = vector.broadcast %gt3A_587 : f32 to vector<64x8192xf32>
    %gt3A_589 = arith.cmpf ogt, %mul3A_334, %gt3A_588 : vector<64x8192xf32>
    %max3A_590 = arith.constant 1.000000e-30 : f32
    %max3A_591 = vector.broadcast %max3A_590 : f32 to vector<64x8192xf32>
    %max3A_592 = arith.maximumf %mul3A_334, %max3A_591 : vector<64x8192xf32>
    %log3A_593 = math.log %max3A_592 : vector<64x8192xf32>
    %jit3A_594 = arith.constant -1.000000e+30 : f32
    %broadcast_in_dim3A_595 = vector.broadcast %jit3A_594 : f32 to vector<64x8192xf32>
    %select_n3A_596 = arith.select %gt3A_589, %log3A_593, %broadcast_in_dim3A_595 : vector<64x8192xi1>, vector<64x8192xf32>
    %add3A_597 = arith.addf %select_n3A_596, %neg3A_586 : vector<64x8192xf32>
    %reduce_max3A_598 = arith.constant dense<0xFF800000> : vector<8192xf32>
    %reduce_max3A_599 = vector.multi_reduction <maximumf>, %add3A_597, %reduce_max3A_598 [0] : vector<64x8192xf32> to vector<8192xf32>
    %broadcast_in_dim3A_600 = vector.shape_cast %reduce_max3A_599 : vector<8192xf32> to vector<1x8192xf32>
    %eq3A_601 = vector.broadcast %broadcast_in_dim3A_600 : vector<1x8192xf32> to vector<64x8192xf32>
    %eq3A_602 = arith.cmpf oeq, %add3A_597, %eq3A_601 : vector<64x8192xf32>
    %jit3A_603 = arith.constant 64 : i32
    %broadcast_in_dim3A_604 = vector.broadcast %jit3A_603 : i32 to vector<64x8192xi32>
    %select_n3A_605 = arith.select %eq3A_602, %iota3A_56, %broadcast_in_dim3A_604 : vector<64x8192xi1>, vector<64x8192xi32>
    %reduce_min3A_606 = arith.constant dense<2147483647> : vector<8192xi32>
    %reduce_min3A_607 = vector.multi_reduction <minsi>, %select_n3A_605, %reduce_min3A_606 [0] : vector<64x8192xi32> to vector<8192xi32>
    %broadcast_in_dim3A_608 = vector.shape_cast %reduce_min3A_607 : vector<8192xi32> to vector<1x8192xi32>
    %mul3A_609 = arith.constant 64 : i32
    %mul3A_610 = vector.broadcast %mul3A_609 : i32 to vector<1x8192xi32>
    %mul3A_611 = arith.muli %broadcast_in_dim3A_324, %mul3A_610 : vector<1x8192xi32>
    %add3A_612 = arith.addi %mul3A_611, %broadcast_in_dim3A_608 : vector<1x8192xi32>
    %swap3A_613 = arith.constant 0 : index
    %swap3A_614 = arith.constant 0 : index
    %swap3A_615 = vector.load %arg7[%swap3A_613, %swap3A_614] : memref<1x8192xi32, #tpu.memory_space<vmem>>, vector<1x8192xi32>
    tpu.vector_store %arg7[%swap3A_613, %swap3A_614], %add3A_612 {strides = array<i32>} : memref<1x8192xi32, #tpu.memory_space<vmem>>, vector<1x8192xi32>,
    %mul3A_616 = arith.constant 8192 : i32
    %mul3A_617 = arith.muli %add3A_0, %mul3A_616 : i32
    %iota3A_618 = tpu.iota {dimensions = array<i32: 1>} : vector<1x8192xi32>
    %add3A_619 = vector.broadcast %mul3A_617 : i32 to vector<1x8192xi32>
    %add3A_620 = arith.addi %add3A_619, %iota3A_618 : vector<1x8192xi32>
    %add3A_621 = arith.constant 255383827 : i32
    %add3A_622 = vector.broadcast %add3A_621 : i32 to vector<1x8192xi32>
    %add3A_623 = arith.addi %add3A_620, %add3A_622 : vector<1x8192xi32>
    %add3A_624 = arith.constant -1829035798 : i32
    %add3A_625 = vector.broadcast %add3A_624 : i32 to vector<1x8192xi32>
    %add3A_626 = arith.addi %add3A_623, %add3A_625 : vector<1x8192xi32>
    %shift_left3A_627 = arith.constant 13 : i32
    %shift_left3A_628 = vector.broadcast %shift_left3A_627 : i32 to vector<1x8192xi32>
    %shift_left3A_629 = arith.shli %add3A_623, %shift_left3A_628 : vector<1x8192xi32>
    %shift_right_logical3A_630 = arith.constant 19 : i32
    %shift_right_logical3A_631 = vector.broadcast %shift_right_logical3A_630 : i32 to vector<1x8192xi32>
    %shift_right_logical3A_632 = arith.shrui %add3A_623, %shift_right_logical3A_631 : vector<1x8192xi32>
    %or3A_633 = arith.ori %shift_left3A_629, %shift_right_logical3A_632 : vector<1x8192xi32>
    %xor3A_634 = arith.xori %or3A_633, %add3A_626 : vector<1x8192xi32>
    %add3A_635 = arith.addi %add3A_626, %xor3A_634 : vector<1x8192xi32>
    %shift_left3A_636 = arith.constant 15 : i32
    %shift_left3A_637 = vector.broadcast %shift_left3A_636 : i32 to vector<1x8192xi32>
    %shift_left3A_638 = arith.shli %xor3A_634, %shift_left3A_637 : vector<1x8192xi32>
    %shift_right_logical3A_639 = arith.constant 17 : i32
    %shift_right_logical3A_640 = vector.broadcast %shift_right_logical3A_639 : i32 to vector<1x8192xi32>
    %shift_right_logical3A_641 = arith.shrui %xor3A_634, %shift_right_logical3A_640 : vector<1x8192xi32>
    %or3A_642 = arith.ori %shift_left3A_638, %shift_right_logical3A_641 : vector<1x8192xi32>
    %xor3A_643 = arith.xori %or3A_642, %add3A_635 : vector<1x8192xi32>
    %add3A_644 = arith.addi %add3A_635, %xor3A_643 : vector<1x8192xi32>
    %shift_left3A_645 = arith.constant 26 : i32
    %shift_left3A_646 = vector.broadcast %shift_left3A_645 : i32 to vector<1x8192xi32>
    %shift_left3A_647 = arith.shli %xor3A_643, %shift_left3A_646 : vector<1x8192xi32>
    %shift_right_logical3A_648 = arith.constant 6 : i32
    %shift_right_logical3A_649 = vector.broadcast %shift_right_logical3A_648 : i32 to vector<1x8192xi32>
    %shift_right_logical3A_650 = arith.shrui %xor3A_643, %shift_right_logical3A_649 : vector<1x8192xi32>
    %or3A_651 = arith.ori %shift_left3A_647, %shift_right_logical3A_650 : vector<1x8192xi32>
    %xor3A_652 = arith.xori %or3A_651, %add3A_644 : vector<1x8192xi32>
    %add3A_653 = arith.addi %add3A_644, %xor3A_652 : vector<1x8192xi32>
    %shift_left3A_654 = arith.constant 6 : i32
    %shift_left3A_655 = vector.broadcast %shift_left3A_654 : i32 to vector<1x8192xi32>
    %shift_left3A_656 = arith.shli %xor3A_652, %shift_left3A_655 : vector<1x8192xi32>
    %shift_right_logical3A_657 = arith.constant 26 : i32
    %shift_right_logical3A_658 = vector.broadcast %shift_right_logical3A_657 : i32 to vector<1x8192xi32>
    %shift_right_logical3A_659 = arith.shrui %xor3A_652, %shift_right_logical3A_658 : vector<1x8192xi32>
    %or3A_660 = arith.ori %shift_left3A_656, %shift_right_logical3A_659 : vector<1x8192xi32>
    %xor3A_661 = arith.xori %or3A_660, %add3A_653 : vector<1x8192xi32>
    %add3A_662 = arith.constant 255383827 : i32
    %add3A_663 = vector.broadcast %add3A_662 : i32 to vector<1x8192xi32>
    %add3A_664 = arith.addi %add3A_653, %add3A_663 : vector<1x8192xi32>
    %add3A_665 = arith.constant -2045582813 : i32
    %add3A_666 = vector.broadcast %add3A_665 : i32 to vector<1x8192xi32>
    %add3A_667 = arith.addi %xor3A_661, %add3A_666 : vector<1x8192xi32>
    %add3A_668 = arith.constant 1 : i32
    %add3A_669 = vector.broadcast %add3A_668 : i32 to vector<1x8192xi32>
    %add3A_670 = arith.addi %add3A_667, %add3A_669 : vector<1x8192xi32>
    %add3A_671 = arith.addi %add3A_664, %add3A_670 : vector<1x8192xi32>
    %shift_left3A_672 = arith.constant 17 : i32
    %shift_left3A_673 = vector.broadcast %shift_left3A_672 : i32 to vector<1x8192xi32>
    %shift_left3A_674 = arith.shli %add3A_670, %shift_left3A_673 : vector<1x8192xi32>
    %shift_right_logical3A_675 = arith.constant 15 : i32
    %shift_right_logical3A_676 = vector.broadcast %shift_right_logical3A_675 : i32 to vector<1x8192xi32>
    %shift_right_logical3A_677 = arith.shrui %add3A_670, %shift_right_logical3A_676 : vector<1x8192xi32>
    %or3A_678 = arith.ori %shift_left3A_674, %shift_right_logical3A_677 : vector<1x8192xi32>
    %xor3A_679 = arith.xori %or3A_678, %add3A_671 : vector<1x8192xi32>
    %add3A_680 = arith.addi %add3A_671, %xor3A_679 : vector<1x8192xi32>
    %shift_left3A_681 = arith.constant 29 : i32
    %shift_left3A_682 = vector.broadcast %shift_left3A_681 : i32 to vector<1x8192xi32>
    %shift_left3A_683 = arith.shli %xor3A_679, %shift_left3A_682 : vector<1x8192xi32>
    %shift_right_logical3A_684 = arith.constant 3 : i32
    %shift_right_logical3A_685 = vector.broadcast %shift_right_logical3A_684 : i32 to vector<1x8192xi32>
    %shift_right_logical3A_686 = arith.shrui %xor3A_679, %shift_right_logical3A_685 : vector<1x8192xi32>
    %or3A_687 = arith.ori %shift_left3A_683, %shift_right_logical3A_686 : vector<1x8192xi32>
    %xor3A_688 = arith.xori %or3A_687, %add3A_680 : vector<1x8192xi32>
    %add3A_689 = arith.addi %add3A_680, %xor3A_688 : vector<1x8192xi32>
    %shift_left3A_690 = arith.constant 16 : i32
    %shift_left3A_691 = vector.broadcast %shift_left3A_690 : i32 to vector<1x8192xi32>
    %shift_left3A_692 = arith.shli %xor3A_688, %shift_left3A_691 : vector<1x8192xi32>
    %shift_right_logical3A_693 = arith.constant 16 : i32
    %shift_right_logical3A_694 = vector.broadcast %shift_right_logical3A_693 : i32 to vector<1x8192xi32>
    %shift_right_logical3A_695 = arith.shrui %xor3A_688, %shift_right_logical3A_694 : vector<1x8192xi32>
    %or3A_696 = arith.ori %shift_left3A_692, %shift_right_logical3A_695 : vector<1x8192xi32>
    %xor3A_697 = arith.xori %or3A_696, %add3A_689 : vector<1x8192xi32>
    %add3A_698 = arith.addi %add3A_689, %xor3A_697 : vector<1x8192xi32>
    %shift_left3A_699 = arith.constant 24 : i32
    %shift_left3A_700 = vector.broadcast %shift_left3A_699 : i32 to vector<1x8192xi32>
    %shift_left3A_701 = arith.shli %xor3A_697, %shift_left3A_700 : vector<1x8192xi32>
    %shift_right_logical3A_702 = arith.constant 8 : i32
    %shift_right_logical3A_703 = vector.broadcast %shift_right_logical3A_702 : i32 to vector<1x8192xi32>
    %shift_right_logical3A_704 = arith.shrui %xor3A_697, %shift_right_logical3A_703 : vector<1x8192xi32>
    %or3A_705 = arith.ori %shift_left3A_701, %shift_right_logical3A_704 : vector<1x8192xi32>
    %xor3A_706 = arith.xori %or3A_705, %add3A_698 : vector<1x8192xi32>
    %add3A_707 = arith.constant -2045582813 : i32
    %add3A_708 = vector.broadcast %add3A_707 : i32 to vector<1x8192xi32>
    %add3A_709 = arith.addi %add3A_698, %add3A_708 : vector<1x8192xi32>
    %add3A_710 = arith.constant -1829035798 : i32
    %add3A_711 = vector.broadcast %add3A_710 : i32 to vector<1x8192xi32>
    %add3A_712 = arith.addi %xor3A_706, %add3A_711 : vector<1x8192xi32>
    %add3A_713 = arith.constant 2 : i32
    %add3A_714 = vector.broadcast %add3A_713 : i32 to vector<1x8192xi32>
    %add3A_715 = arith.addi %add3A_712, %add3A_714 : vector<1x8192xi32>
    %add3A_716 = arith.addi %add3A_709, %add3A_715 : vector<1x8192xi32>
    %shift_left3A_717 = arith.constant 13 : i32
    %shift_left3A_718 = vector.broadcast %shift_left3A_717 : i32 to vector<1x8192xi32>
    %shift_left3A_719 = arith.shli %add3A_715, %shift_left3A_718 : vector<1x8192xi32>
    %shift_right_logical3A_720 = arith.constant 19 : i32
    %shift_right_logical3A_721 = vector.broadcast %shift_right_logical3A_720 : i32 to vector<1x8192xi32>
    %shift_right_logical3A_722 = arith.shrui %add3A_715, %shift_right_logical3A_721 : vector<1x8192xi32>
    %or3A_723 = arith.ori %shift_left3A_719, %shift_right_logical3A_722 : vector<1x8192xi32>
    %xor3A_724 = arith.xori %or3A_723, %add3A_716 : vector<1x8192xi32>
    %add3A_725 = arith.addi %add3A_716, %xor3A_724 : vector<1x8192xi32>
    %shift_left3A_726 = arith.constant 15 : i32
    %shift_left3A_727 = vector.broadcast %shift_left3A_726 : i32 to vector<1x8192xi32>
    %shift_left3A_728 = arith.shli %xor3A_724, %shift_left3A_727 : vector<1x8192xi32>
    %shift_right_logical3A_729 = arith.constant 17 : i32
    %shift_right_logical3A_730 = vector.broadcast %shift_right_logical3A_729 : i32 to vector<1x8192xi32>
    %shift_right_logical3A_731 = arith.shrui %xor3A_724, %shift_right_logical3A_730 : vector<1x8192xi32>
    %or3A_732 = arith.ori %shift_left3A_728, %shift_right_logical3A_731 : vector<1x8192xi32>
    %xor3A_733 = arith.xori %or3A_732, %add3A_725 : vector<1x8192xi32>
    %add3A_734 = arith.addi %add3A_725, %xor3A_733 : vector<1x8192xi32>
    %shift_left3A_735 = arith.constant 26 : i32
    %shift_left3A_736 = vector.broadcast %shift_left3A_735 : i32 to vector<1x8192xi32>
    %shift_left3A_737 = arith.shli %xor3A_733, %shift_left3A_736 : vector<1x8192xi32>
    %shift_right_logical3A_738 = arith.constant 6 : i32
    %shift_right_logical3A_739 = vector.broadcast %shift_right_logical3A_738 : i32 to vector<1x8192xi32>
    %shift_right_logical3A_740 = arith.shrui %xor3A_733, %shift_right_logical3A_739 : vector<1x8192xi32>
    %or3A_741 = arith.ori %shift_left3A_737, %shift_right_logical3A_740 : vector<1x8192xi32>
    %xor3A_742 = arith.xori %or3A_741, %add3A_734 : vector<1x8192xi32>
    %add3A_743 = arith.addi %add3A_734, %xor3A_742 : vector<1x8192xi32>
    %shift_left3A_744 = arith.constant 6 : i32
    %shift_left3A_745 = vector.broadcast %shift_left3A_744 : i32 to vector<1x8192xi32>
    %shift_left3A_746 = arith.shli %xor3A_742, %shift_left3A_745 : vector<1x8192xi32>
    %shift_right_logical3A_747 = arith.constant 26 : i32
    %shift_right_logical3A_748 = vector.broadcast %shift_right_logical3A_747 : i32 to vector<1x8192xi32>
    %shift_right_logical3A_749 = arith.shrui %xor3A_742, %shift_right_logical3A_748 : vector<1x8192xi32>
    %or3A_750 = arith.ori %shift_left3A_746, %shift_right_logical3A_749 : vector<1x8192xi32>
    %xor3A_751 = arith.xori %or3A_750, %add3A_743 : vector<1x8192xi32>
    %add3A_752 = arith.constant -1829035798 : i32
    %add3A_753 = vector.broadcast %add3A_752 : i32 to vector<1x8192xi32>
    %add3A_754 = arith.addi %add3A_743, %add3A_753 : vector<1x8192xi32>
    %add3A_755 = arith.constant 255383827 : i32
    %add3A_756 = vector.broadcast %add3A_755 : i32 to vector<1x8192xi32>
    %add3A_757 = arith.addi %xor3A_751, %add3A_756 : vector<1x8192xi32>
    %add3A_758 = arith.constant 3 : i32
    %add3A_759 = vector.broadcast %add3A_758 : i32 to vector<1x8192xi32>
    %add3A_760 = arith.addi %add3A_757, %add3A_759 : vector<1x8192xi32>
    %add3A_761 = arith.addi %add3A_754, %add3A_760 : vector<1x8192xi32>
    %shift_left3A_762 = arith.constant 17 : i32
    %shift_left3A_763 = vector.broadcast %shift_left3A_762 : i32 to vector<1x8192xi32>
    %shift_left3A_764 = arith.shli %add3A_760, %shift_left3A_763 : vector<1x8192xi32>
    %shift_right_logical3A_765 = arith.constant 15 : i32
    %shift_right_logical3A_766 = vector.broadcast %shift_right_logical3A_765 : i32 to vector<1x8192xi32>
    %shift_right_logical3A_767 = arith.shrui %add3A_760, %shift_right_logical3A_766 : vector<1x8192xi32>
    %or3A_768 = arith.ori %shift_left3A_764, %shift_right_logical3A_767 : vector<1x8192xi32>
    %xor3A_769 = arith.xori %or3A_768, %add3A_761 : vector<1x8192xi32>
    %add3A_770 = arith.addi %add3A_761, %xor3A_769 : vector<1x8192xi32>
    %shift_left3A_771 = arith.constant 29 : i32
    %shift_left3A_772 = vector.broadcast %shift_left3A_771 : i32 to vector<1x8192xi32>
    %shift_left3A_773 = arith.shli %xor3A_769, %shift_left3A_772 : vector<1x8192xi32>
    %shift_right_logical3A_774 = arith.constant 3 : i32
    %shift_right_logical3A_775 = vector.broadcast %shift_right_logical3A_774 : i32 to vector<1x8192xi32>
    %shift_right_logical3A_776 = arith.shrui %xor3A_769, %shift_right_logical3A_775 : vector<1x8192xi32>
    %or3A_777 = arith.ori %shift_left3A_773, %shift_right_logical3A_776 : vector<1x8192xi32>
    %xor3A_778 = arith.xori %or3A_777, %add3A_770 : vector<1x8192xi32>
    %add3A_779 = arith.addi %add3A_770, %xor3A_778 : vector<1x8192xi32>
    %shift_left3A_780 = arith.constant 16 : i32
    %shift_left3A_781 = vector.broadcast %shift_left3A_780 : i32 to vector<1x8192xi32>
    %shift_left3A_782 = arith.shli %xor3A_778, %shift_left3A_781 : vector<1x8192xi32>
    %shift_right_logical3A_783 = arith.constant 16 : i32
    %shift_right_logical3A_784 = vector.broadcast %shift_right_logical3A_783 : i32 to vector<1x8192xi32>
    %shift_right_logical3A_785 = arith.shrui %xor3A_778, %shift_right_logical3A_784 : vector<1x8192xi32>
    %or3A_786 = arith.ori %shift_left3A_782, %shift_right_logical3A_785 : vector<1x8192xi32>
    %xor3A_787 = arith.xori %or3A_786, %add3A_779 : vector<1x8192xi32>
    %add3A_788 = arith.addi %add3A_779, %xor3A_787 : vector<1x8192xi32>
    %shift_left3A_789 = arith.constant 24 : i32
    %shift_left3A_790 = vector.broadcast %shift_left3A_789 : i32 to vector<1x8192xi32>
    %shift_left3A_791 = arith.shli %xor3A_787, %shift_left3A_790 : vector<1x8192xi32>
    %shift_right_logical3A_792 = arith.constant 8 : i32
    %shift_right_logical3A_793 = vector.broadcast %shift_right_logical3A_792 : i32 to vector<1x8192xi32>
    %shift_right_logical3A_794 = arith.shrui %xor3A_787, %shift_right_logical3A_793 : vector<1x8192xi32>
    %or3A_795 = arith.ori %shift_left3A_791, %shift_right_logical3A_794 : vector<1x8192xi32>
    %xor3A_796 = arith.xori %or3A_795, %add3A_788 : vector<1x8192xi32>
    %add3A_797 = arith.constant 255383827 : i32
    %add3A_798 = vector.broadcast %add3A_797 : i32 to vector<1x8192xi32>
    %add3A_799 = arith.addi %add3A_788, %add3A_798 : vector<1x8192xi32>
    %add3A_800 = arith.constant -2045582813 : i32
    %add3A_801 = vector.broadcast %add3A_800 : i32 to vector<1x8192xi32>
    %add3A_802 = arith.addi %xor3A_796, %add3A_801 : vector<1x8192xi32>
    %add3A_803 = arith.constant 4 : i32
    %add3A_804 = vector.broadcast %add3A_803 : i32 to vector<1x8192xi32>
    %add3A_805 = arith.addi %add3A_802, %add3A_804 : vector<1x8192xi32>
    %add3A_806 = arith.addi %add3A_799, %add3A_805 : vector<1x8192xi32>
    %shift_left3A_807 = arith.constant 13 : i32
    %shift_left3A_808 = vector.broadcast %shift_left3A_807 : i32 to vector<1x8192xi32>
    %shift_left3A_809 = arith.shli %add3A_805, %shift_left3A_808 : vector<1x8192xi32>
    %shift_right_logical3A_810 = arith.constant 19 : i32
    %shift_right_logical3A_811 = vector.broadcast %shift_right_logical3A_810 : i32 to vector<1x8192xi32>
    %shift_right_logical3A_812 = arith.shrui %add3A_805, %shift_right_logical3A_811 : vector<1x8192xi32>
    %or3A_813 = arith.ori %shift_left3A_809, %shift_right_logical3A_812 : vector<1x8192xi32>
    %xor3A_814 = arith.xori %or3A_813, %add3A_806 : vector<1x8192xi32>
    %add3A_815 = arith.addi %add3A_806, %xor3A_814 : vector<1x8192xi32>
    %shift_left3A_816 = arith.constant 15 : i32
    %shift_left3A_817 = vector.broadcast %shift_left3A_816 : i32 to vector<1x8192xi32>
    %shift_left3A_818 = arith.shli %xor3A_814, %shift_left3A_817 : vector<1x8192xi32>
    %shift_right_logical3A_819 = arith.constant 17 : i32
    %shift_right_logical3A_820 = vector.broadcast %shift_right_logical3A_819 : i32 to vector<1x8192xi32>
    %shift_right_logical3A_821 = arith.shrui %xor3A_814, %shift_right_logical3A_820 : vector<1x8192xi32>
    %or3A_822 = arith.ori %shift_left3A_818, %shift_right_logical3A_821 : vector<1x8192xi32>
    %xor3A_823 = arith.xori %or3A_822, %add3A_815 : vector<1x8192xi32>
    %add3A_824 = arith.addi %add3A_815, %xor3A_823 : vector<1x8192xi32>
    %shift_left3A_825 = arith.constant 26 : i32
    %shift_left3A_826 = vector.broadcast %shift_left3A_825 : i32 to vector<1x8192xi32>
    %shift_left3A_827 = arith.shli %xor3A_823, %shift_left3A_826 : vector<1x8192xi32>
    %shift_right_logical3A_828 = arith.constant 6 : i32
    %shift_right_logical3A_829 = vector.broadcast %shift_right_logical3A_828 : i32 to vector<1x8192xi32>
    %shift_right_logical3A_830 = arith.shrui %xor3A_823, %shift_right_logical3A_829 : vector<1x8192xi32>
    %or3A_831 = arith.ori %shift_left3A_827, %shift_right_logical3A_830 : vector<1x8192xi32>
    %xor3A_832 = arith.xori %or3A_831, %add3A_824 : vector<1x8192xi32>
    %add3A_833 = arith.addi %add3A_824, %xor3A_832 : vector<1x8192xi32>
    %shift_left3A_834 = arith.constant 6 : i32
    %shift_left3A_835 = vector.broadcast %shift_left3A_834 : i32 to vector<1x8192xi32>
    %shift_left3A_836 = arith.shli %xor3A_832, %shift_left3A_835 : vector<1x8192xi32>
    %shift_right_logical3A_837 = arith.constant 26 : i32
    %shift_right_logical3A_838 = vector.broadcast %shift_right_logical3A_837 : i32 to vector<1x8192xi32>
    %shift_right_logical3A_839 = arith.shrui %xor3A_832, %shift_right_logical3A_838 : vector<1x8192xi32>
    %or3A_840 = arith.ori %shift_left3A_836, %shift_right_logical3A_839 : vector<1x8192xi32>
    %xor3A_841 = arith.xori %or3A_840, %add3A_833 : vector<1x8192xi32>
    %add3A_842 = arith.constant -2045582813 : i32
    %add3A_843 = vector.broadcast %add3A_842 : i32 to vector<1x8192xi32>
    %add3A_844 = arith.addi %add3A_833, %add3A_843 : vector<1x8192xi32>
    %add3A_845 = arith.constant -1829035798 : i32
    %add3A_846 = vector.broadcast %add3A_845 : i32 to vector<1x8192xi32>
    %add3A_847 = arith.addi %xor3A_841, %add3A_846 : vector<1x8192xi32>
    %add3A_848 = arith.constant 5 : i32
    %add3A_849 = vector.broadcast %add3A_848 : i32 to vector<1x8192xi32>
    %add3A_850 = arith.addi %add3A_847, %add3A_849 : vector<1x8192xi32>
    %xor3A_851 = arith.xori %add3A_844, %add3A_850 : vector<1x8192xi32>
    %shift_right_logical3A_852 = arith.constant 9 : i32
    %shift_right_logical3A_853 = vector.broadcast %shift_right_logical3A_852 : i32 to vector<1x8192xi32>
    %shift_right_logical3A_854 = arith.shrui %xor3A_851, %shift_right_logical3A_853 : vector<1x8192xi32>
    %or3A_855 = arith.constant 1065353216 : i32
    %or3A_856 = vector.broadcast %or3A_855 : i32 to vector<1x8192xi32>
    %or3A_857 = arith.ori %shift_right_logical3A_854, %or3A_856 : vector<1x8192xi32>
    %bitcast_convert_type3A_858 = tpu.bitcast %or3A_857 : vector<1x8192xi32> -> vector<1x8192xf32>
    %sub3A_859 = arith.constant 1.000000e+00 : f32
    %sub3A_860 = vector.broadcast %sub3A_859 : f32 to vector<1x8192xf32>
    %sub3A_861 = arith.subf %bitcast_convert_type3A_858, %sub3A_860 : vector<1x8192xf32>
    %max3A_862 = arith.constant 0.000000e+00 : f32
    %max3A_863 = vector.broadcast %max3A_862 : f32 to vector<1x8192xf32>
    %max3A_864 = arith.maximumf %max3A_863, %sub3A_861 : vector<1x8192xf32>
    %swap3A_865 = arith.constant 0 : index
    %swap3A_866 = arith.constant 0 : index
    %swap3A_867 = vector.load %arg8[%swap3A_865, %swap3A_866] : memref<1x8192xf32, #tpu.memory_space<vmem>>, vector<1x8192xf32>
    tpu.vector_store %arg8[%swap3A_865, %swap3A_866], %max3A_864 {strides = array<i32>} : memref<1x8192xf32, #tpu.memory_space<vmem>>, vector<1x8192xf32>,
    %get3A_868 = arith.constant 0 : index
    %get3A_869 = arith.constant 0 : index
    %get3A_870 = vector.load %arg4[%get3A_868, %get3A_869] : memref<128x32xf32, #tpu.memory_space<vmem>>, vector<128x32xf32>
    %dot_general3A_871 = arith.constant dense<0.000000e+00> : vector<128x128xf32>
    %dot_general3A_872 = tpu.matmul %slice3A, %get3A_870, %dot_general3A_871 {dimension_numbers = #tpu.dot_dimension_numbers<[1], [1], [0], [0], [0, 0, 1, 0], [], []>, transpose_lhs_hint = false} : vector<128x32xf32>, vector<128x32xf32>, vector<128x128xf32> -> vector<128x128xf32>
    %swap3A_873 = arith.constant 0 : index
    %swap3A_874 = arith.constant 0 : index
    %swap3A_875 = vector.load %arg10[%swap3A_873, %swap3A_874] : memref<128x128xf32, #tpu.memory_space<vmem>>, vector<128x128xf32>
    tpu.vector_store %arg10[%swap3A_873, %swap3A_874], %dot_general3A_872 {strides = array<i32>} : memref<128x128xf32, #tpu.memory_space<vmem>>, vector<128x128xf32>,
    %get3A_876 = arith.constant 0 : index
    %get3A_877 = arith.constant 0 : index
    %get3A_878 = vector.load %arg5[%get3A_876, %get3A_877] : memref<128x32xf32, #tpu.memory_space<vmem>>, vector<128x32xf32>
    %dot_general3A_879 = arith.constant dense<0.000000e+00> : vector<128x128xf32>
    %dot_general3A_880 = tpu.matmul %slice3A_3, %get3A_878, %dot_general3A_879 {dimension_numbers = #tpu.dot_dimension_numbers<[1], [1], [0], [0], [0, 0, 1, 0], [], []>, transpose_lhs_hint = false} : vector<128x32xf32>, vector<128x32xf32>, vector<128x128xf32> -> vector<128x128xf32>
    %swap3A_881 = arith.constant 0 : index
    %swap3A_882 = arith.constant 0 : index
    %swap3A_883 = vector.load %arg11[%swap3A_881, %swap3A_882] : memref<128x128xf32, #tpu.memory_space<vmem>>, vector<128x128xf32>
    tpu.vector_store %arg11[%swap3A_881, %swap3A_882], %dot_general3A_880 {strides = array<i32>} : memref<128x128xf32, #tpu.memory_space<vmem>>, vector<128x128xf32>,
    return
  }
  func.func @transform_0(%arg0: i32) -> (i32, i32) {
    %c0_i32 = arith.constant 0 : i32
    %c0_i32_0 = arith.constant 0 : i32
    return %arg0, %c0_i32 : i32, i32
  }
  func.func @transform_1(%arg0: i32) -> (i32, i32) {
    %c0_i32 = arith.constant 0 : i32
    %c0_i32_0 = arith.constant 0 : i32
    %c0_i32_1 = arith.constant 0 : i32
    return %c0_i32, %c0_i32_0 : i32, i32
  }
  func.func @transform_2(%arg0: i32) -> (i32, i32) {
    %c0_i32 = arith.constant 0 : i32
    %c0_i32_0 = arith.constant 0 : i32
    %c0_i32_1 = arith.constant 0 : i32
    return %c0_i32, %c0_i32_0 : i32, i32
  }
  func.func @transform_3(%arg0: i32) -> (i32, i32) {
    %c0_i32 = arith.constant 0 : i32
    %c0_i32_0 = arith.constant 0 : i32
    %c0_i32_1 = arith.constant 0 : i32
    return %c0_i32, %c0_i32_0 : i32, i32
  }
  func.func @transform_4(%arg0: i32) -> (i32, i32) {
    %c0_i32 = arith.constant 0 : i32
    %c0_i32_0 = arith.constant 0 : i32
    %c0_i32_1 = arith.constant 0 : i32
    return %c0_i32, %c0_i32_0 : i32, i32
  }
  func.func @transform_5(%arg0: i32) -> (i32, i32) {
    %c0_i32 = arith.constant 0 : i32
    %c0_i32_0 = arith.constant 0 : i32
    %c0_i32_1 = arith.constant 0 : i32
    return %c0_i32, %c0_i32_0 : i32, i32
  }
  func.func @transform_6(%arg0: i32) -> (i32, i32) {
    %c0_i32 = arith.constant 0 : i32
    %c0_i32_0 = arith.constant 0 : i32
    return %c0_i32, %arg0 : i32, i32
  }
  func.func @transform_7(%arg0: i32) -> (i32, i32) {
    %c0_i32 = arith.constant 0 : i32
    %c0_i32_0 = arith.constant 0 : i32
    return %c0_i32, %arg0 : i32, i32
  }
  func.func @transform_8(%arg0: i32) -> (i32, i32) {
    %c0_i32 = arith.constant 0 : i32
    %c0_i32_0 = arith.constant 0 : i32
    return %arg0, %c0_i32 : i32, i32
  }
  func.func @transform_9(%arg0: i32) -> (i32, i32) {
    %c0_i32 = arith.constant 0 : i32
    %c0_i32_0 = arith.constant 0 : i32
    return %arg0, %c0_i32 : i32, i32
  }
  func.func @transform_10(%arg0: i32) -> (i32, i32) {
    %c0_i32 = arith.constant 0 : i32
    %c0_i32_0 = arith.constant 0 : i32
    return %arg0, %c0_i32 : i32, i32
  }
}

</mosaic_0001>

<sc_bundles>
// kernel: kernel.6.cloned.1.call-start
scs
__scs_entry_jumppad:
0x0: {  	(pc) =	sbr.rel $0x88, $3  }
0x1: {  	(tag) =	ssettag $0x0;
	lr =	simm.s32 $0x1  }
0x2: {  	[smem:$0x3F96] =	sst lr;
	_ =	strace $0xD0000000  }
0x3: {  	_ = 	snop  }
0x4: {  	_ = 	snop  }
0x5: {  	_ = 	snop  }
0x6: {  	_ = 	snop  }
0x7: {  	_ = 	snop  }
__scs_overlays_trampoline_lowered:
0x8: {  	[smem:$0x3FA5] =	sst s0  }
0x9: {  	[smem:$0x3FA6] =	sst s1  }
0xa: {  	[smem:$0x3FA7] =	sst s2  }
0xb: {  	[smem:$0x3FA8] =	sst s3  }
0xc: {  	[smem:$0x3FA9] =	sst s4  }
0xd: {  	[smem:$0x3FAA] =	sst s5  }
0xe: {  	[smem:$0x3FAB] =	sst s6  }
0xf: {  	[smem:$0x3FAC] =	sst s7  }
0x10: {  	[smem:$0x3FAD] =	sst s8  }
0x11: {  	[smem:$0x3FAE] =	sst s9;
	s0 =	simm.s32 @!p0 $0x0  }
0x12: {  	s1 =	sld [smem:$0x3F94];
	s0 =	simm.s32 @p0 $0x1  }
0x13: {  	[smem:$0x3FAF] =	sst s0;
	s0 =	simm.s32 @!p1 $0x0  }
0x14: {  	s2 =	sld [smem:$0x3F93];
	s0 =	simm.s32 @p1 $0x1  }
0x15: {  	[smem:$0x3FB0] =	sst s0;
	s0 =	simm.s32 @!p2 $0x0  }
0x16: {  	s3 =	sld [smem:$0x3FDB];
	s0 =	simm.s32 @p2 $0x1  }
0x17: {  	s4 =	simm.s32 $0x1BF5;
	[smem:$0x3FB2] =	sst s0  }
0x18: {  	s0 =	sld [smem:$0x3F95];
	_ =	swait.ge [sflag:s4], $0x0  }
0x19: {  	s7 =	sld [smem:$0x3F96]  }
0x1a: {  	s8 =	sadd.s32 $0xFFFFE003, lr  }
0x1b: {  	s9 =	sadd.s32 $0xFFFFFEF7, lr;
	s5 =	simm.s32 $0xFFFFFFFF;
	p2 =	slt.u32 s8, $0xFFFFF086  }
0x1c: {  	p1 =	slt.u32 s9, $0xF7A;
	s5 =	simm.s32 @!p2 $0x0  }
0x1d: {  	s5 =	simm.s32 @p1 $0x1;
	p0 =	seq.s32 s7, s2  }
0x1e: {  	s7 =	smul.u32 @!p0 $0xF7A, s2;
	p2 =	seq.s32 @!p0 s5, $0x0  }
0x1f: {  	s9 =	smul.u32 $0xF7A, s1;
	s8 =	simm.s32 @!p0 $0x1BF5;
	p2 =	por !p2, p0  }
0x20: {  	[sflag:s8] =	ssyncset.s32 @!p0 $0xFFFFF086;
	s6 =	sadd.s32 @!p0 s3, s7;
	s7 =	simm.s32 @!p0 $0x108  }
0x21: {  	s3 =	sadd.s32 s3, s9;
	s6 =	sadd.s32 @!p0 $0x88, s6;
	s7 =	simm.s32 @p2 $0x1082  }
0x22: {  	[simem:s7], [sflag:s8] =	dma.local @!p0 [hbm:s6], $0xF7A  }
0x23: {  	s9 =	sor.u32 $0xD0000000, s2;
	s6 =	simm.s32 $0x108;
	_ =	swait.ge @!p0 [sflag:s8], $0x0  }
0x24: {  	s3 =	sadd.s32 $0x88, s3;
	s6 =	simm.s32 @!p1 $0x1082;
	[sflag:s4] =	ssyncset.s32 $0xFFFFF086  }
0x25: {  	[simem:s6], [sflag:s4] =	dma.local [hbm:s3], $0xF7A  }
0x26: {  	[smem:$0x3F96] =	sst s1;
	(tag) =	ssettag s2;
	_ =	strace s9  }
0x27: {  	s1 =	sld [smem:$0x3FA6]  }
0x28: {  	s2 =	sld [smem:$0x3FA7]  }
0x29: {  	s4 =	sld [smem:$0x3FA9]  }
0x2a: {  	p0 =	seq.s32 s5, $0x0;
	s5 =	sld [smem:$0x3FAA]  }
0x2b: {  	s6 =	sld [smem:$0x3FAB]  }
0x2c: {  	s7 =	sld [smem:$0x3FAC]  }
0x2d: {  	s3 =	simm.s32 $0x108;
	s8 =	sld [smem:$0x3FAD]  }
0x2e: {  	s3 =	simm.s32 @!p0 $0x1082;
	s9 =	sld [smem:$0x3FAE]  }
0x2f: {  	lr =	sadd.s32 s0, s3;
	s0 =	sld [smem:$0x3FA5]  }
0x30: {  	s3 =	sld [smem:$0x3FA8]  }
0x31: {  	[smem:$0x3FB1] =	sst s10  }
0x32: {  	s10 =	sld [smem:$0x3FAF];
	_ =	sdelay $0x3  }
0x33: {  	p0 =	seq.s32 s10, $0x1;
	s10 =	sld [smem:$0x3FB1];
	_ =	sdelay $0x3  }
0x34: {  	[smem:$0x3FB1] =	sst s10  }
0x35: {  	s10 =	sld [smem:$0x3FB0];
	_ =	sdelay $0x3  }
0x36: {  	p1 =	seq.s32 s10, $0x1;
	s10 =	sld [smem:$0x3FB1];
	_ =	sdelay $0x3  }
0x37: {  	[smem:$0x3FB1] =	sst s10  }
0x38: {  	s10 =	sld [smem:$0x3FB2]  }
0x39: {  	_ = 	snop;
	(pc) =	sbr.ind lr, $3  }
0x3a: {  	_ = 	snop  }
0x3b: {  	_ = 	snop  }
0x3c: {  	p2 =	seq.s32 s10, $0x1;
	s10 =	sld [smem:$0x3FB1]  }
0x3d: {  	_ =	shalt  }
0x3e: {  	_ =	shalt  }
0x3f: {  	_ =	shalt  }
0x40: {  	_ =	shalt  }
0x41: {  	_ =	shalt  }
0x42: {  	_ =	shalt  }
0x43: {  	_ =	shalt  }
0x44: {  	_ =	shalt  }
0x45: {  	_ =	shalt  }
0x46: {  	_ =	shalt  }
0x47: {  	_ =	shalt  }
0x48: {  	_ =	shalt  }
0x49: {  	_ =	shalt  }
0x4a: {  	_ =	shalt  }
0x4b: {  	_ =	shalt  }
0x4c: {  	_ =	shalt  }
0x4d: {  	_ =	shalt  }
0x4e: {  	_ =	shalt  }
0x4f: {  	_ =	shalt  }
0x50: {  	_ =	shalt  }
0x51: {  	_ =	shalt  }
0x52: {  	_ =	shalt  }
0x53: {  	_ =	shalt  }
0x54: {  	_ =	shalt  }
0x55: {  	_ =	shalt  }
0x56: {  	_ =	shalt  }
0x57: {  	_ =	shalt  }
0x58: {  	_ =	shalt  }
0x59: {  	_ =	shalt  }
0x5a: {  	_ =	shalt  }
0x5b: {  	_ =	shalt  }
0x5c: {  	_ =	shalt  }
0x5d: {  	_ =	shalt  }
0x5e: {  	_ =	shalt  }
0x5f: {  	_ =	shalt  }
0x60: {  	_ =	shalt  }
0x61: {  	_ =	shalt  }
0x62: {  	_ =	shalt  }
0x63: {  	_ =	shalt  }
0x64: {  	_ =	shalt  }
0x65: {  	_ =	shalt  }
0x66: {  	_ =	shalt  }
0x67: {  	_ =	shalt  }
0x68: {  	_ =	shalt  }
0x69: {  	_ =	shalt  }
0x6a: {  	_ =	shalt  }
0x6b: {  	_ =	shalt  }
0x6c: {  	_ =	shalt  }
0x6d: {  	_ =	shalt  }
0x6e: {  	_ =	shalt  }
0x6f: {  	_ =	shalt  }
0x70: {  	_ =	shalt  }
0x71: {  	_ =	shalt  }
0x72: {  	_ =	shalt  }
0x73: {  	_ =	shalt  }
0x74: {  	_ =	shalt  }
0x75: {  	_ =	shalt  }
0x76: {  	_ =	shalt  }
0x77: {  	_ =	shalt  }
0x78: {  	_ =	shalt  }
0x79: {  	_ =	shalt  }
0x7a: {  	_ =	shalt  }
0x7b: {  	_ =	shalt  }
0x7c: {  	_ =	shalt  }
0x7d: {  	_ =	shalt  }
0x7e: {  	_ =	shalt  }
0x7f: {  	_ =	shalt  }
0x80: {  	_ =	shalt  }
0x81: {  	_ =	shalt  }
0x82: {  	_ =	shalt  }
0x83: {  	_ =	shalt  }
0x84: {  	_ =	shalt  }
0x85: {  	_ =	shalt  }
0x86: {  	_ =	shalt  }
0x87: {  	_ =	shalt  }
.Lfunc_end0:
.L_simem_size_0:
called_computation_lowered:
.L_overlay_start_0:
0x88: {  	s2 =	sld [smem:$0x3FD9]  }
0x89: {  	s3 =	sld [smem:$0x3FFE];
	_ =	sdelay $0x1  }
0x8a: {  	s1 =	srdreg.scid  }
0x8b: {  	s0 =	sand.u32 $0x1, s1  }
0x8c: {  	s17 =	sshll.u32 s0, $0xA;
	s2 =	sadd.s32 s3, s2  }
0x8d: {  	s2 =	sadd.s32 s2, s17  }
0x8e: {  	[smem:$0x3FBD] =	sst s2  }
0x8f: {  	_ = 	snop  }
0x90: {  	s18 =	sld [smem:$0x3FC2]  }
0x91: {  	s6 =	sld [smem:$0x3FC1]  }
0x92: {  	s4 =	sld [smem:$0x3FC0]  }
0x93: {  	s5 =	sld [smem:$0x3FBF];
	(tm) =	ssettm $0x1  }
0x94: {  	s19 =	sld [smem:$0x3FFB];
	_ =	sdelay $0x3  }
0x95: {  	_ =	strace s19  }
0x96: {  	s2 =	sld [smem:$0x3FFC];
	_ =	sdelay $0x3  }
0x97: {  	_ =	strace s2  }
0x98: {  	s2 =	sld [smem:$0x3FFD];
	_ =	sdelay $0x3  }
0x99: {  	_ =	strace s2  }
0x9a: {  	_ =	strace $0x8FFFFFFF  }
0x9b: {  	s20 =	sld [smem:$0x3FDB];
	_ =	sdelay $0x1  }
0x9c: {  	s7 =	simm.s32 $_scs_section_size  }
0x9d: {  	s8 =	simm.s32 $_size__tile_overlayer_lowered;
	s9 =	simm.s32 $_tile_overlayer_lowered  }
0x9e: {  	s10 =	simm.s32 $0x1BFF;
	s21 =	sshll.u32 s9, $0x1;
	s7 =	sadd.s32 s7, s20  }
0x9f: {  	s22 =	simm.s32 $0x0;
	s8 =	sshll.u32 s8, $0x1;
	s9 =	sadd.s32 s21, s7  }
0xa0: {  	[timem:s22], [sflag:s10] =	dma.local [hbm:s9], s8  }
0xa1: {  	_ =	swait.ge [sflag:s10], s8  }
0xa2: {  	s8 =	ssub.s32 $0x0, s8;
	[sflag:s10] =	ssyncset.done $0x0  }
0xa3: {  	[sflag:s10] =	ssyncadd.s32 s8;
	_ =	sdelay $0x1  }
0xa4: {  	s23 =	simm.s32 $0x1B8B  }
0xa5: {  	_ =	swait.ge [sflag:s23], $0x1  }
0xa6: {  	[sflag:s23] =	ssyncset.done $0x0  }
0xa7: {  	[sflag:s23] =	ssyncadd.s32 $0xFFFFFFFF  }
0xa8: {  	s8 =	sld [smem:$0x0]  }
0xa9: {  	s9 =	sand.u32 $0xFFFFFFFE, s1  }
0xaa: {  	p0 =	sne.s32 s1, s9  }
0xab: {  	s9 =	sshll.u32 @p0 s9, $0xE  }
0xac: {  	s9 =	sadd.s32 @p0 $0x11B8D, s9;
	s10 =	sshll.u32 @p0 s8, $0x11  }
0xad: {  	s9 =	sor.u32 @p0 s10, s9  }
0xae: {  	[sflag:s9] =	ssyncadd.remote.s32 @p0 $0x1;
	_ =	sdelay $0x1  }
0xaf: {  	s9 =	simm.s32 @p0 $0x1B8D  }
0xb0: {  	_ =	swait.eq @p0 [sflag:s9], $0x1  }
0xb1: {  	[sflag:s9] =	ssyncadd.s32 @p0 $0xFFFFFFFF  }
0xb2: {  	s10 =	sshll.u32 @!p0 s1, $0xE  }
0xb3: {  	s10 =	sor.u32 @!p0 $0x4000, s10;
	s9 =	simm.s32 @!p0 $0x1B8D  }
0xb4: {  	s8 =	sshll.u32 @!p0 s8, $0x11;
	s10 =	sadd.s32 @!p0 $0x11B8D, s10;
	_ =	swait.eq @!p0 [sflag:s9], $0x1  }
0xb5: {  	s8 =	sor.u32 @!p0 s8, s10;
	[sflag:s9] =	ssyncadd.s32 @!p0 $0xFFFFFFFF  }
0xb6: {  	s25 =	simm.s32 $0x1B8E;
	s24 =	sld [smem:$0x3FFE];
	[sflag:s8] =	ssyncadd.remote.s32 @!p0 $0x1  }
0xb7: {  	s26 =	simm.s32 $execute0_lowered;
	[smem:$0x3FD2] =	sst s25  }
0xb8: {  	s9 =	sshll.u32 s26, $0x1;
	_ =	strace $0x80000049;
	[dreg:$0x1] =	wrdreg $0xFFFFFFFF  }
0xb9: {  	s28 =	simm.s32 $_size_execute0_lowered;
	s7 =	sadd.s32 s7, s9;
	[dreg:$0x0] =	wrdreg $0x0  }
0xba: {  	s9 =	sshll.u32 s28, $0x1;
	[dreg:$0x2] =	wrdreg s7  }
0xbb: {  	[dreg:$0x3] =	wrdreg s9  }
0xbc: {  	[dreg:$0x4] =	wrdreg $0xC0  }
0xbd: {  	_ =	task [dreg:s22], $0x5FFFF  }
0xbe: {  	[dreg:$0x1] =	wrdreg $0xFFFFFFFF  }
0xbf: {  	[dreg:$0x0] =	wrdreg $0x60  }
0xc0: {  	[dreg:$0x2] =	wrdreg s24  }
0xc1: {  	[dreg:$0x3] =	wrdreg s6  }
0xc2: {  	[dreg:$0x4] =	wrdreg s18  }
0xc3: {  	[dreg:$0x5] =	wrdreg s4  }
0xc4: {  	[dreg:$0x6] =	wrdreg s5  }
0xc5: {  	[dreg:$0x7] =	wrdreg $0x9  }
0xc6: {  	_ =	task.clear_ibuf [dreg:s22], $0x8FFFF;
	_ =	strace $0x90000049  }
0xc7: {  	s29 =	simm.s32 $0x9;
	_ =	strace $0x8000004B  }
0xc8: {  	_ =	swait.ge [sflag:s29], $0x1  }
0xc9: {  	[sflag:s29] =	ssyncadd.s32 $0xFFFFFFFF  }
0xca: {  	_ =	strace $0x9000004B  }
0xcb: {  	_ =	sfence  }
0xcc: {  	s30 =	sld [smem:$0x0];
	_ =	sdelay $0x2  }
0xcd: {  	s31 =	sshll.u32 s1, $0xD;
	s1 =	sshrl.u32 s1, $0x2  }
0xce: {  	s4 =	sand.u32 $0x4000, s31;
	s1 =	sadd.s32 s1, s30  }
0xcf: {  	s0 =	sor.u32 s4, s0;
	s1 =	sshll.u32 s1, $0x11  }
0xd0: {  	s0 =	sor.u32 s1, s0  }
0xd1: {  	s0 =	sadd.s32 $0x8F2B, s0  }
0xd2: {  	[sflag:s0] =	ssyncadd.remote.s32 $0x1  }
0xd3: {  	_ =	sfence.sel $0xFFFF  }
0xd4: {  	[dreg:$0x0] =	wrdreg $0xFFFFFFFF;
	(pc) =	sbr.abs _section_cstart, $3  }
0xd5: {  	[dreg:$0x1] =	wrdreg $0xFFFFFFFF  }
0xd6: {  	_ =	task.clear_ibuf [dreg:s22], $0x2FFFF;
	_ =	strace $0x9FFFFFFF  }
0xd7: {  	(tm) =	ssettm $0x7FFFFFFF  }
tec
execute0_lowered:
.L_overlay_start_1:
0x0: {  	(tag) =	ssettag $0x1  }
0x1: {  	s0 =	rddreg [dreg:$0x0]  }
0x2: {  	s2 =	rddreg [dreg:$0x2]  }
0x3: {  	s4 =	rddreg [dreg:$0x3]  }
0x4: {  	s1 =	srdreg.scid;
	s14 =	stileid.u32  }
0x5: {  	s5 =	rddreg [dreg:$0x4];
	s6 =	simm.s32 $0x0;
	s19 =	simm.s32 $0x2  }
0x6: {  	s30 =	simm.s32 $0x9180;
	s29 =	simm.s32 $0x9300;
	s28 =	simm.s32 $0x9400  }
0x7: {  	s31 =	simm.s32 $0xB280;
	s1 =	sand.u32 $0x1, s1;
	s3 =	sshll.u32 s14, $0x1  }
0x8: {  	[smem:$0x7FF] =	sst s6;
	s8 =	sadd.s32 $0x1D400, s0;
	s9 =	sadd.s32 $0x2D400, s0  }
0x9: {  	s23 =	smul.u32 $0xA00, s14;
	s26 =	sshll.u32 s14, $0xD;
	s3 =	sor.u32 s1, s3  }
0xa: {  	_ =	strace $0x8000004A;
	s12 =	ssub.s32 $0x2, s1;
	s25 =	smul.u32 $0x500, s1  }
0xb: {  	s1 =	sshll.u32 s1, $0xC;
	s7 =	sshll.u32 s3, $0x8;
	s11 =	smul.u32 $0x500, s3  }
0xc: {  	s3 =	sshll.u32 s3, $0x9;
	s13 =	sshrl.u32 s12, $0x1;
	s10 =	sadd.s32 s7, s0  }
0xd: {  	s7 =	sadd.s32 $0x35400, s0;
	s3 =	sadd.s32 s3, s0;
	s20 =	ssub.s32 s12, s13  }
0xe: {  	s13 =	sor.u32 s1, s26;
	s18 =	sadd.s32 s25, s23;
	s23 =	simm.s32 $0x80  }
0xf: {  	s26 =	simm.s32 $0x9100;
	s1 =	simm.s32 $0x9380;
	s21 =	sadd.s32 $0x25400, s3  }
0x10: {  	s25 =	simm.s32 $0x1;
	s22 =	sadd.s32 $0x29400, s3;
	[dreg:$0x6] =	wrdreg s21  }
0x11: {  	s11 =	sshrl.u32 s11, $0x3;
	s10 =	sadd.s32 $0x3D400, s10;
	[dreg:$0x7] =	wrdreg s22  }
0x12: {  	s24 =	sadd.s32 $0x40800, s3;
	s3 =	sadd.s32 $0x44800, s3;
	[dreg:$0x8] =	wrdreg s10  }
0x13: {  	s16 =	smax.u32 s20, $0x1;
	s20 =	simm.s32 $0x9480;
	[dreg:$0x9] =	wrdreg s24  }
0x14: {  	s0 =	sadd.s32 s11, s0;
	[dreg:$0xa] =	wrdreg s3;
	s21 =	simm.s32 $0x2000  }
0x15: {  	s22 =	simm.s32 $0x9080;
	s24 =	simm.s32 $0x9280;
	s3 =	simm.s32 $0x9500  }
0x16: {  	v0 =	vlaneseq.u32;
	s10 =	simm.s32 $0x0;
	s15 =	sadd.s32 $0x3F400, s0;
	s0 =	simm.s32 $0x9200  }
.LBB2_1:
0x17: {  	s11 =	rddreg [dreg:$0x6]  }
0x18: {  	[tilespmem:s6], [sflag:$0x2] =	stream.linear.gather [hbm4b:s11+s6], $0x1000, $0x38;
	[tilespmem:$0xBC80] =	vst v63  }
0x19: {  	_ =	swait.ge [sflag:s19], $0x1000  }
0x1a: {  	[sflag:s19] =	ssyncset.done $0x0  }
0x1b: {  	s12 =	simm.s32 $0x1000;
	s17 =	rddreg [dreg:$0x7];
	[sflag:s19] =	ssyncadd.s32 $0xFFFFF000  }
0x1c: {  	[tilespmem:s12], [sflag:$0x2] =	stream.linear.gather [hbm4b:s17+s6], $0x1000, $0x38;
	[tilespmem:$0xBC80] =	vst v63  }
0x1d: {  	_ =	swait.ge [sflag:s19], $0x1000  }
0x1e: {  	[sflag:s19] =	ssyncset.done $0x0  }
0x1f: {  	[sflag:s19] =	ssyncadd.s32 $0xFFFFF000  }
0x20: {  	s14 =	rddreg [dreg:$0x1]  }
0x21: {  	[tilespmem:s21], [sflag:$0x2] =	stream.linear.gather [hbm4b:s14+s6], $0x1080, $0x38;
	[tilespmem:$0xBC80] =	vst v63  }
0x22: {  	_ =	swait.ge [sflag:s19], $0x1080  }
0x23: {  	[sflag:s19] =	ssyncset.done $0x0  }
0x24: {  	s17 =	rddreg [dreg:$0x8];
	[sflag:s19] =	ssyncadd.s32 $0xFFFFEF80  }
0x25: {  	[tilespmem:s22], [sflag:$0x2] =	stream.linear.gather [hbm4b:s17+s6], $0x500, $0x38;
	[tilespmem:$0xBC80] =	vst v63  }
0x26: {  	_ =	swait.ge [sflag:s19], $0x500  }
0x27: {  	[sflag:s19] =	ssyncset.done $0x0  }
0x28: {  	s11 =	simm.s32 $0x0;
	[sflag:s19] =	ssyncadd.s32 $0xFFFFFB00  }
0x29: {  	v2 =	vld [tilespmem:s11+$0x0];
	_ =	sdelay $0x4  }
0x2a: {  	v3 =	vadd.s32 $0x1, v2  }
0x2b: {  	v1 =	vmov s13  }
0x2c: {  	v1 =	vshrl.u32 v1, $0x6  }
0x2d: {  	v4 =	vshll.u32 v1, $0x7  }
0x2e: {  	v4 =	vbroadcast v4, $0x0;
	v1 =	vld.idx.msk [tilespmem:v2+s21+$0x0], $0xffff  }
0x2f: {  	v5 =	vshrl.u32 v2, $0x6;
	v2 =	vand.u32 $0x3F, v2;
	v3 =	vld.idx.msk [tilespmem:v3+s21+$0x0], $0xffff  }
0x30: {  	v2 =	vor.u32 v2, v4  }
0x31: {  	v2 =	vor.u32 $0x40, v2  }
0x32: {  	[tilespmem:s11+$0x5080] =	vst v2;
	v2 =	vld [tilespmem:s11+$0x1000]  }
0x33: {  	v5 =	vadd.s32 v4, v5  }
0x34: {  	s12 =	simm.s32 $0x10;
	s14 =	simm.s32 $0x80;
	s17 =	smov.u32 s13;
	[tilespmem:s11+$0x4080] =	vst v5;
	v3 =	vsub.s32 v3, v1  }
.LBB2_2:
0x35: {  	p0 =	sne.s32 s14, $0x3FC0;
	v4 =	vld [tilespmem:s12+$0x0];
	v3 =	vcvt.s32.f32 v3;
	_ =	sdelay $0x1  }
0x36: {  	v2 =	vmul.f32 v3, v2  }
0x37: {  	s17 =	sadd.s32 $0x10, s17  }
0x38: {  	v3 =	vmov s17;
	v2 =	vtrunc.f32 v2  }
0x39: {  	v3 =	vshrl.u32 v3, $0x6;
	v5 =	vadd.s32 $0x1, v4;
	v2 =	vcvt.f32.s32 v2  }
0x3a: {  	v3 =	vshll.u32 v3, $0x7  }
0x3b: {  	v3 =	vbroadcast v3, $0x0;
	v1 =	vadd.s32 v2, v1  }
0x3c: {  	v6 =	vand.u32 $0x3F, v4;
	v2 =	vshrl.u32 v4, $0x6;
	[tilespmem:s11+$0x3080] =	vst v1;
	s11 =	smov.u32 s12  }
0x3d: {  	v2 =	vadd.s32 v3, v2;
	v3 =	vor.u32 v6, v3;
	v1 =	vld.idx.msk [tilespmem:v4+s21+$0x0], $0xffff  }
0x3e: {  	v4 =	vld.idx.msk [tilespmem:v5+s21+$0x0], $0xffff;
	[tilespmem:s11+$0x4080] =	vst v2;
	v2 =	vor.u32 $0x40, v3  }
0x3f: {  	[tilespmem:s11+$0x5080] =	vst v2  }
.Ltmp0:
0x40: {  	(pc) =	sbr.rel @p0 .LBB2_2-.Ltmp0, $3  }
0x41: {  	_ = 	snop  }
0x42: {  	v2 =	vld [tilespmem:s11+$0x1000];
	_ =	sdelay $0x1  }
0x43: {  	s12 =	sshra.s32 s14, $0x2;
	s14 =	sadd.s32 $0x40, s14;
	v3 =	vsub.s32 v4, v1  }
0x44: {  	v4 =	vld [tilespmem:s12+$0x0];
	v3 =	vcvt.s32.f32 v3;
	_ =	sdelay $0x1  }
0x45: {  	v2 =	vmul.f32 v3, v2;
	_ =	sdelay $0x1  }
0x46: {  	s14 =	sadd.s32 $0x10, s17;
	v2 =	vtrunc.f32 v2  }
0x47: {  	v3 =	vmov s14;
	v5 =	vadd.s32 $0x1, v4;
	v2 =	vcvt.f32.s32 v2  }
0x48: {  	v3 =	vshrl.u32 v3, $0x6  }
0x49: {  	v3 =	vshll.u32 v3, $0x7;
	v1 =	vadd.s32 v2, v1  }
0x4a: {  	v2 =	vbroadcast v3, $0x0;
	[tilespmem:s11+$0x3080] =	vst v1  }
0x4b: {  	v3 =	vand.u32 $0x3F, v4;
	v1 =	vshrl.u32 v4, $0x6;
	v4 =	vld.idx.msk [tilespmem:v4+s21+$0x0], $0xffff  }
0x4c: {  	v1 =	vadd.s32 v2, v1;
	v2 =	vor.u32 v3, v2;
	v3 =	vld.idx.msk [tilespmem:v5+s21+$0x0], $0xffff;
	_ =	sdelay $0x1  }
0x4d: {  	[tilespmem:s12+$0x4080] =	vst v1;
	v1 =	vor.u32 $0x40, v2  }
0x4e: {  	[tilespmem:s12+$0x5080] =	vst v1;
	v1 =	vld [tilespmem:s12+$0x1000];
	_ =	sdelay $0x1  }
0x4f: {  	v2 =	vsub.s32 v3, v4  }
0x50: {  	v2 =	vcvt.s32.f32 v2;
	_ =	sdelay $0x1  }
0x51: {  	v1 =	vmul.f32 v2, v1;
	_ =	sdelay $0x1  }
0x52: {  	v1 =	vtrunc.f32 v1  }
0x53: {  	v1 =	vcvt.f32.s32 v1;
	_ =	sdelay $0x1  }
0x54: {  	v1 =	vadd.s32 v1, v4  }
0x55: {  	s11 =	simm.s32 $0x0;
	[tilespmem:s12+$0x3080] =	vst v1;
	s12 =	simm.s32 $0x200  }
.LBB2_4:
0x56: {  	p0 =	sne.s32 s12, $0x3E00;
	s14 =	sadd.s32 $0x6080, s11;
	s17 =	sadd.s32 $0x3080, s11  }
0x57: {  	[tilespmem:s14], [sflag:$0x1] =	stream.indirect.gather [hbm4b:s2+s23], $0x1, s17, s23, $0xb8;
	[tilespmem:$0xBC80] =	vst v63  }
.Ltmp1:
0x58: {  	s14 =	sadd.s32 $0x7080, s11;
	s17 =	sadd.s32 $0x4080, s11;
	(pc) =	sbr.rel @p0 .LBB2_4-.Ltmp1, $4  }
0x59: {  	[tilespmem:s14], [sflag:$0x1] =	stream.indirect.gather [hbm4b:s9+s23], $0x1, s17, s23, $0xb8;
	[tilespmem:$0xBC80] =	vst v63  }
0x5a: {  	s14 =	sadd.s32 $0x8080, s11;
	s11 =	sadd.s32 $0x5080, s11  }
0x5b: {  	[tilespmem:s14], [sflag:$0x1] =	stream.indirect.gather [hbm4b:s9+s23], $0x1, s11, s23, $0xb8;
	[tilespmem:$0xBC80] =	vst v63  }
0x5c: {  	s11 =	sshra.s32 s12, $0x2;
	s12 =	sadd.s32 $0x200, s12  }
0x5d: {  	s12 =	sadd.s32 $0x6080, s11;
	s14 =	sadd.s32 $0x3080, s11  }
0x5e: {  	[tilespmem:s12], [sflag:$0x1] =	stream.indirect.gather [hbm4b:s2+s23], $0x1, s14, s23, $0xb8;
	[tilespmem:$0xBC80] =	vst v63  }
0x5f: {  	s17 =	sadd.s32 $0x4080, s11;
	s14 =	sadd.s32 $0x7080, s11  }
0x60: {  	[tilespmem:s14], [sflag:$0x1] =	stream.indirect.gather [hbm4b:s9+s23], $0x1, s17, s23, $0xb8;
	[tilespmem:$0xBC80] =	vst v63  }
0x61: {  	s14 =	sadd.s32 $0x8080, s11;
	s17 =	sadd.s32 $0x5080, s11  }
0x62: {  	[tilespmem:s14], [sflag:$0x1] =	stream.indirect.gather [hbm4b:s9+s23], $0x1, s17, s23, $0xb8;
	[tilespmem:$0xBC80] =	vst v63  }
0x63: {  	s14 =	simm.s32 $0x9880  }
0x64: {  	[tilespmem:s14], [sflag:$0x1] =	stream.indirect.gather [hbm4b:s4+s23], $0x1, s22, s23, $0xb8;
	[tilespmem:$0xBC80] =	vst v63  }
0x65: {  	s17 =	simm.s32 $0x9D80  }
0x66: {  	[tilespmem:s17], [sflag:$0x1] =	stream.indirect.gather [hbm4b:s5+s23], $0x1, s22, s23, $0xb8;
	[tilespmem:$0xBC80] =	vst v63  }
0x67: {  	s12 =	simm.s32 $0x9900  }
0x68: {  	[tilespmem:s12], [sflag:$0x1] =	stream.indirect.gather [hbm4b:s4+s23], $0x1, s26, s23, $0xb8;
	[tilespmem:$0xBC80] =	vst v63  }
0x69: {  	s14 =	simm.s32 $0x9E00  }
0x6a: {  	[tilespmem:s14], [sflag:$0x1] =	stream.indirect.gather [hbm4b:s5+s23], $0x1, s26, s23, $0xb8;
	[tilespmem:$0xBC80] =	vst v63  }
0x6b: {  	s17 =	simm.s32 $0x9980  }
0x6c: {  	[tilespmem:s17], [sflag:$0x1] =	stream.indirect.gather [hbm4b:s4+s23], $0x1, s30, s23, $0xb8;
	[tilespmem:$0xBC80] =	vst v63  }
0x6d: {  	s12 =	simm.s32 $0x9E80  }
0x6e: {  	[tilespmem:s12], [sflag:$0x1] =	stream.indirect.gather [hbm4b:s5+s23], $0x1, s30, s23, $0xb8;
	[tilespmem:$0xBC80] =	vst v63  }
0x6f: {  	s14 =	simm.s32 $0x9A00  }
0x70: {  	[tilespmem:s14], [sflag:$0x1] =	stream.indirect.gather [hbm4b:s4+s23], $0x1, s0, s23, $0xb8;
	[tilespmem:$0xBC80] =	vst v63  }
0x71: {  	s17 =	simm.s32 $0x9F00  }
0x72: {  	[tilespmem:s17], [sflag:$0x1] =	stream.indirect.gather [hbm4b:s5+s23], $0x1, s0, s23, $0xb8;
	[tilespmem:$0xBC80] =	vst v63  }
0x73: {  	s12 =	simm.s32 $0x9A80  }
0x74: {  	[tilespmem:s12], [sflag:$0x1] =	stream.indirect.gather [hbm4b:s4+s23], $0x1, s24, s23, $0xb8;
	[tilespmem:$0xBC80] =	vst v63  }
0x75: {  	s14 =	simm.s32 $0x9F80  }
0x76: {  	[tilespmem:s14], [sflag:$0x1] =	stream.indirect.gather [hbm4b:s5+s23], $0x1, s24, s23, $0xb8;
	[tilespmem:$0xBC80] =	vst v63  }
0x77: {  	s17 =	simm.s32 $0x9B00  }
0x78: {  	[tilespmem:s17], [sflag:$0x1] =	stream.indirect.gather [hbm4b:s4+s23], $0x1, s29, s23, $0xb8;
	[tilespmem:$0xBC80] =	vst v63  }
0x79: {  	s12 =	simm.s32 $0xA000  }
0x7a: {  	[tilespmem:s12], [sflag:$0x1] =	stream.indirect.gather [hbm4b:s5+s23], $0x1, s29, s23, $0xb8;
	[tilespmem:$0xBC80] =	vst v63  }
0x7b: {  	s14 =	simm.s32 $0x9B80  }
0x7c: {  	[tilespmem:s14], [sflag:$0x1] =	stream.indirect.gather [hbm4b:s4+s23], $0x1, s1, s23, $0xb8;
	[tilespmem:$0xBC80] =	vst v63  }
0x7d: {  	s17 =	simm.s32 $0xA080  }
0x7e: {  	[tilespmem:s17], [sflag:$0x1] =	stream.indirect.gather [hbm4b:s5+s23], $0x1, s1, s23, $0xb8;
	[tilespmem:$0xBC80] =	vst v63  }
0x7f: {  	s12 =	simm.s32 $0x9C00  }
0x80: {  	[tilespmem:s12], [sflag:$0x1] =	stream.indirect.gather [hbm4b:s4+s23], $0x1, s28, s23, $0xb8;
	[tilespmem:$0xBC80] =	vst v63  }
0x81: {  	s14 =	simm.s32 $0xA100  }
0x82: {  	[tilespmem:s14], [sflag:$0x1] =	stream.indirect.gather [hbm4b:s5+s23], $0x1, s28, s23, $0xb8;
	[tilespmem:$0xBC80] =	vst v63  }
0x83: {  	s17 =	simm.s32 $0x9C80  }
0x84: {  	[tilespmem:s17], [sflag:$0x1] =	stream.indirect.gather [hbm4b:s4+s23], $0x1, s20, s23, $0xb8;
	[tilespmem:$0xBC80] =	vst v63  }
0x85: {  	s12 =	simm.s32 $0xA180  }
0x86: {  	[tilespmem:s12], [sflag:$0x1] =	stream.indirect.gather [hbm4b:s5+s23], $0x1, s20, s23, $0xb8;
	[tilespmem:$0xBC80] =	vst v63  }
0x87: {  	s14 =	simm.s32 $0x9D00  }
0x88: {  	[tilespmem:s14], [sflag:$0x1] =	stream.indirect.gather [hbm4b:s4+s23], $0x1, s3, s23, $0xb8;
	[tilespmem:$0xBC80] =	vst v63  }
0x89: {  	s17 =	simm.s32 $0xA200  }
0x8a: {  	[tilespmem:s17], [sflag:$0x1] =	stream.indirect.gather [hbm4b:s5+s23], $0x1, s3, s23, $0xb8;
	[tilespmem:$0xBC80] =	vst v63  }
0x8b: {  	_ =	swait.ge [sflag:s25], $0x1000  }
0x8c: {  	[sflag:s25] =	ssyncset.done $0x0  }
0x8d: {  	[sflag:s25] =	ssyncadd.s32 $0xFFFFF000  }
0x8e: {  	_ =	swait.ge [sflag:s25], $0x1000  }
0x8f: {  	[sflag:s25] =	ssyncset.done $0x0  }
0x90: {  	[sflag:s25] =	ssyncadd.s32 $0xFFFFF000  }
0x91: {  	_ =	swait.ge [sflag:s25], $0x1000  }
0x92: {  	[sflag:s25] =	ssyncset.done $0x0  }
0x93: {  	[sflag:s25] =	ssyncadd.s32 $0xFFFFF000  }
0x94: {  	_ =	swait.ge [sflag:s25], $0x500  }
0x95: {  	[sflag:s25] =	ssyncset.done $0x0  }
0x96: {  	[sflag:s25] =	ssyncadd.s32 $0xFFFFFB00  }
0x97: {  	_ =	swait.ge [sflag:s25], $0x500  }
0x98: {  	v1 =	vor.u32 s18, v0;
	[sflag:s25] =	ssyncset.done $0x0  }
0x99: {  	v2 =	vmulhi.u32 $0xCCCCCCCD, v1;
	s11 =	simm.s32 $0x0;
	[sflag:s25] =	ssyncadd.s32 $0xFFFFFB00  }
0x9a: {  	v1 =	vld [tilespmem:s11+$0x9D80]  }
0x9b: {  	v3 =	vshrl.u32 v2, $0x4;
	v2 =	vld [tilespmem:s11+$0x9880];
	_ =	sdelay $0x2  }
0x9c: {  	v3 =	vshll.u32 v3, $0x7;
	s12 =	simm.s32 $0x40;
	s14 =	sadd.s32 $0x10, s18  }
.LBB2_6:
0x9d: {  	s17 =	sshra.s32 s12, $0x2;
	p0 =	sne.s32 s12, $0x13C0;
	s12 =	sadd.s32 $0x40, s12;
	v4 =	vadd.s32 v3, v1  }
.Ltmp2:
0x9e: {  	v5 =	vor.u32 s14, v0;
	v1 =	vld [tilespmem:s17+$0x9D80];
	v3 =	vadd.s32 v3, v2;
	[tilespmem:s11+$0xAA80] =	vst v4;
	(pc) =	sbr.rel @p0 .LBB2_6-.Ltmp2, $3  }
0x9f: {  	v4 =	vmulhi.u32 $0xCCCCCCCD, v5;
	v2 =	vld [tilespmem:s17+$0x9880];
	[tilespmem:s11+$0xA280] =	vst v3;
	s11 =	smov.u32 s17;
	_ =	sdelay $0x1  }
0xa0: {  	v3 =	vshrl.u32 v4, $0x4  }
0xa1: {  	s14 =	sadd.s32 $0x10, s14;
	v3 =	vshll.u32 v3, $0x7  }
0xa2: {  	v1 =	vadd.s32 v3, v1  }
0xa3: {  	v2 =	vadd.s32 v3, v2;
	[tilespmem:s11+$0xAA80] =	vst v1  }
0xa4: {  	s14 =	simm.s32 $0xA280;
	[tilespmem:s11+$0xA280] =	vst v2  }
0xa5: {  	[tilespmem:s31], [sflag:$0x1] =	stream.indirect.gather [hbm4b:s7+s23], $0x1, s14, s23, $0xb8;
	[tilespmem:$0xBC80] =	vst v63  }
0xa6: {  	s17 =	simm.s32 $0xAA80;
	s12 =	simm.s32 $0xB780  }
0xa7: {  	[tilespmem:s12], [sflag:$0x1] =	stream.indirect.gather [hbm4b:s8+s23], $0x1, s17, s23, $0xb8;
	[tilespmem:$0xBC80] =	vst v63  }
0xa8: {  	s14 =	simm.s32 $0xA300;
	s17 =	simm.s32 $0xB300  }
0xa9: {  	[tilespmem:s17], [sflag:$0x1] =	stream.indirect.gather [hbm4b:s7+s23], $0x1, s14, s23, $0xb8;
	[tilespmem:$0xBC80] =	vst v63  }
0xaa: {  	s14 =	simm.s32 $0xAB00;
	s17 =	simm.s32 $0xB800  }
0xab: {  	[tilespmem:s17], [sflag:$0x1] =	stream.indirect.gather [hbm4b:s8+s23], $0x1, s14, s23, $0xb8;
	[tilespmem:$0xBC80] =	vst v63  }
0xac: {  	s14 =	simm.s32 $0xA380;
	s17 =	simm.s32 $0xB380  }
0xad: {  	[tilespmem:s17], [sflag:$0x1] =	stream.indirect.gather [hbm4b:s7+s23], $0x1, s14, s23, $0xb8;
	[tilespmem:$0xBC80] =	vst v63  }
0xae: {  	s14 =	simm.s32 $0xAB80;
	s17 =	simm.s32 $0xB880  }
0xaf: {  	[tilespmem:s17], [sflag:$0x1] =	stream.indirect.gather [hbm4b:s8+s23], $0x1, s14, s23, $0xb8;
	[tilespmem:$0xBC80] =	vst v63  }
0xb0: {  	s14 =	simm.s32 $0xA400;
	s17 =	simm.s32 $0xB400  }
0xb1: {  	[tilespmem:s17], [sflag:$0x1] =	stream.indirect.gather [hbm4b:s7+s23], $0x1, s14, s23, $0xb8;
	[tilespmem:$0xBC80] =	vst v63  }
0xb2: {  	s14 =	simm.s32 $0xAC00;
	s17 =	simm.s32 $0xB900  }
0xb3: {  	[tilespmem:s17], [sflag:$0x1] =	stream.indirect.gather [hbm4b:s8+s23], $0x1, s14, s23, $0xb8;
	[tilespmem:$0xBC80] =	vst v63  }
0xb4: {  	s14 =	simm.s32 $0xA480;
	s17 =	simm.s32 $0xB480  }
0xb5: {  	[tilespmem:s17], [sflag:$0x1] =	stream.indirect.gather [hbm4b:s7+s23], $0x1, s14, s23, $0xb8;
	[tilespmem:$0xBC80] =	vst v63  }
0xb6: {  	s14 =	simm.s32 $0xAC80;
	s17 =	simm.s32 $0xB980  }
0xb7: {  	[tilespmem:s17], [sflag:$0x1] =	stream.indirect.gather [hbm4b:s8+s23], $0x1, s14, s23, $0xb8;
	[tilespmem:$0xBC80] =	vst v63  }
0xb8: {  	s14 =	simm.s32 $0xA500;
	s17 =	simm.s32 $0xB500  }
0xb9: {  	[tilespmem:s17], [sflag:$0x1] =	stream.indirect.gather [hbm4b:s7+s23], $0x1, s14, s23, $0xb8;
	[tilespmem:$0xBC80] =	vst v63  }
0xba: {  	s14 =	simm.s32 $0xAD00;
	s17 =	simm.s32 $0xBA00  }
0xbb: {  	[tilespmem:s17], [sflag:$0x1] =	stream.indirect.gather [hbm4b:s8+s23], $0x1, s14, s23, $0xb8;
	[tilespmem:$0xBC80] =	vst v63  }
0xbc: {  	s14 =	simm.s32 $0xA580;
	s17 =	simm.s32 $0xB580  }
0xbd: {  	[tilespmem:s17], [sflag:$0x1] =	stream.indirect.gather [hbm4b:s7+s23], $0x1, s14, s23, $0xb8;
	[tilespmem:$0xBC80] =	vst v63  }
0xbe: {  	s14 =	simm.s32 $0xAD80;
	s17 =	simm.s32 $0xBA80  }
0xbf: {  	[tilespmem:s17], [sflag:$0x1] =	stream.indirect.gather [hbm4b:s8+s23], $0x1, s14, s23, $0xb8;
	[tilespmem:$0xBC80] =	vst v63  }
0xc0: {  	s14 =	simm.s32 $0xA600;
	s17 =	simm.s32 $0xB600  }
0xc1: {  	[tilespmem:s17], [sflag:$0x1] =	stream.indirect.gather [hbm4b:s7+s23], $0x1, s14, s23, $0xb8;
	[tilespmem:$0xBC80] =	vst v63  }
0xc2: {  	s14 =	simm.s32 $0xAE00;
	s17 =	simm.s32 $0xBB00  }
0xc3: {  	[tilespmem:s17], [sflag:$0x1] =	stream.indirect.gather [hbm4b:s8+s23], $0x1, s14, s23, $0xb8;
	[tilespmem:$0xBC80] =	vst v63  }
0xc4: {  	s14 =	simm.s32 $0xA680;
	s17 =	simm.s32 $0xB680  }
0xc5: {  	[tilespmem:s17], [sflag:$0x1] =	stream.indirect.gather [hbm4b:s7+s23], $0x1, s14, s23, $0xb8;
	[tilespmem:$0xBC80] =	vst v63  }
0xc6: {  	s14 =	simm.s32 $0xAE80;
	s17 =	simm.s32 $0xBB80  }
0xc7: {  	[tilespmem:s17], [sflag:$0x1] =	stream.indirect.gather [hbm4b:s8+s23], $0x1, s14, s23, $0xb8;
	[tilespmem:$0xBC80] =	vst v63  }
0xc8: {  	s14 =	simm.s32 $0xA700;
	s17 =	simm.s32 $0xB700  }
0xc9: {  	[tilespmem:s17], [sflag:$0x1] =	stream.indirect.gather [hbm4b:s7+s23], $0x1, s14, s23, $0xb8;
	[tilespmem:$0xBC80] =	vst v63  }
0xca: {  	s11 =	simm.s32 $0x0;
	s14 =	simm.s32 $0xAF00;
	s17 =	simm.s32 $0xBC00  }
0xcb: {  	[tilespmem:s17], [sflag:$0x1] =	stream.indirect.gather [hbm4b:s8+s23], $0x1, s14, s23, $0xb8;
	[tilespmem:$0xBC80] =	vst v63  }
0xcc: {  	v1 =	vld [tilespmem:s11+$0x8080]  }
0xcd: {  	s12 =	simm.s32 $0x40;
	v2 =	vld [tilespmem:s11+$0x6080]  }
.LBB2_8:
0xce: {  	p0 =	sne.s32 s12, $0x3FC0;
	v3 =	vld [tilespmem:s11+$0x7080];
	_ =	sdelay $0x2  }
.Ltmp3:
0xcf: {  	(pc) =	sbr.rel @p0 .LBB2_8-.Ltmp3, $4  }
0xd0: {  	_ = 	snop  }
0xd1: {  	s14 =	sshra.s32 s12, $0x2;
	v2 =	vadd.s32 $0x1, v2;
	v3 =	vadd.f32 v1, v3  }
0xd2: {  	v1 =	vld [tilespmem:s14+$0x8080];
	[tilespmem:s11+$0x6080] =	vst v2  }
0xd3: {  	s12 =	sadd.s32 $0x40, s12;
	v2 =	vld [tilespmem:s14+$0x6080];
	[tilespmem:s11+$0x7080] =	vst v3;
	s11 =	smov.u32 s14  }
0xd4: {  	v3 =	vld [tilespmem:s11+$0x7080];
	_ =	sdelay $0x4  }
0xd5: {  	v2 =	vadd.s32 $0x1, v2;
	v1 =	vadd.f32 v1, v3  }
0xd6: {  	[tilespmem:s11+$0x6080] =	vst v2  }
0xd7: {  	s12 =	rddreg [dreg:$0x9];
	s14 =	simm.s32 $0x6080;
	[tilespmem:s11+$0x7080] =	vst v1;
	s11 =	simm.s32 $0x0  }
0xd8: {  	[hbm4b:s12+s11] =	stream.linear.scatter [tilespmem:s14], [sflag:$0x2], $0x1000, $0x38;
	[tilespmem:$0xBC80] =	vst v63  }
0xd9: {  	_ =	swait.ge [sflag:s19], $0x1000  }
0xda: {  	[sflag:s19] =	ssyncset.done $0x0  }
0xdb: {  	s17 =	simm.s32 $0x7080;
	s14 =	rddreg [dreg:$0xa];
	[sflag:s19] =	ssyncadd.s32 $0xFFFFF000  }
0xdc: {  	[hbm4b:s14+s11] =	stream.linear.scatter [tilespmem:s17], [sflag:$0x2], $0x1000, $0x38;
	[tilespmem:$0xBC80] =	vst v63  }
0xdd: {  	_ =	swait.ge [sflag:s19], $0x1000  }
0xde: {  	[sflag:s19] =	ssyncset.done $0x0  }
0xdf: {  	[sflag:s19] =	ssyncadd.s32 $0xFFFFF000  }
0xe0: {  	_ =	swait.ge [sflag:s25], $0x500  }
0xe1: {  	[sflag:s25] =	ssyncset.done $0x0  }
0xe2: {  	[sflag:s25] =	ssyncadd.s32 $0xFFFFFB00  }
0xe3: {  	_ =	swait.ge [sflag:s25], $0x500  }
0xe4: {  	[sflag:s25] =	ssyncset.done $0x0  }
0xe5: {  	s11 =	simm.s32 $0x0;
	[sflag:s25] =	ssyncadd.s32 $0xFFFFFB00  }
0xe6: {  	s12 =	simm.s32 $0x40;
	v1 =	vld [tilespmem:s11+$0xB780]  }
.LBB2_10:
0xe7: {  	p0 =	sne.s32 s12, $0x13C0;
	v2 =	vld [tilespmem:s11+$0xB280];
	_ =	sdelay $0x2  }
.Ltmp4:
0xe8: {  	(pc) =	sbr.rel @p0 .LBB2_10-.Ltmp4, $4  }
0xe9: {  	_ = 	snop  }
0xea: {  	v2 =	vadd.f32 v1, v2  }
0xeb: {  	s14 =	sshra.s32 s12, $0x2  }
0xec: {  	s12 =	sadd.s32 $0x40, s12;
	v1 =	vld [tilespmem:s14+$0xB780];
	[tilespmem:s11+$0xB280] =	vst v2;
	s11 =	smov.u32 s14  }
0xed: {  	v2 =	vld [tilespmem:s11+$0xB280];
	_ =	sdelay $0x4  }
0xee: {  	s10 =	sadd.s32 $0x1, s10;
	v1 =	vadd.f32 v1, v2  }
0xef: {  	p0 =	sne.s32 s10, s16  }
.Ltmp5:
0xf0: {  	[tilespmem:s11+$0xB280] =	vst v1;
	(pc) =	sbr.rel @p0 .LBB2_1-.Ltmp5, $4  }
0xf1: {  	[hbm4b:s15+s6] =	stream.linear.scatter [tilespmem:s31], [sflag:$0x2], $0x500, $0x38;
	[tilespmem:$0xBC80] =	vst v63  }
0xf2: {  	_ =	swait.ge [sflag:s19], $0x500  }
0xf3: {  	[sflag:s19] =	ssyncset.done $0x0  }
0xf4: {  	[sflag:s19] =	ssyncadd.s32 $0xFFFFFB00  }
0xf5: {  	_ =	sfence.sel $0x180000  }
0xf6: {  	[bflag:$0x0] =	sbarrier.arrive $0xFFFF  }
0xf7: {  	_ =	strace $0x9000004A  }
0xf8: {  	s0 =	stileid.u32;
	[bflag:$0x2] =	sbarrier.arrive $0xFFFF  }
0xf9: {  	p0 =	sne.s32 s0, $0x0;
	s0 =	rddreg [dreg:$0x5]  }
0xfa: {  	s0 =	sadd.s32 @!p0 $0x100000, s0  }
0xfb: {  	[sflag:s0] =	ssyncadd.tile.s32 @!p0 $0x1;
	_ =	shalt  }
.Lfunc_end2:
_tile_overlayer_lowered:
.L_overlay_start_2:
0xfc: {  	(tag) =	ssettag $0x2  }
0xfd: {  	s0 =	rddreg [dreg:$0x0];
	s2 =	stileid.u32  }
0xfe: {  	s1 =	rddreg [dreg:$0x1];
	p0 =	sne.s32 s2, $0x0  }
0xff: {  	s3 =	rddreg [dreg:$0x2];
	[bflag:$0x3] =	sbarrier.arrive $0xFFFF;
	s2 =	simm.s32 @!p0 $0x1C02  }
0x100: {  	[timem:s3], [sflag:s2] =	dma.local @!p0 [hbm:s0], s1  }
0x101: {  	s0 =	simm.s32 @!p0 $0x2  }
0x102: {  	_ =	swait.ge @!p0 [sflag:s0], s1  }
0x103: {  	s1 =	ssub.s32 @!p0 $0x0, s1;
	[sflag:s0] =	ssyncset.done @!p0 $0x0  }
0x104: {  	[sflag:s0] =	ssyncadd.s32 @!p0 s1  }
0x105: {  	[bflag:$0x3] =	sbarrier.arrive $0xFFFF  }
0x106: {  	_ =	shalt  }

// kernel: kernel.9.cloned.1.call-start
scs
__scs_entry_jumppad:
0x0: {  	(pc) =	sbr.rel $0x88, $3  }
0x1: {  	(tag) =	ssettag $0x0;
	lr =	simm.s32 $0x1  }
0x2: {  	[smem:$0x3F96] =	sst lr;
	_ =	strace $0xD0000000  }
0x3: {  	_ = 	snop  }
0x4: {  	_ = 	snop  }
0x5: {  	_ = 	snop  }
0x6: {  	_ = 	snop  }
0x7: {  	_ = 	snop  }
__scs_overlays_trampoline_lowered:
0x8: {  	[smem:$0x3FA5] =	sst s0  }
0x9: {  	[smem:$0x3FA6] =	sst s1  }
0xa: {  	[smem:$0x3FA7] =	sst s2  }
0xb: {  	[smem:$0x3FA8] =	sst s3  }
0xc: {  	[smem:$0x3FA9] =	sst s4  }
0xd: {  	[smem:$0x3FAA] =	sst s5  }
0xe: {  	[smem:$0x3FAB] =	sst s6  }
0xf: {  	[smem:$0x3FAC] =	sst s7  }
0x10: {  	[smem:$0x3FAD] =	sst s8  }
0x11: {  	[smem:$0x3FAE] =	sst s9;
	s0 =	simm.s32 @!p0 $0x0  }
0x12: {  	s1 =	sld [smem:$0x3F94];
	s0 =	simm.s32 @p0 $0x1  }
0x13: {  	[smem:$0x3FAF] =	sst s0;
	s0 =	simm.s32 @!p1 $0x0  }
0x14: {  	s2 =	sld [smem:$0x3F93];
	s0 =	simm.s32 @p1 $0x1  }
0x15: {  	[smem:$0x3FB0] =	sst s0;
	s0 =	simm.s32 @!p2 $0x0  }
0x16: {  	s3 =	sld [smem:$0x3FDB];
	s0 =	simm.s32 @p2 $0x1  }
0x17: {  	s4 =	simm.s32 $0x1BF5;
	[smem:$0x3FB2] =	sst s0  }
0x18: {  	s0 =	sld [smem:$0x3F95];
	_ =	swait.ge [sflag:s4], $0x0  }
0x19: {  	s7 =	sld [smem:$0x3F96]  }
0x1a: {  	s8 =	sadd.s32 $0xFFFFE003, lr  }
0x1b: {  	s9 =	sadd.s32 $0xFFFFFEF7, lr;
	s5 =	simm.s32 $0xFFFFFFFF;
	p2 =	slt.u32 s8, $0xFFFFF086  }
0x1c: {  	p1 =	slt.u32 s9, $0xF7A;
	s5 =	simm.s32 @!p2 $0x0  }
0x1d: {  	s5 =	simm.s32 @p1 $0x1;
	p0 =	seq.s32 s7, s2  }
0x1e: {  	s7 =	smul.u32 @!p0 $0xF7A, s2;
	p2 =	seq.s32 @!p0 s5, $0x0  }
0x1f: {  	s9 =	smul.u32 $0xF7A, s1;
	s8 =	simm.s32 @!p0 $0x1BF5;
	p2 =	por !p2, p0  }
0x20: {  	[sflag:s8] =	ssyncset.s32 @!p0 $0xFFFFF086;
	s6 =	sadd.s32 @!p0 s3, s7;
	s7 =	simm.s32 @!p0 $0x108  }
0x21: {  	s3 =	sadd.s32 s3, s9;
	s6 =	sadd.s32 @!p0 $0x88, s6;
	s7 =	simm.s32 @p2 $0x1082  }
0x22: {  	[simem:s7], [sflag:s8] =	dma.local @!p0 [hbm:s6], $0xF7A  }
0x23: {  	s9 =	sor.u32 $0xD0000000, s2;
	s6 =	simm.s32 $0x108;
	_ =	swait.ge @!p0 [sflag:s8], $0x0  }
0x24: {  	s3 =	sadd.s32 $0x88, s3;
	s6 =	simm.s32 @!p1 $0x1082;
	[sflag:s4] =	ssyncset.s32 $0xFFFFF086  }
0x25: {  	[simem:s6], [sflag:s4] =	dma.local [hbm:s3], $0xF7A  }
0x26: {  	[smem:$0x3F96] =	sst s1;
	(tag) =	ssettag s2;
	_ =	strace s9  }
0x27: {  	s1 =	sld [smem:$0x3FA6]  }
0x28: {  	s2 =	sld [smem:$0x3FA7]  }
0x29: {  	s4 =	sld [smem:$0x3FA9]  }
0x2a: {  	p0 =	seq.s32 s5, $0x0;
	s5 =	sld [smem:$0x3FAA]  }
0x2b: {  	s6 =	sld [smem:$0x3FAB]  }
0x2c: {  	s7 =	sld [smem:$0x3FAC]  }
0x2d: {  	s3 =	simm.s32 $0x108;
	s8 =	sld [smem:$0x3FAD]  }
0x2e: {  	s3 =	simm.s32 @!p0 $0x1082;
	s9 =	sld [smem:$0x3FAE]  }
0x2f: {  	lr =	sadd.s32 s0, s3;
	s0 =	sld [smem:$0x3FA5]  }
0x30: {  	s3 =	sld [smem:$0x3FA8]  }
0x31: {  	[smem:$0x3FB1] =	sst s10  }
0x32: {  	s10 =	sld [smem:$0x3FAF];
	_ =	sdelay $0x3  }
0x33: {  	p0 =	seq.s32 s10, $0x1;
	s10 =	sld [smem:$0x3FB1];
	_ =	sdelay $0x3  }
0x34: {  	[smem:$0x3FB1] =	sst s10  }
0x35: {  	s10 =	sld [smem:$0x3FB0];
	_ =	sdelay $0x3  }
0x36: {  	p1 =	seq.s32 s10, $0x1;
	s10 =	sld [smem:$0x3FB1];
	_ =	sdelay $0x3  }
0x37: {  	[smem:$0x3FB1] =	sst s10  }
0x38: {  	s10 =	sld [smem:$0x3FB2]  }
0x39: {  	_ = 	snop;
	(pc) =	sbr.ind lr, $3  }
0x3a: {  	_ = 	snop  }
0x3b: {  	_ = 	snop  }
0x3c: {  	p2 =	seq.s32 s10, $0x1;
	s10 =	sld [smem:$0x3FB1]  }
0x3d: {  	_ =	shalt  }
0x3e: {  	_ =	shalt  }
0x3f: {  	_ =	shalt  }
0x40: {  	_ =	shalt  }
0x41: {  	_ =	shalt  }
0x42: {  	_ =	shalt  }
0x43: {  	_ =	shalt  }
0x44: {  	_ =	shalt  }
0x45: {  	_ =	shalt  }
0x46: {  	_ =	shalt  }
0x47: {  	_ =	shalt  }
0x48: {  	_ =	shalt  }
0x49: {  	_ =	shalt  }
0x4a: {  	_ =	shalt  }
0x4b: {  	_ =	shalt  }
0x4c: {  	_ =	shalt  }
0x4d: {  	_ =	shalt  }
0x4e: {  	_ =	shalt  }
0x4f: {  	_ =	shalt  }
0x50: {  	_ =	shalt  }
0x51: {  	_ =	shalt  }
0x52: {  	_ =	shalt  }
0x53: {  	_ =	shalt  }
0x54: {  	_ =	shalt  }
0x55: {  	_ =	shalt  }
0x56: {  	_ =	shalt  }
0x57: {  	_ =	shalt  }
0x58: {  	_ =	shalt  }
0x59: {  	_ =	shalt  }
0x5a: {  	_ =	shalt  }
0x5b: {  	_ =	shalt  }
0x5c: {  	_ =	shalt  }
0x5d: {  	_ =	shalt  }
0x5e: {  	_ =	shalt  }
0x5f: {  	_ =	shalt  }
0x60: {  	_ =	shalt  }
0x61: {  	_ =	shalt  }
0x62: {  	_ =	shalt  }
0x63: {  	_ =	shalt  }
0x64: {  	_ =	shalt  }
0x65: {  	_ =	shalt  }
0x66: {  	_ =	shalt  }
0x67: {  	_ =	shalt  }
0x68: {  	_ =	shalt  }
0x69: {  	_ =	shalt  }
0x6a: {  	_ =	shalt  }
0x6b: {  	_ =	shalt  }
0x6c: {  	_ =	shalt  }
0x6d: {  	_ =	shalt  }
0x6e: {  	_ =	shalt  }
0x6f: {  	_ =	shalt  }
0x70: {  	_ =	shalt  }
0x71: {  	_ =	shalt  }
0x72: {  	_ =	shalt  }
0x73: {  	_ =	shalt  }
0x74: {  	_ =	shalt  }
0x75: {  	_ =	shalt  }
0x76: {  	_ =	shalt  }
0x77: {  	_ =	shalt  }
0x78: {  	_ =	shalt  }
0x79: {  	_ =	shalt  }
0x7a: {  	_ =	shalt  }
0x7b: {  	_ =	shalt  }
0x7c: {  	_ =	shalt  }
0x7d: {  	_ =	shalt  }
0x7e: {  	_ =	shalt  }
0x7f: {  	_ =	shalt  }
0x80: {  	_ =	shalt  }
0x81: {  	_ =	shalt  }
0x82: {  	_ =	shalt  }
0x83: {  	_ =	shalt  }
0x84: {  	_ =	shalt  }
0x85: {  	_ =	shalt  }
0x86: {  	_ =	shalt  }
0x87: {  	_ =	shalt  }
.Lfunc_end0:
.L_simem_size_0:
called_computation.1_lowered:
.L_overlay_start_0:
0x88: {  	s2 =	sld [smem:$0x3FD9]  }
0x89: {  	s3 =	sld [smem:$0x3FFE];
	_ =	sdelay $0x1  }
0x8a: {  	s1 =	srdreg.scid  }
0x8b: {  	s0 =	sand.u32 $0x1, s1  }
0x8c: {  	s14 =	sshll.u32 s0, $0xA;
	s2 =	sadd.s32 s3, s2  }
0x8d: {  	s2 =	sadd.s32 s2, s14  }
0x8e: {  	[smem:$0x3FBD] =	sst s2  }
0x8f: {  	_ = 	snop  }
0x90: {  	s2 =	sld [smem:$0x3FC2]  }
0x91: {  	s15 =	sld [smem:$0x3FD0]  }
0x92: {  	s4 =	sld [smem:$0x3FC1]  }
0x93: {  	s5 =	sld [smem:$0x3FC0]  }
0x94: {  	s7 =	simm.s32 $0xB;
	s8 =	simm.s32 $0x10;
	s6 =	sld [smem:$0x3FBF]  }
0x95: {  	[smem:s8], [sflag:s7] =	dma.local [hbm:s15], $0x1  }
0x96: {  	_ =	swait.eq [sflag:s7], $0x1  }
0x97: {  	s16 =	sld [smem:$0x10];
	[sflag:s7] =	ssyncset.done $0x0  }
0x98: {  	s17 =	sld [smem:$0x11];
	[sflag:s7] =	ssyncadd.s32 $0xFFFFFFFF  }
0x99: {  	s18 =	sld [smem:$0x12];
	(tm) =	ssettm $0x1  }
0x9a: {  	s9 =	sld [smem:$0x3FFB];
	_ =	sdelay $0x3  }
0x9b: {  	_ =	strace s9  }
0x9c: {  	s9 =	sld [smem:$0x3FFC];
	_ =	sdelay $0x3  }
0x9d: {  	_ =	strace s9  }
0x9e: {  	s9 =	sld [smem:$0x3FFD];
	_ =	sdelay $0x3  }
0x9f: {  	_ =	strace s9  }
0xa0: {  	_ =	strace $0x8FFFFFFF  }
0xa1: {  	s19 =	sld [smem:$0x3FDB];
	_ =	sdelay $0x1  }
0xa2: {  	s10 =	simm.s32 $_scs_section_size  }
0xa3: {  	s11 =	simm.s32 $_size__tile_overlayer_lowered;
	s12 =	simm.s32 $_tile_overlayer_lowered  }
0xa4: {  	s22 =	simm.s32 $0x1BFF;
	s21 =	sshll.u32 s12, $0x1;
	s9 =	sadd.s32 s10, s19  }
0xa5: {  	s13 =	simm.s32 $0x0;
	s20 =	sshll.u32 s11, $0x1;
	s11 =	sadd.s32 s21, s9  }
0xa6: {  	[timem:s13], [sflag:s22] =	dma.local [hbm:s11], s20  }
0xa7: {  	_ =	swait.ge [sflag:s22], s20  }
0xa8: {  	s10 =	ssub.s32 $0x0, s20;
	[sflag:s22] =	ssyncset.done $0x0  }
0xa9: {  	[sflag:s22] =	ssyncadd.s32 s10;
	_ =	sdelay $0x1  }
0xaa: {  	s23 =	simm.s32 $0x1B8B  }
0xab: {  	_ =	swait.ge [sflag:s23], $0x1  }
0xac: {  	[sflag:s23] =	ssyncset.done $0x0  }
0xad: {  	s25 =	simm.s32 $0x1B8E;
	s24 =	sld [smem:$0x3FFE];
	[sflag:s23] =	ssyncadd.s32 $0xFFFFFFFF  }
0xae: {  	s26 =	simm.s32 $execute0_lowered;
	[smem:$0x3FD2] =	sst s25  }
0xaf: {  	s11 =	sshll.u32 s26, $0x1;
	_ =	strace $0x80000046;
	[dreg:$0x1] =	wrdreg $0xFFFFFFFF  }
0xb0: {  	s28 =	simm.s32 $_size_execute0_lowered;
	s9 =	sadd.s32 s9, s11;
	[dreg:$0x0] =	wrdreg $0x0  }
0xb1: {  	s11 =	sshll.u32 s28, $0x1;
	[dreg:$0x2] =	wrdreg s9  }
0xb2: {  	[dreg:$0x3] =	wrdreg s11  }
0xb3: {  	[dreg:$0x4] =	wrdreg $0xC0  }
0xb4: {  	_ =	task [dreg:s13], $0x5FFFF  }
0xb5: {  	[dreg:$0x1] =	wrdreg $0xFFFFFFFF  }
0xb6: {  	[dreg:$0x0] =	wrdreg $0x60  }
0xb7: {  	[dreg:$0x2] =	wrdreg s24  }
0xb8: {  	[dreg:$0x3] =	wrdreg s4  }
0xb9: {  	[dreg:$0x4] =	wrdreg s2  }
0xba: {  	[dreg:$0x5] =	wrdreg s16  }
0xbb: {  	[dreg:$0x6] =	wrdreg s5  }
0xbc: {  	[dreg:$0x7] =	wrdreg s6  }
0xbd: {  	[dreg:$0x8] =	wrdreg s18  }
0xbe: {  	[dreg:$0x9] =	wrdreg s17  }
0xbf: {  	[dreg:$0xa] =	wrdreg $0xA  }
0xc0: {  	_ =	task.clear_ibuf [dreg:s13], $0xBFFFF;
	_ =	strace $0x90000046  }
0xc1: {  	s29 =	simm.s32 $0xA;
	_ =	strace $0x80000048  }
0xc2: {  	_ =	swait.ge [sflag:s29], $0x1  }
0xc3: {  	[sflag:s29] =	ssyncadd.s32 $0xFFFFFFFF  }
0xc4: {  	_ =	strace $0x90000048  }
0xc5: {  	_ =	sfence  }
0xc6: {  	s30 =	sld [smem:$0x0];
	_ =	sdelay $0x2  }
0xc7: {  	s31 =	sshll.u32 s1, $0xD;
	s1 =	sshrl.u32 s1, $0x2  }
0xc8: {  	s3 =	sand.u32 $0x4000, s31;
	s1 =	sadd.s32 s1, s30  }
0xc9: {  	s0 =	sor.u32 s3, s0;
	s1 =	sshll.u32 s1, $0x11  }
0xca: {  	s0 =	sor.u32 s1, s0  }
0xcb: {  	s0 =	sadd.s32 $0x8F2B, s0  }
0xcc: {  	[sflag:s0] =	ssyncadd.remote.s32 $0x1  }
0xcd: {  	_ =	sfence.sel $0xFFFF  }
0xce: {  	[dreg:$0x0] =	wrdreg $0xFFFFFFFF;
	(pc) =	sbr.abs _section_cstart, $3  }
0xcf: {  	[dreg:$0x1] =	wrdreg $0xFFFFFFFF  }
0xd0: {  	_ =	task.clear_ibuf [dreg:s13], $0x2FFFF;
	_ =	strace $0x9FFFFFFF  }
0xd1: {  	(tm) =	ssettm $0x7FFFFFFF  }
tec
execute0_lowered:
.L_overlay_start_1:
0x0: {  	(tag) =	ssettag $0x1  }
0x1: {  	s0 =	rddreg [dreg:$0x0]  }
0x2: {  	s1 =	rddreg [dreg:$0x2]  }
0x3: {  	s2 =	rddreg [dreg:$0x3]  }
0x4: {  	s3 =	rddreg [dreg:$0x4]  }
0x5: {  	s4 =	rddreg [dreg:$0x5]  }
0x6: {  	s6 =	rddreg [dreg:$0x6]  }
0x7: {  	s5 =	srdreg.scid;
	s14 =	stileid.u32  }
0x8: {  	s7 =	rddreg [dreg:$0x7];
	s8 =	simm.s32 $0x0;
	s30 =	simm.s32 $0x9180  }
0x9: {  	s29 =	simm.s32 $0x9300;
	s28 =	simm.s32 $0x9400;
	s31 =	simm.s32 $0xB280  }
0xa: {  	s5 =	sand.u32 $0x1, s5;
	s9 =	sshll.u32 s14, $0x1;
	[smem:$0x7FF] =	sst s8  }
0xb: {  	s22 =	smul.u32 $0xA00, s14;
	s26 =	sshll.u32 s14, $0xD;
	s10 =	sor.u32 s5, s9  }
0xc: {  	_ =	strace $0x80000047;
	s9 =	sadd.s32 $0x4000, s0;
	s25 =	smul.u32 $0x500, s5  }
0xd: {  	s13 =	ssub.s32 $0x2, s5;
	s5 =	sshll.u32 s5, $0xC;
	s11 =	smul.u32 $0x500, s10  }
0xe: {  	s12 =	sshll.u32 s10, $0x9;
	s19 =	sshrl.u32 s13, $0x1;
	s10 =	sshll.u32 s10, $0x8  }
0xf: {  	s12 =	sadd.s32 s12, s0;
	s2 =	sadd.s32 s2, s10;
	s18 =	sadd.s32 s25, s22  }
0x10: {  	s22 =	simm.s32 $0x9080;
	s25 =	simm.s32 $0x1;
	s10 =	simm.s32 $0x0  }
0x11: {  	s11 =	sshrl.u32 s11, $0x3;
	s20 =	sadd.s32 $0xC000, s12;
	[dreg:$0xb] =	wrdreg s2  }
0x12: {  	s21 =	sadd.s32 $0x10000, s12;
	s23 =	sadd.s32 $0x15400, s12;
	[dreg:$0x9] =	wrdreg s20  }
0x13: {  	s24 =	sadd.s32 $0x19400, s12;
	s2 =	simm.s32 $0x9200;
	[dreg:$0xa] =	wrdreg s21  }
0x14: {  	s0 =	sadd.s32 s11, s0;
	s11 =	ssub.s32 s13, s19;
	[dreg:$0xc] =	wrdreg s23  }
0x15: {  	[dreg:$0xd] =	wrdreg s24;
	s13 =	sor.u32 s5, s26;
	s19 =	simm.s32 $0x2  }
0x16: {  	s21 =	simm.s32 $0x2000;
	s23 =	simm.s32 $0x80;
	s26 =	simm.s32 $0x9100  }
0x17: {  	s24 =	simm.s32 $0x9280;
	s20 =	simm.s32 $0x9480;
	s5 =	simm.s32 $0x9500  }
0x18: {  	v0 =	vlaneseq.u32;
	s15 =	sadd.s32 $0x14000, s0;
	s16 =	smax.u32 s11, $0x1;
	s0 =	simm.s32 $0x9380  }
.LBB2_1:
0x19: {  	s11 =	rddreg [dreg:$0x9]  }
0x1a: {  	[tilespmem:s8], [sflag:$0x2] =	stream.linear.gather [hbm4b:s11+s8], $0x1000, $0x38;
	[tilespmem:$0xBC80] =	vst v63  }
0x1b: {  	_ =	swait.ge [sflag:s19], $0x1000  }
0x1c: {  	[sflag:s19] =	ssyncset.done $0x0  }
0x1d: {  	s12 =	simm.s32 $0x1000;
	s17 =	rddreg [dreg:$0xa];
	[sflag:s19] =	ssyncadd.s32 $0xFFFFF000  }
0x1e: {  	[tilespmem:s12], [sflag:$0x2] =	stream.linear.gather [hbm4b:s17+s8], $0x1000, $0x38;
	[tilespmem:$0xBC80] =	vst v63  }
0x1f: {  	_ =	swait.ge [sflag:s19], $0x1000  }
0x20: {  	[sflag:s19] =	ssyncset.done $0x0  }
0x21: {  	[sflag:s19] =	ssyncadd.s32 $0xFFFFF000  }
0x22: {  	s14 =	rddreg [dreg:$0x1]  }
0x23: {  	[tilespmem:s21], [sflag:$0x2] =	stream.linear.gather [hbm4b:s14+s8], $0x1080, $0x38;
	[tilespmem:$0xBC80] =	vst v63  }
0x24: {  	_ =	swait.ge [sflag:s19], $0x1080  }
0x25: {  	[sflag:s19] =	ssyncset.done $0x0  }
0x26: {  	s17 =	rddreg [dreg:$0xb];
	[sflag:s19] =	ssyncadd.s32 $0xFFFFEF80  }
0x27: {  	[tilespmem:s22], [sflag:$0x2] =	stream.linear.gather [hbm4b:s17+s8], $0x500, $0x38;
	[tilespmem:$0xBC80] =	vst v63  }
0x28: {  	_ =	swait.ge [sflag:s19], $0x500  }
0x29: {  	[sflag:s19] =	ssyncset.done $0x0  }
0x2a: {  	s11 =	simm.s32 $0x0;
	[sflag:s19] =	ssyncadd.s32 $0xFFFFFB00  }
0x2b: {  	v2 =	vld [tilespmem:s11+$0x0];
	_ =	sdelay $0x4  }
0x2c: {  	v3 =	vadd.s32 $0x1, v2  }
0x2d: {  	v1 =	vmov s13  }
0x2e: {  	v1 =	vshrl.u32 v1, $0x6  }
0x2f: {  	v4 =	vshll.u32 v1, $0x7  }
0x30: {  	v4 =	vbroadcast v4, $0x0;
	v1 =	vld.idx.msk [tilespmem:v2+s21+$0x0], $0xffff  }
0x31: {  	v5 =	vshrl.u32 v2, $0x6;
	v2 =	vand.u32 $0x3F, v2;
	v3 =	vld.idx.msk [tilespmem:v3+s21+$0x0], $0xffff  }
0x32: {  	v2 =	vor.u32 v2, v4  }
0x33: {  	v2 =	vor.u32 $0x40, v2  }
0x34: {  	[tilespmem:s11+$0x5080] =	vst v2;
	v2 =	vld [tilespmem:s11+$0x1000]  }
0x35: {  	v5 =	vadd.s32 v4, v5  }
0x36: {  	s12 =	simm.s32 $0x10;
	s14 =	simm.s32 $0x80;
	s17 =	smov.u32 s13;
	[tilespmem:s11+$0x4080] =	vst v5;
	v3 =	vsub.s32 v3, v1  }
.LBB2_2:
0x37: {  	p0 =	sne.s32 s14, $0x3FC0;
	v4 =	vld [tilespmem:s12+$0x0];
	v3 =	vcvt.s32.f32 v3;
	_ =	sdelay $0x1  }
0x38: {  	v2 =	vmul.f32 v3, v2  }
0x39: {  	s17 =	sadd.s32 $0x10, s17  }
0x3a: {  	v3 =	vmov s17;
	v2 =	vtrunc.f32 v2  }
0x3b: {  	v3 =	vshrl.u32 v3, $0x6;
	v5 =	vadd.s32 $0x1, v4;
	v2 =	vcvt.f32.s32 v2  }
0x3c: {  	v3 =	vshll.u32 v3, $0x7  }
0x3d: {  	v3 =	vbroadcast v3, $0x0;
	v1 =	vadd.s32 v2, v1  }
0x3e: {  	v6 =	vand.u32 $0x3F, v4;
	v2 =	vshrl.u32 v4, $0x6;
	[tilespmem:s11+$0x3080] =	vst v1;
	s11 =	smov.u32 s12  }
0x3f: {  	v2 =	vadd.s32 v3, v2;
	v3 =	vor.u32 v6, v3;
	v1 =	vld.idx.msk [tilespmem:v4+s21+$0x0], $0xffff  }
0x40: {  	v4 =	vld.idx.msk [tilespmem:v5+s21+$0x0], $0xffff;
	[tilespmem:s11+$0x4080] =	vst v2;
	v2 =	vor.u32 $0x40, v3  }
0x41: {  	[tilespmem:s11+$0x5080] =	vst v2  }
.Ltmp0:
0x42: {  	(pc) =	sbr.rel @p0 .LBB2_2-.Ltmp0, $3  }
0x43: {  	_ = 	snop  }
0x44: {  	v2 =	vld [tilespmem:s11+$0x1000];
	_ =	sdelay $0x1  }
0x45: {  	s12 =	sshra.s32 s14, $0x2;
	s14 =	sadd.s32 $0x40, s14;
	v3 =	vsub.s32 v4, v1  }
0x46: {  	v4 =	vld [tilespmem:s12+$0x0];
	v3 =	vcvt.s32.f32 v3;
	_ =	sdelay $0x1  }
0x47: {  	v2 =	vmul.f32 v3, v2;
	_ =	sdelay $0x1  }
0x48: {  	s14 =	sadd.s32 $0x10, s17;
	v2 =	vtrunc.f32 v2  }
0x49: {  	v3 =	vmov s14;
	v5 =	vadd.s32 $0x1, v4;
	v2 =	vcvt.f32.s32 v2  }
0x4a: {  	v3 =	vshrl.u32 v3, $0x6  }
0x4b: {  	v3 =	vshll.u32 v3, $0x7;
	v1 =	vadd.s32 v2, v1  }
0x4c: {  	v2 =	vbroadcast v3, $0x0;
	[tilespmem:s11+$0x3080] =	vst v1  }
0x4d: {  	v3 =	vand.u32 $0x3F, v4;
	v1 =	vshrl.u32 v4, $0x6;
	v4 =	vld.idx.msk [tilespmem:v4+s21+$0x0], $0xffff  }
0x4e: {  	v1 =	vadd.s32 v2, v1;
	v2 =	vor.u32 v3, v2;
	v3 =	vld.idx.msk [tilespmem:v5+s21+$0x0], $0xffff;
	_ =	sdelay $0x1  }
0x4f: {  	[tilespmem:s12+$0x4080] =	vst v1;
	v1 =	vor.u32 $0x40, v2  }
0x50: {  	[tilespmem:s12+$0x5080] =	vst v1;
	v1 =	vld [tilespmem:s12+$0x1000];
	_ =	sdelay $0x1  }
0x51: {  	v2 =	vsub.s32 v3, v4  }
0x52: {  	v2 =	vcvt.s32.f32 v2;
	_ =	sdelay $0x1  }
0x53: {  	v1 =	vmul.f32 v2, v1;
	_ =	sdelay $0x1  }
0x54: {  	v1 =	vtrunc.f32 v1  }
0x55: {  	v1 =	vcvt.f32.s32 v1;
	_ =	sdelay $0x1  }
0x56: {  	v1 =	vadd.s32 v1, v4  }
0x57: {  	s11 =	simm.s32 $0x0;
	[tilespmem:s12+$0x3080] =	vst v1;
	s12 =	simm.s32 $0x200  }
.LBB2_4:
0x58: {  	p0 =	sne.s32 s12, $0x3E00;
	s14 =	sadd.s32 $0x6080, s11;
	s17 =	sadd.s32 $0x3080, s11  }
0x59: {  	[tilespmem:s14], [sflag:$0x1] =	stream.indirect.gather [hbm4b:s1+s23], $0x1, s17, s23, $0xb8;
	[tilespmem:$0xBC80] =	vst v63  }
.Ltmp1:
0x5a: {  	s14 =	sadd.s32 $0x7080, s11;
	s17 =	sadd.s32 $0x4080, s11;
	(pc) =	sbr.rel @p0 .LBB2_4-.Ltmp1, $4  }
0x5b: {  	[tilespmem:s14], [sflag:$0x1] =	stream.indirect.gather [hbm4b:s9+s23], $0x1, s17, s23, $0xb8;
	[tilespmem:$0xBC80] =	vst v63  }
0x5c: {  	s14 =	sadd.s32 $0x8080, s11;
	s11 =	sadd.s32 $0x5080, s11  }
0x5d: {  	[tilespmem:s14], [sflag:$0x1] =	stream.indirect.gather [hbm4b:s9+s23], $0x1, s11, s23, $0xb8;
	[tilespmem:$0xBC80] =	vst v63  }
0x5e: {  	s11 =	sshra.s32 s12, $0x2;
	s12 =	sadd.s32 $0x200, s12  }
0x5f: {  	s12 =	sadd.s32 $0x6080, s11;
	s14 =	sadd.s32 $0x3080, s11  }
0x60: {  	[tilespmem:s12], [sflag:$0x1] =	stream.indirect.gather [hbm4b:s1+s23], $0x1, s14, s23, $0xb8;
	[tilespmem:$0xBC80] =	vst v63  }
0x61: {  	s17 =	sadd.s32 $0x4080, s11;
	s14 =	sadd.s32 $0x7080, s11  }
0x62: {  	[tilespmem:s14], [sflag:$0x1] =	stream.indirect.gather [hbm4b:s9+s23], $0x1, s17, s23, $0xb8;
	[tilespmem:$0xBC80] =	vst v63  }
0x63: {  	s14 =	sadd.s32 $0x8080, s11;
	s17 =	sadd.s32 $0x5080, s11  }
0x64: {  	[tilespmem:s14], [sflag:$0x1] =	stream.indirect.gather [hbm4b:s9+s23], $0x1, s17, s23, $0xb8;
	[tilespmem:$0xBC80] =	vst v63  }
0x65: {  	s14 =	simm.s32 $0x9880  }
0x66: {  	[tilespmem:s14], [sflag:$0x1] =	stream.indirect.gather [hbm4b:s3+s23], $0x1, s22, s23, $0xb8;
	[tilespmem:$0xBC80] =	vst v63  }
0x67: {  	s17 =	simm.s32 $0x9D80  }
0x68: {  	[tilespmem:s17], [sflag:$0x1] =	stream.indirect.gather [hbm4b:s4+s23], $0x1, s22, s23, $0xb8;
	[tilespmem:$0xBC80] =	vst v63  }
0x69: {  	s12 =	simm.s32 $0x9900  }
0x6a: {  	[tilespmem:s12], [sflag:$0x1] =	stream.indirect.gather [hbm4b:s3+s23], $0x1, s26, s23, $0xb8;
	[tilespmem:$0xBC80] =	vst v63  }
0x6b: {  	s14 =	simm.s32 $0x9E00  }
0x6c: {  	[tilespmem:s14], [sflag:$0x1] =	stream.indirect.gather [hbm4b:s4+s23], $0x1, s26, s23, $0xb8;
	[tilespmem:$0xBC80] =	vst v63  }
0x6d: {  	s17 =	simm.s32 $0x9980  }
0x6e: {  	[tilespmem:s17], [sflag:$0x1] =	stream.indirect.gather [hbm4b:s3+s23], $0x1, s30, s23, $0xb8;
	[tilespmem:$0xBC80] =	vst v63  }
0x6f: {  	s12 =	simm.s32 $0x9E80  }
0x70: {  	[tilespmem:s12], [sflag:$0x1] =	stream.indirect.gather [hbm4b:s4+s23], $0x1, s30, s23, $0xb8;
	[tilespmem:$0xBC80] =	vst v63  }
0x71: {  	s14 =	simm.s32 $0x9A00  }
0x72: {  	[tilespmem:s14], [sflag:$0x1] =	stream.indirect.gather [hbm4b:s3+s23], $0x1, s2, s23, $0xb8;
	[tilespmem:$0xBC80] =	vst v63  }
0x73: {  	s17 =	simm.s32 $0x9F00  }
0x74: {  	[tilespmem:s17], [sflag:$0x1] =	stream.indirect.gather [hbm4b:s4+s23], $0x1, s2, s23, $0xb8;
	[tilespmem:$0xBC80] =	vst v63  }
0x75: {  	s12 =	simm.s32 $0x9A80  }
0x76: {  	[tilespmem:s12], [sflag:$0x1] =	stream.indirect.gather [hbm4b:s3+s23], $0x1, s24, s23, $0xb8;
	[tilespmem:$0xBC80] =	vst v63  }
0x77: {  	s14 =	simm.s32 $0x9F80  }
0x78: {  	[tilespmem:s14], [sflag:$0x1] =	stream.indirect.gather [hbm4b:s4+s23], $0x1, s24, s23, $0xb8;
	[tilespmem:$0xBC80] =	vst v63  }
0x79: {  	s17 =	simm.s32 $0x9B00  }
0x7a: {  	[tilespmem:s17], [sflag:$0x1] =	stream.indirect.gather [hbm4b:s3+s23], $0x1, s29, s23, $0xb8;
	[tilespmem:$0xBC80] =	vst v63  }
0x7b: {  	s12 =	simm.s32 $0xA000  }
0x7c: {  	[tilespmem:s12], [sflag:$0x1] =	stream.indirect.gather [hbm4b:s4+s23], $0x1, s29, s23, $0xb8;
	[tilespmem:$0xBC80] =	vst v63  }
0x7d: {  	s14 =	simm.s32 $0x9B80  }
0x7e: {  	[tilespmem:s14], [sflag:$0x1] =	stream.indirect.gather [hbm4b:s3+s23], $0x1, s0, s23, $0xb8;
	[tilespmem:$0xBC80] =	vst v63  }
0x7f: {  	s17 =	simm.s32 $0xA080  }
0x80: {  	[tilespmem:s17], [sflag:$0x1] =	stream.indirect.gather [hbm4b:s4+s23], $0x1, s0, s23, $0xb8;
	[tilespmem:$0xBC80] =	vst v63  }
0x81: {  	s12 =	simm.s32 $0x9C00  }
0x82: {  	[tilespmem:s12], [sflag:$0x1] =	stream.indirect.gather [hbm4b:s3+s23], $0x1, s28, s23, $0xb8;
	[tilespmem:$0xBC80] =	vst v63  }
0x83: {  	s14 =	simm.s32 $0xA100  }
0x84: {  	[tilespmem:s14], [sflag:$0x1] =	stream.indirect.gather [hbm4b:s4+s23], $0x1, s28, s23, $0xb8;
	[tilespmem:$0xBC80] =	vst v63  }
0x85: {  	s17 =	simm.s32 $0x9C80  }
0x86: {  	[tilespmem:s17], [sflag:$0x1] =	stream.indirect.gather [hbm4b:s3+s23], $0x1, s20, s23, $0xb8;
	[tilespmem:$0xBC80] =	vst v63  }
0x87: {  	s12 =	simm.s32 $0xA180  }
0x88: {  	[tilespmem:s12], [sflag:$0x1] =	stream.indirect.gather [hbm4b:s4+s23], $0x1, s20, s23, $0xb8;
	[tilespmem:$0xBC80] =	vst v63  }
0x89: {  	s14 =	simm.s32 $0x9D00  }
0x8a: {  	[tilespmem:s14], [sflag:$0x1] =	stream.indirect.gather [hbm4b:s3+s23], $0x1, s5, s23, $0xb8;
	[tilespmem:$0xBC80] =	vst v63  }
0x8b: {  	s17 =	simm.s32 $0xA200  }
0x8c: {  	[tilespmem:s17], [sflag:$0x1] =	stream.indirect.gather [hbm4b:s4+s23], $0x1, s5, s23, $0xb8;
	[tilespmem:$0xBC80] =	vst v63  }
0x8d: {  	_ =	swait.ge [sflag:s25], $0x1000  }
0x8e: {  	[sflag:s25] =	ssyncset.done $0x0  }
0x8f: {  	[sflag:s25] =	ssyncadd.s32 $0xFFFFF000  }
0x90: {  	_ =	swait.ge [sflag:s25], $0x1000  }
0x91: {  	[sflag:s25] =	ssyncset.done $0x0  }
0x92: {  	[sflag:s25] =	ssyncadd.s32 $0xFFFFF000  }
0x93: {  	_ =	swait.ge [sflag:s25], $0x1000  }
0x94: {  	[sflag:s25] =	ssyncset.done $0x0  }
0x95: {  	[sflag:s25] =	ssyncadd.s32 $0xFFFFF000  }
0x96: {  	_ =	swait.ge [sflag:s25], $0x500  }
0x97: {  	[sflag:s25] =	ssyncset.done $0x0  }
0x98: {  	[sflag:s25] =	ssyncadd.s32 $0xFFFFFB00  }
0x99: {  	_ =	swait.ge [sflag:s25], $0x500  }
0x9a: {  	v1 =	vor.u32 s18, v0;
	[sflag:s25] =	ssyncset.done $0x0  }
0x9b: {  	v2 =	vmulhi.u32 $0xCCCCCCCD, v1;
	s11 =	simm.s32 $0x0;
	[sflag:s25] =	ssyncadd.s32 $0xFFFFFB00  }
0x9c: {  	v1 =	vld [tilespmem:s11+$0x9D80]  }
0x9d: {  	v3 =	vshrl.u32 v2, $0x4;
	v2 =	vld [tilespmem:s11+$0x9880];
	_ =	sdelay $0x2  }
0x9e: {  	v3 =	vshll.u32 v3, $0x7;
	s12 =	simm.s32 $0x40;
	s14 =	sadd.s32 $0x10, s18  }
.LBB2_6:
0x9f: {  	s17 =	sshra.s32 s12, $0x2;
	p0 =	sne.s32 s12, $0x13C0;
	s12 =	sadd.s32 $0x40, s12;
	v4 =	vadd.s32 v3, v1  }
.Ltmp2:
0xa0: {  	v5 =	vor.u32 s14, v0;
	v1 =	vld [tilespmem:s17+$0x9D80];
	v3 =	vadd.s32 v3, v2;
	[tilespmem:s11+$0xAA80] =	vst v4;
	(pc) =	sbr.rel @p0 .LBB2_6-.Ltmp2, $3  }
0xa1: {  	v4 =	vmulhi.u32 $0xCCCCCCCD, v5;
	v2 =	vld [tilespmem:s17+$0x9880];
	[tilespmem:s11+$0xA280] =	vst v3;
	s11 =	smov.u32 s17;
	_ =	sdelay $0x1  }
0xa2: {  	v3 =	vshrl.u32 v4, $0x4  }
0xa3: {  	s14 =	sadd.s32 $0x10, s14;
	v3 =	vshll.u32 v3, $0x7  }
0xa4: {  	v1 =	vadd.s32 v3, v1  }
0xa5: {  	v2 =	vadd.s32 v3, v2;
	[tilespmem:s11+$0xAA80] =	vst v1  }
0xa6: {  	s14 =	simm.s32 $0xA280;
	[tilespmem:s11+$0xA280] =	vst v2  }
0xa7: {  	[tilespmem:s31], [sflag:$0x1] =	stream.indirect.gather [hbm4b:s6+s23], $0x1, s14, s23, $0xb8;
	[tilespmem:$0xBC80] =	vst v63  }
0xa8: {  	s17 =	simm.s32 $0xAA80;
	s12 =	simm.s32 $0xB780  }
0xa9: {  	[tilespmem:s12], [sflag:$0x1] =	stream.indirect.gather [hbm4b:s7+s23], $0x1, s17, s23, $0xb8;
	[tilespmem:$0xBC80] =	vst v63  }
0xaa: {  	s14 =	simm.s32 $0xA300;
	s17 =	simm.s32 $0xB300  }
0xab: {  	[tilespmem:s17], [sflag:$0x1] =	stream.indirect.gather [hbm4b:s6+s23], $0x1, s14, s23, $0xb8;
	[tilespmem:$0xBC80] =	vst v63  }
0xac: {  	s14 =	simm.s32 $0xAB00;
	s17 =	simm.s32 $0xB800  }
0xad: {  	[tilespmem:s17], [sflag:$0x1] =	stream.indirect.gather [hbm4b:s7+s23], $0x1, s14, s23, $0xb8;
	[tilespmem:$0xBC80] =	vst v63  }
0xae: {  	s14 =	simm.s32 $0xA380;
	s17 =	simm.s32 $0xB380  }
0xaf: {  	[tilespmem:s17], [sflag:$0x1] =	stream.indirect.gather [hbm4b:s6+s23], $0x1, s14, s23, $0xb8;
	[tilespmem:$0xBC80] =	vst v63  }
0xb0: {  	s14 =	simm.s32 $0xAB80;
	s17 =	simm.s32 $0xB880  }
0xb1: {  	[tilespmem:s17], [sflag:$0x1] =	stream.indirect.gather [hbm4b:s7+s23], $0x1, s14, s23, $0xb8;
	[tilespmem:$0xBC80] =	vst v63  }
0xb2: {  	s14 =	simm.s32 $0xA400;
	s17 =	simm.s32 $0xB400  }
0xb3: {  	[tilespmem:s17], [sflag:$0x1] =	stream.indirect.gather [hbm4b:s6+s23], $0x1, s14, s23, $0xb8;
	[tilespmem:$0xBC80] =	vst v63  }
0xb4: {  	s14 =	simm.s32 $0xAC00;
	s17 =	simm.s32 $0xB900  }
0xb5: {  	[tilespmem:s17], [sflag:$0x1] =	stream.indirect.gather [hbm4b:s7+s23], $0x1, s14, s23, $0xb8;
	[tilespmem:$0xBC80] =	vst v63  }
0xb6: {  	s14 =	simm.s32 $0xA480;
	s17 =	simm.s32 $0xB480  }
0xb7: {  	[tilespmem:s17], [sflag:$0x1] =	stream.indirect.gather [hbm4b:s6+s23], $0x1, s14, s23, $0xb8;
	[tilespmem:$0xBC80] =	vst v63  }
0xb8: {  	s14 =	simm.s32 $0xAC80;
	s17 =	simm.s32 $0xB980  }
0xb9: {  	[tilespmem:s17], [sflag:$0x1] =	stream.indirect.gather [hbm4b:s7+s23], $0x1, s14, s23, $0xb8;
	[tilespmem:$0xBC80] =	vst v63  }
0xba: {  	s14 =	simm.s32 $0xA500;
	s17 =	simm.s32 $0xB500  }
0xbb: {  	[tilespmem:s17], [sflag:$0x1] =	stream.indirect.gather [hbm4b:s6+s23], $0x1, s14, s23, $0xb8;
	[tilespmem:$0xBC80] =	vst v63  }
0xbc: {  	s14 =	simm.s32 $0xAD00;
	s17 =	simm.s32 $0xBA00  }
0xbd: {  	[tilespmem:s17], [sflag:$0x1] =	stream.indirect.gather [hbm4b:s7+s23], $0x1, s14, s23, $0xb8;
	[tilespmem:$0xBC80] =	vst v63  }
0xbe: {  	s14 =	simm.s32 $0xA580;
	s17 =	simm.s32 $0xB580  }
0xbf: {  	[tilespmem:s17], [sflag:$0x1] =	stream.indirect.gather [hbm4b:s6+s23], $0x1, s14, s23, $0xb8;
	[tilespmem:$0xBC80] =	vst v63  }
0xc0: {  	s14 =	simm.s32 $0xAD80;
	s17 =	simm.s32 $0xBA80  }
0xc1: {  	[tilespmem:s17], [sflag:$0x1] =	stream.indirect.gather [hbm4b:s7+s23], $0x1, s14, s23, $0xb8;
	[tilespmem:$0xBC80] =	vst v63  }
0xc2: {  	s14 =	simm.s32 $0xA600;
	s17 =	simm.s32 $0xB600  }
0xc3: {  	[tilespmem:s17], [sflag:$0x1] =	stream.indirect.gather [hbm4b:s6+s23], $0x1, s14, s23, $0xb8;
	[tilespmem:$0xBC80] =	vst v63  }
0xc4: {  	s14 =	simm.s32 $0xAE00;
	s17 =	simm.s32 $0xBB00  }
0xc5: {  	[tilespmem:s17], [sflag:$0x1] =	stream.indirect.gather [hbm4b:s7+s23], $0x1, s14, s23, $0xb8;
	[tilespmem:$0xBC80] =	vst v63  }
0xc6: {  	s14 =	simm.s32 $0xA680;
	s17 =	simm.s32 $0xB680  }
0xc7: {  	[tilespmem:s17], [sflag:$0x1] =	stream.indirect.gather [hbm4b:s6+s23], $0x1, s14, s23, $0xb8;
	[tilespmem:$0xBC80] =	vst v63  }
0xc8: {  	s14 =	simm.s32 $0xAE80;
	s17 =	simm.s32 $0xBB80  }
0xc9: {  	[tilespmem:s17], [sflag:$0x1] =	stream.indirect.gather [hbm4b:s7+s23], $0x1, s14, s23, $0xb8;
	[tilespmem:$0xBC80] =	vst v63  }
0xca: {  	s14 =	simm.s32 $0xA700;
	s17 =	simm.s32 $0xB700  }
0xcb: {  	[tilespmem:s17], [sflag:$0x1] =	stream.indirect.gather [hbm4b:s6+s23], $0x1, s14, s23, $0xb8;
	[tilespmem:$0xBC80] =	vst v63  }
0xcc: {  	s11 =	simm.s32 $0x0;
	s14 =	simm.s32 $0xAF00;
	s17 =	simm.s32 $0xBC00  }
0xcd: {  	[tilespmem:s17], [sflag:$0x1] =	stream.indirect.gather [hbm4b:s7+s23], $0x1, s14, s23, $0xb8;
	[tilespmem:$0xBC80] =	vst v63  }
0xce: {  	v1 =	vld [tilespmem:s11+$0x8080]  }
0xcf: {  	s12 =	simm.s32 $0x40;
	v2 =	vld [tilespmem:s11+$0x6080]  }
.LBB2_8:
0xd0: {  	p0 =	sne.s32 s12, $0x3FC0;
	v3 =	vld [tilespmem:s11+$0x7080];
	_ =	sdelay $0x2  }
.Ltmp3:
0xd1: {  	(pc) =	sbr.rel @p0 .LBB2_8-.Ltmp3, $4  }
0xd2: {  	_ = 	snop  }
0xd3: {  	s14 =	sshra.s32 s12, $0x2;
	v2 =	vadd.s32 $0x1, v2;
	v3 =	vadd.f32 v1, v3  }
0xd4: {  	v1 =	vld [tilespmem:s14+$0x8080];
	[tilespmem:s11+$0x6080] =	vst v2  }
0xd5: {  	s12 =	sadd.s32 $0x40, s12;
	v2 =	vld [tilespmem:s14+$0x6080];
	[tilespmem:s11+$0x7080] =	vst v3;
	s11 =	smov.u32 s14  }
0xd6: {  	v3 =	vld [tilespmem:s11+$0x7080];
	_ =	sdelay $0x4  }
0xd7: {  	v2 =	vadd.s32 $0x1, v2;
	v1 =	vadd.f32 v1, v3  }
0xd8: {  	[tilespmem:s11+$0x6080] =	vst v2  }
0xd9: {  	s12 =	rddreg [dreg:$0xc];
	s14 =	simm.s32 $0x6080;
	[tilespmem:s11+$0x7080] =	vst v1;
	s11 =	simm.s32 $0x0  }
0xda: {  	[hbm4b:s12+s11] =	stream.linear.scatter [tilespmem:s14], [sflag:$0x2], $0x1000, $0x38;
	[tilespmem:$0xBC80] =	vst v63  }
0xdb: {  	_ =	swait.ge [sflag:s19], $0x1000  }
0xdc: {  	[sflag:s19] =	ssyncset.done $0x0  }
0xdd: {  	s17 =	simm.s32 $0x7080;
	s14 =	rddreg [dreg:$0xd];
	[sflag:s19] =	ssyncadd.s32 $0xFFFFF000  }
0xde: {  	[hbm4b:s14+s11] =	stream.linear.scatter [tilespmem:s17], [sflag:$0x2], $0x1000, $0x38;
	[tilespmem:$0xBC80] =	vst v63  }
0xdf: {  	_ =	swait.ge [sflag:s19], $0x1000  }
0xe0: {  	[sflag:s19] =	ssyncset.done $0x0  }
0xe1: {  	[sflag:s19] =	ssyncadd.s32 $0xFFFFF000  }
0xe2: {  	_ =	swait.ge [sflag:s25], $0x500  }
0xe3: {  	[sflag:s25] =	ssyncset.done $0x0  }
0xe4: {  	[sflag:s25] =	ssyncadd.s32 $0xFFFFFB00  }
0xe5: {  	_ =	swait.ge [sflag:s25], $0x500  }
0xe6: {  	[sflag:s25] =	ssyncset.done $0x0  }
0xe7: {  	s11 =	simm.s32 $0x0;
	[sflag:s25] =	ssyncadd.s32 $0xFFFFFB00  }
0xe8: {  	s12 =	simm.s32 $0x40;
	v1 =	vld [tilespmem:s11+$0xB780]  }
.LBB2_10:
0xe9: {  	p0 =	sne.s32 s12, $0x13C0;
	v2 =	vld [tilespmem:s11+$0xB280];
	_ =	sdelay $0x2  }
.Ltmp4:
0xea: {  	(pc) =	sbr.rel @p0 .LBB2_10-.Ltmp4, $4  }
0xeb: {  	_ = 	snop  }
0xec: {  	v2 =	vadd.f32 v1, v2  }
0xed: {  	s14 =	sshra.s32 s12, $0x2  }
0xee: {  	s12 =	sadd.s32 $0x40, s12;
	v1 =	vld [tilespmem:s14+$0xB780];
	[tilespmem:s11+$0xB280] =	vst v2;
	s11 =	smov.u32 s14  }
0xef: {  	v2 =	vld [tilespmem:s11+$0xB280];
	_ =	sdelay $0x4  }
0xf0: {  	s10 =	sadd.s32 $0x1, s10;
	v1 =	vadd.f32 v1, v2  }
0xf1: {  	p0 =	sne.s32 s10, s16  }
.Ltmp5:
0xf2: {  	[tilespmem:s11+$0xB280] =	vst v1;
	(pc) =	sbr.rel @p0 .LBB2_1-.Ltmp5, $4  }
0xf3: {  	[hbm4b:s15+s8] =	stream.linear.scatter [tilespmem:s31], [sflag:$0x2], $0x500, $0x38;
	[tilespmem:$0xBC80] =	vst v63  }
0xf4: {  	_ =	swait.ge [sflag:s19], $0x500  }
0xf5: {  	[sflag:s19] =	ssyncset.done $0x0  }
0xf6: {  	[sflag:s19] =	ssyncadd.s32 $0xFFFFFB00  }
0xf7: {  	_ =	sfence.sel $0x180000  }
0xf8: {  	[bflag:$0x0] =	sbarrier.arrive $0xFFFF  }
0xf9: {  	_ =	strace $0x90000047  }
0xfa: {  	s0 =	stileid.u32;
	[bflag:$0x2] =	sbarrier.arrive $0xFFFF  }
0xfb: {  	p0 =	sne.s32 s0, $0x0;
	s0 =	rddreg [dreg:$0x8]  }
0xfc: {  	s0 =	sadd.s32 @!p0 $0x100000, s0  }
0xfd: {  	[sflag:s0] =	ssyncadd.tile.s32 @!p0 $0x1;
	_ =	shalt  }
.Lfunc_end2:
_tile_overlayer_lowered:
.L_overlay_start_2:
0xfe: {  	(tag) =	ssettag $0x2  }
0xff: {  	s0 =	rddreg [dreg:$0x0];
	s2 =	stileid.u32  }
0x100: {  	s1 =	rddreg [dreg:$0x1];
	p0 =	sne.s32 s2, $0x0  }
0x101: {  	s3 =	rddreg [dreg:$0x2];
	[bflag:$0x3] =	sbarrier.arrive $0xFFFF;
	s2 =	simm.s32 @!p0 $0x1C02  }
0x102: {  	[timem:s3], [sflag:s2] =	dma.local @!p0 [hbm:s0], s1  }
0x103: {  	s0 =	simm.s32 @!p0 $0x2  }
0x104: {  	_ =	swait.ge @!p0 [sflag:s0], s1  }
0x105: {  	s1 =	ssub.s32 @!p0 $0x0, s1;
	[sflag:s0] =	ssyncset.done @!p0 $0x0  }
0x106: {  	[sflag:s0] =	ssyncadd.s32 @!p0 s1  }
0x107: {  	[bflag:$0x3] =	sbarrier.arrive $0xFFFF  }
0x108: {  	_ =	shalt  }

</sc_bundles>
